<compile_context>
chip_gen: v7x
topology: tpu7x:2x2x1
jax: 0.10.2.dev20260603
libtpu: 0.0.44.dev20260713+nightly
codegen_flags: <defaults>
</compile_context>

<pallas_src>
import functools

import jax
import jax.numpy as jnp
from jax import lax
from jax.experimental import pallas as pl
from jax.experimental.pallas import tpu as pltpu
from jax.experimental.pallas import tpu_sc as plsc

B = 4096
L = 200
F = 32
NDIM = 8
VPAD = 128
NFIELD = 6

NC, NS = 2, 16
NW = NC * NS
UB = B // NW
HALF = L // 2

STARTS = tuple(range(0, L - 16, 16)) + (L - 16,)


_BLK = 1024


def _user_proj_body(idx_ref, tab_ref, w_ref, b_ref, u_ref):
    acc = jnp.zeros((_BLK, F), jnp.float32) + b_ref[...]
    iota = lax.broadcasted_iota(jnp.int32, (_BLK, VPAD), 1)
    for j in range(NFIELD):
        idx = idx_ref[j, :]
        oh = (iota == idx[:, None]).astype(jnp.float32)
        feats = jnp.dot(oh, tab_ref[pl.ds(VPAD * j, VPAD), :],
                        preferred_element_type=jnp.float32)
        acc = acc + jnp.dot(feats, w_ref[pl.ds(NDIM * j, NDIM), :],
                            preferred_element_type=jnp.float32)
    u_ref[...] = acc


def _user_proj(users_t, tables, W, b2):
    return pl.pallas_call(
        _user_proj_body,
        grid=(B // _BLK,),
        in_specs=[
            pl.BlockSpec((NFIELD, _BLK), lambda i: (0, i)),
            pl.BlockSpec((NFIELD * VPAD, NDIM), lambda i: (0, 0)),
            pl.BlockSpec((NFIELD * NDIM, F), lambda i: (0, 0)),
            pl.BlockSpec((1, F), lambda i: (0, 0)),
        ],
        out_specs=pl.BlockSpec((_BLK, F), lambda i: (i, 0)),
        out_shape=jax.ShapeDtypeStruct((B, F), jnp.float32),
    )(users_t, tables, W, b2)


_PC = 32000


def _pack_body(t_ref, o_ref):
    bits = lax.bitcast_convert_type(t_ref[...], jnp.uint32)
    r = (bits + 0x8000) >> 16
    packed = r[:16, :] | (r[16:, :] << 16)
    pt = jnp.swapaxes(packed, 0, 1)
    q = _PC // 8
    o_ref[...] = lax.bitcast_convert_type(
        jnp.concatenate([pt[j * q:(j + 1) * q] for j in range(8)],
                        axis=1), jnp.float32)


def _pack_table(table_t):
    n = table_t.shape[1]
    steps = (n + _PC - 1) // _PC
    return pl.pallas_call(
        _pack_body,
        grid=(steps,),
        in_specs=[pl.BlockSpec((F, _PC), lambda i: (0, i))],
        out_specs=pl.BlockSpec((_PC // 8, 128), lambda i: (i, 0)),
        out_shape=jax.ShapeDtypeStruct((steps * _PC // 8, 128), jnp.float32),
    )(table_t)


_MESH = plsc.VectorSubcoreMesh(core_axis_name="c", subcore_axis_name="s",
                               num_cores=NC, num_subcores=NS)


@functools.partial(
    pl.kernel,
    mesh=_MESH,
    out_type=jax.ShapeDtypeStruct((B, L), jnp.float32),
    scratch_types=[
        pltpu.VMEM((UB, 2, HALF), jnp.int32),
        pltpu.VMEM((UB, F), jnp.float32),
        pltpu.VMEM((UB, L), jnp.float32),
        pltpu.VMEM((4, L, 16), jnp.float32),
        pltpu.SemaphoreType.DMA,
        pltpu.SemaphoreType.DMA,
        pltpu.SemaphoreType.DMA,
        pltpu.SemaphoreType.DMA,
    ],
    compiler_params=pltpu.CompilerParams(
        needs_layout_passes=False, use_tc_tiling_on_sc=False),
)
def _mf_sc(items_hbm, u_hbm, table_hbm, out_hbm,
           items_v, u_v, out_v, rows_v, sem0, sem1, sem2, sem3):
    wid = lax.axis_index("s") * NC + lax.axis_index("c")
    base = wid * UB
    pltpu.sync_copy(items_hbm.at[pl.ds(base, UB)], items_v)
    pltpu.sync_copy(u_hbm.at[pl.ds(base, UB)], u_v)

    sems = (sem0, sem1, sem2, sem3)

    def fire(b, buf):
        rows = rows_v.at[buf]
        pltpu.async_copy(table_hbm.at[items_v.at[b, 0]],
                         rows.at[pl.ds(0, HALF)], sems[buf])
        pltpu.async_copy(table_hbm.at[items_v.at[b, 1]],
                         rows.at[pl.ds(HALF, HALF)], sems[buf])

    def drain(b, buf):
        rows = rows_v.at[buf]
        pltpu.make_async_copy(table_hbm.at[items_v.at[b, 0]],
                              rows.at[pl.ds(0, HALF)], sems[buf]).wait()
        pltpu.make_async_copy(table_hbm.at[items_v.at[b, 1]],
                              rows.at[pl.ds(HALF, HALF)], sems[buf]).wait()

    iota16 = lax.iota(jnp.int32, 16)
    lvecs = [iota16 + s for s in STARTS]

    def compute(b, buf):
        rows = rows_v.at[buf]
        bvec = jnp.full((16,), b, jnp.int32)

        def f_body(p, accs):
            pvec = jnp.full((16,), p, jnp.int32)
            ua = plsc.load_gather(u_v, [bvec, pvec])
            ub = plsc.load_gather(u_v, [bvec, pvec + 16])
            new = []
            for acc, lv in zip(accs, lvecs):
                w = plsc.load_gather(rows, [lv, pvec])
                a, b = plsc.unpack(plsc.bitcast(w, jnp.bfloat16),
                                   format=plsc.PackFormat.INTERLEAVED)
                new.append(acc + ua * a + ub * b)
            return tuple(new)

        accs = lax.fori_loop(
            0, F // 2, f_body,
            tuple(jnp.zeros((16,), jnp.float32) for _ in STARTS))
        for lv, acc in zip(lvecs, accs):
            plsc.store_scatter(out_v, [bvec, lv], acc)

    NBUF = 4
    for j in range(NBUF):
        fire(j, j)

    def body(i, carry):
        b0 = NBUF * i
        for j in range(NBUF):
            b = b0 + j
            drain(b, j)
            compute(b, j)

            @pl.when(b + NBUF < UB)
            def _():
                fire(b + NBUF, j)
        return carry

    lax.fori_loop(0, UB // NBUF, body, 0)
    pltpu.sync_copy(out_v, out_hbm.at[pl.ds(base, UB)])


def kernel(users, items, dow_emb, time_emb, sex_emb, age_emb, month_emb,
           day_emb, W, b, item_table):
    embs = (dow_emb, time_emb, sex_emb, age_emb, month_emb, day_emb)
    tables = jnp.concatenate(
        [jnp.pad(e, ((0, VPAD - e.shape[0]), (0, 0))) for e in embs], axis=0)
    users_t = users.astype(jnp.int32).T
    u = _user_proj(users_t, tables, W, b.reshape(1, F))
    q = _PC // 8
    r0 = items.astype(jnp.int32)
    i0 = r0 // _PC
    t0 = r0 - i0 * _PC
    j0 = t0 // q
    items3 = (i0 * _PC + 8 * (t0 - j0 * q) + j0).reshape(B, 2, HALF)
    tpk = _pack_table(item_table.T)
    tpk = tpk.reshape(tpk.shape[0] * 8, 16)
    return _mf_sc(items3, u, tpk)

# --- scband reference (transcript-rebuilt; emitter-appended) ---
"""Pipeline reference for scband-matrix-factorization-11020886081847 (READ-ONLY COPY).

The authoritative reference and input builder live on the scoring server;
editing this copy changes nothing except your own understanding.
"""

import jax, jax.numpy as jnp
import numpy as np

B = 4096
L = 200
NUM_DIM = 8
NUM_FACTOR = 32
VOCABS = [7, 24, 2, 100, 12, 31]  # dayofweek, time, sex, age, month, day
NUM_DEST = 1000000


def setup_inputs(seed: int = 0) -> dict:
    key = jax.random.key(seed)
    ks = jax.random.split(key, 12)
    # users: [B, 6] int columns = (dayofweek, time, sex, age, month, day)
    # fill_max=2 keeps every column in-range for the smallest vocab (sex=2)
    users = jax.random.randint(ks[0], (B, 6), 0, 2)
    items = jax.random.randint(ks[1], (B, L), 0, NUM_DEST)
    dow_emb = jax.random.normal(ks[2], (VOCABS[0], NUM_DIM), dtype=jnp.float32)
    time_emb = jax.random.normal(ks[3], (VOCABS[1], NUM_DIM), dtype=jnp.float32)
    sex_emb = jax.random.normal(ks[4], (VOCABS[2], NUM_DIM), dtype=jnp.float32)
    age_emb = jax.random.normal(ks[5], (VOCABS[3], NUM_DIM), dtype=jnp.float32)
    month_emb = jax.random.normal(ks[6], (VOCABS[4], NUM_DIM), dtype=jnp.float32)
    day_emb = jax.random.normal(ks[7], (VOCABS[5], NUM_DIM), dtype=jnp.float32)
    W = jax.random.normal(ks[8], (6 * NUM_DIM, NUM_FACTOR), dtype=jnp.float32) * 0.1
    b = jnp.zeros((NUM_FACTOR,), dtype=jnp.float32)
    item_table = jax.random.normal(ks[9], (NUM_DEST, NUM_FACTOR), dtype=jnp.float32)
    return {"users": users, "items": items, "dow_emb": dow_emb, "time_emb": time_emb,
            "sex_emb": sex_emb, "age_emb": age_emb, "month_emb": month_emb,
            "day_emb": day_emb, "W": W, "b": b, "item_table": item_table}


def reference(users, items, dow_emb, time_emb, sex_emb, age_emb, month_emb, day_emb, W, b, item_table):
    # CreatingUserId: per-field embedding lookup, concat, linear projection to num_factor
    feats = jnp.concatenate([
        jnp.take(dow_emb, users[:, 0], axis=0),
        jnp.take(time_emb, users[:, 1], axis=0),
        jnp.take(sex_emb, users[:, 2], axis=0),
        jnp.take(age_emb, users[:, 3], axis=0),
        jnp.take(month_emb, users[:, 4], axis=0),
        jnp.take(day_emb, users[:, 5], axis=0),
    ], axis=-1)                                   # [B, 6*num_dim]
    u = feats @ W + b                             # [B, num_factor]
    item_e = jnp.take(item_table, items, axis=0)  # [B, L, num_factor]
    # torch.mm(user_emb, item_emb.transpose(1,2)) -> batched user-item dot products
    out = jnp.einsum('bf,blf->bl', u, item_e)     # [B, L]
    return out

if __name__ == "__main__":
    import jax
    _d = setup_inputs()
    print(jax.jit(kernel)(*tuple(_d.values())))

</pallas_src>

<mosaic_0001>
#map = affine_map<(d0, d1) -> (0, 0, 0)>
#map1 = affine_map<(d0, d1) -> (0, 0)>
module attributes {stable_mosaic.version = 14 : i64} {
  func.func @_mf_sc(%arg0: i32, %arg1: i32, %arg2: memref<4096x2x100xi32, #tpu.memory_space<hbm>>, %arg3: memref<4096x32xf32, #tpu.memory_space<hbm>>, %arg4: memref<1024000x16xf32, #tpu.memory_space<hbm>>, %arg5: memref<4096x200xf32, #tpu.memory_space<hbm>>, %arg6: memref<128x2x100xi32, #tpu.memory_space<vmem>>, %arg7: memref<128x32xf32, #tpu.memory_space<vmem>>, %arg8: memref<128x200xf32, #tpu.memory_space<vmem>>, %arg9: memref<4x200x16xf32, #tpu.memory_space<vmem>>, %arg10: memref<!tpu.dma_semaphore, #tpu.memory_space<semaphore_mem>>, %arg11: memref<!tpu.dma_semaphore, #tpu.memory_space<semaphore_mem>>, %arg12: memref<!tpu.dma_semaphore, #tpu.memory_space<semaphore_mem>>, %arg13: memref<!tpu.dma_semaphore, #tpu.memory_space<semaphore_mem>>) attributes {dimension_semantics = [#tpu.dimension_semantics<core_parallel>, #tpu.dimension_semantics<subcore_parallel>], iteration_bounds = array<i64: 2, 16>, scalar_prefetch = 0 : i64, scratch_operands = 8 : i64, tpu.core_type = #tpu.core_type<sc_vector_subcore>, window_params = [{transform_indices = #map}, {transform_indices = #map1}, {transform_indices = #map1}, {transform_indices = #map1}]} {
    %mul3A = arith.constant 2 : i32
    %mul3A_0 = arith.muli %arg1, %mul3A : i32
    %add3A = arith.addi %mul3A_0, %arg0 : i32
    %mul3A_1 = arith.constant 128 : i32
    %mul3A_2 = arith.muli %add3A, %mul3A_1 : i32
    "tpu.region"() ({
      %run_scoped3A = tpu.sem_alloc : memref<!tpu.dma_semaphore, #tpu.memory_space<semaphore_mem>>
      %dma_start3A_174 = arith.constant 0 : i32
      %dma_start3A_175 = arith.constant 0 : i32
      %dma_start3A_176 = tpu.memref_slice %arg2[%mul3A_2, %dma_start3A_174, %dma_start3A_175] : memref<4096x2x100xi32, #tpu.memory_space<hbm>> -> memref<128x2x100xi32, #tpu.memory_space<hbm>>
      %dma_start3A_177 = arith.constant 0 : i32
      %dma_start3A_178 = arith.constant 0 : i32
      %dma_start3A_179 = tpu.memref_slice %arg2[%mul3A_2, %dma_start3A_177, %dma_start3A_178] : memref<4096x2x100xi32, #tpu.memory_space<hbm>> -> memref<128x2x100xi32, #tpu.memory_space<hbm>>
      tpu.enqueue_dma source(%dma_start3A_179 : memref<128x2x100xi32, #tpu.memory_space<hbm>>) target(%arg6 : memref<128x2x100xi32, #tpu.memory_space<vmem>>) target_semaphore(%run_scoped3A : memref<!tpu.dma_semaphore, #tpu.memory_space<semaphore_mem>>)
      %dma_wait3A = arith.constant 0 : i32
      %dma_wait3A_180 = arith.constant 0 : i32
      %dma_wait3A_181 = tpu.memref_slice %arg2[%mul3A_2, %dma_wait3A, %dma_wait3A_180] : memref<4096x2x100xi32, #tpu.memory_space<hbm>> -> memref<128x2x100xi32, #tpu.memory_space<hbm>>
      %dma_wait3A_182 = arith.constant 0 : i32
      %dma_wait3A_183 = arith.constant 0 : i32
      %dma_wait3A_184 = tpu.memref_slice %arg2[%mul3A_2, %dma_wait3A_182, %dma_wait3A_183] : memref<4096x2x100xi32, #tpu.memory_space<hbm>> -> memref<128x2x100xi32, #tpu.memory_space<hbm>>
      tpu.wait_dma2 semaphore(%run_scoped3A : memref<!tpu.dma_semaphore, #tpu.memory_space<semaphore_mem>>) src(%dma_wait3A_184 : memref<128x2x100xi32, #tpu.memory_space<hbm>>) dst(%arg6 : memref<128x2x100xi32, #tpu.memory_space<vmem>>)
      tpu.yield
    }) : () -> ()
    "tpu.region"() ({
      %run_scoped3A = tpu.sem_alloc : memref<!tpu.dma_semaphore, #tpu.memory_space<semaphore_mem>>
      %dma_start3A_174 = arith.constant 0 : i32
      %dma_start3A_175 = tpu.memref_slice %arg3[%mul3A_2, %dma_start3A_174] : memref<4096x32xf32, #tpu.memory_space<hbm>> -> memref<128x32xf32, #tpu.memory_space<hbm>>
      %dma_start3A_176 = arith.constant 0 : i32
      %dma_start3A_177 = tpu.memref_slice %arg3[%mul3A_2, %dma_start3A_176] : memref<4096x32xf32, #tpu.memory_space<hbm>> -> memref<128x32xf32, #tpu.memory_space<hbm>>
      tpu.enqueue_dma source(%dma_start3A_177 : memref<128x32xf32, #tpu.memory_space<hbm>>) target(%arg7 : memref<128x32xf32, #tpu.memory_space<vmem>>) target_semaphore(%run_scoped3A : memref<!tpu.dma_semaphore, #tpu.memory_space<semaphore_mem>>)
      %dma_wait3A = arith.constant 0 : i32
      %dma_wait3A_178 = tpu.memref_slice %arg3[%mul3A_2, %dma_wait3A] : memref<4096x32xf32, #tpu.memory_space<hbm>> -> memref<128x32xf32, #tpu.memory_space<hbm>>
      %dma_wait3A_179 = arith.constant 0 : i32
      %dma_wait3A_180 = tpu.memref_slice %arg3[%mul3A_2, %dma_wait3A_179] : memref<4096x32xf32, #tpu.memory_space<hbm>> -> memref<128x32xf32, #tpu.memory_space<hbm>>
      tpu.wait_dma2 semaphore(%run_scoped3A : memref<!tpu.dma_semaphore, #tpu.memory_space<semaphore_mem>>) src(%dma_wait3A_180 : memref<128x32xf32, #tpu.memory_space<hbm>>) dst(%arg7 : memref<128x32xf32, #tpu.memory_space<vmem>>)
      tpu.yield
    }) : () -> ()
    %iota3A = tpu.iota {dimensions = array<i32: 0>} : vector<16xi32>
    %add3A_3 = arith.constant 0 : i32
    %add3A_4 = vector.broadcast %add3A_3 : i32 to vector<16xi32>
    %add3A_5 = arith.addi %iota3A, %add3A_4 : vector<16xi32>
    %add3A_6 = arith.constant 16 : i32
    %add3A_7 = vector.broadcast %add3A_6 : i32 to vector<16xi32>
    %add3A_8 = arith.addi %iota3A, %add3A_7 : vector<16xi32>
    %add3A_9 = arith.constant 32 : i32
    %add3A_10 = vector.broadcast %add3A_9 : i32 to vector<16xi32>
    %add3A_11 = arith.addi %iota3A, %add3A_10 : vector<16xi32>
    %add3A_12 = arith.constant 48 : i32
    %add3A_13 = vector.broadcast %add3A_12 : i32 to vector<16xi32>
    %add3A_14 = arith.addi %iota3A, %add3A_13 : vector<16xi32>
    %add3A_15 = arith.constant 64 : i32
    %add3A_16 = vector.broadcast %add3A_15 : i32 to vector<16xi32>
    %add3A_17 = arith.addi %iota3A, %add3A_16 : vector<16xi32>
    %add3A_18 = arith.constant 80 : i32
    %add3A_19 = vector.broadcast %add3A_18 : i32 to vector<16xi32>
    %add3A_20 = arith.addi %iota3A, %add3A_19 : vector<16xi32>
    %add3A_21 = arith.constant 96 : i32
    %add3A_22 = vector.broadcast %add3A_21 : i32 to vector<16xi32>
    %add3A_23 = arith.addi %iota3A, %add3A_22 : vector<16xi32>
    %add3A_24 = arith.constant 112 : i32
    %add3A_25 = vector.broadcast %add3A_24 : i32 to vector<16xi32>
    %add3A_26 = arith.addi %iota3A, %add3A_25 : vector<16xi32>
    %add3A_27 = arith.constant 128 : i32
    %add3A_28 = vector.broadcast %add3A_27 : i32 to vector<16xi32>
    %add3A_29 = arith.addi %iota3A, %add3A_28 : vector<16xi32>
    %add3A_30 = arith.constant 144 : i32
    %add3A_31 = vector.broadcast %add3A_30 : i32 to vector<16xi32>
    %add3A_32 = arith.addi %iota3A, %add3A_31 : vector<16xi32>
    %add3A_33 = arith.constant 160 : i32
    %add3A_34 = vector.broadcast %add3A_33 : i32 to vector<16xi32>
    %add3A_35 = arith.addi %iota3A, %add3A_34 : vector<16xi32>
    %add3A_36 = arith.constant 176 : i32
    %add3A_37 = vector.broadcast %add3A_36 : i32 to vector<16xi32>
    %add3A_38 = arith.addi %iota3A, %add3A_37 : vector<16xi32>
    %add3A_39 = arith.constant 184 : i32
    %add3A_40 = vector.broadcast %add3A_39 : i32 to vector<16xi32>
    %add3A_41 = arith.addi %iota3A, %add3A_40 : vector<16xi32>
    %dma_start3A = arith.constant 0 : i32
    %dma_start3A_42 = arith.constant 0 : i32
    %dma_start3A_43 = arith.constant 0 : i32
    %dma_start3A_44 = arith.constant 0 : i32
    %dma_start3A_45 = arith.constant 0 : i32
    %dma_start3A_46 = tpu.memref_slice %arg9[%dma_start3A_43, %dma_start3A_44, %dma_start3A_45] : memref<4x200x16xf32, #tpu.memory_space<vmem>> -> memref<1x200x16xf32, #tpu.memory_space<vmem>>
    %dma_start3A_47 = tpu.memref_squeeze %dma_start3A_46 : memref<1x200x16xf32, #tpu.memory_space<vmem>> -> memref<200x16xf32, #tpu.memory_space<vmem>>
    %dma_start3A_48 = arith.constant 0 : i32
    %dma_start3A_49 = arith.constant 0 : i32
    %dma_start3A_50 = tpu.memref_slice %dma_start3A_47[%dma_start3A_48, %dma_start3A_49] : memref<200x16xf32, #tpu.memory_space<vmem>> -> memref<100x16xf32, #tpu.memory_space<vmem>>
    %dma_start3A_51 = arith.constant 0 : i32
    %dma_start3A_52 = tpu.memref_slice %arg6[%dma_start3A, %dma_start3A_42, %dma_start3A_51] : memref<128x2x100xi32, #tpu.memory_space<vmem>> -> memref<1x1x100xi32, #tpu.memory_space<vmem>>
    %dma_start3A_53 = tpu.memref_squeeze %dma_start3A_52 : memref<1x1x100xi32, #tpu.memory_space<vmem>> -> memref<100xi32, #tpu.memory_space<vmem>>
    %dma_start3A_54 = arith.constant 0 : i32
    %dma_start3A_55 = arith.constant 0 : i32
    %dma_start3A_56 = tpu.memref_slice %arg4[%dma_start3A_54, %dma_start3A_55] : memref<1024000x16xf32, #tpu.memory_space<hbm>> -> memref<1024000x16xf32, #tpu.memory_space<hbm>>
    tpu.enqueue_indirect_dma source(%dma_start3A_56 : memref<1024000x16xf32, #tpu.memory_space<hbm>>) target(%dma_start3A_50 : memref<100x16xf32, #tpu.memory_space<vmem>>) offsets(%dma_start3A_53 : memref<100xi32, #tpu.memory_space<vmem>>) semaphore(%arg10 : memref<!tpu.dma_semaphore, #tpu.memory_space<semaphore_mem>>)
    %dma_start3A_57 = arith.constant 0 : i32
    %dma_start3A_58 = arith.constant 1 : i32
    %dma_start3A_59 = arith.constant 0 : i32
    %dma_start3A_60 = arith.constant 0 : i32
    %dma_start3A_61 = arith.constant 0 : i32
    %dma_start3A_62 = tpu.memref_slice %arg9[%dma_start3A_59, %dma_start3A_60, %dma_start3A_61] : memref<4x200x16xf32, #tpu.memory_space<vmem>> -> memref<1x200x16xf32, #tpu.memory_space<vmem>>
    %dma_start3A_63 = tpu.memref_squeeze %dma_start3A_62 : memref<1x200x16xf32, #tpu.memory_space<vmem>> -> memref<200x16xf32, #tpu.memory_space<vmem>>
    %dma_start3A_64 = arith.constant 100 : i32
    %dma_start3A_65 = arith.constant 0 : i32
    %dma_start3A_66 = tpu.memref_slice %dma_start3A_63[%dma_start3A_64, %dma_start3A_65] : memref<200x16xf32, #tpu.memory_space<vmem>> -> memref<100x16xf32, #tpu.memory_space<vmem>>
    %dma_start3A_67 = arith.constant 0 : i32
    %dma_start3A_68 = tpu.memref_slice %arg6[%dma_start3A_57, %dma_start3A_58, %dma_start3A_67] : memref<128x2x100xi32, #tpu.memory_space<vmem>> -> memref<1x1x100xi32, #tpu.memory_space<vmem>>
    %dma_start3A_69 = tpu.memref_squeeze %dma_start3A_68 : memref<1x1x100xi32, #tpu.memory_space<vmem>> -> memref<100xi32, #tpu.memory_space<vmem>>
    %dma_start3A_70 = arith.constant 0 : i32
    %dma_start3A_71 = arith.constant 0 : i32
    %dma_start3A_72 = tpu.memref_slice %arg4[%dma_start3A_70, %dma_start3A_71] : memref<1024000x16xf32, #tpu.memory_space<hbm>> -> memref<1024000x16xf32, #tpu.memory_space<hbm>>
    tpu.enqueue_indirect_dma source(%dma_start3A_72 : memref<1024000x16xf32, #tpu.memory_space<hbm>>) target(%dma_start3A_66 : memref<100x16xf32, #tpu.memory_space<vmem>>) offsets(%dma_start3A_69 : memref<100xi32, #tpu.memory_space<vmem>>) semaphore(%arg10 : memref<!tpu.dma_semaphore, #tpu.memory_space<semaphore_mem>>)
    %dma_start3A_73 = arith.constant 1 : i32
    %dma_start3A_74 = arith.constant 0 : i32
    %dma_start3A_75 = arith.constant 1 : i32
    %dma_start3A_76 = arith.constant 0 : i32
    %dma_start3A_77 = arith.constant 0 : i32
    %dma_start3A_78 = tpu.memref_slice %arg9[%dma_start3A_75, %dma_start3A_76, %dma_start3A_77] : memref<4x200x16xf32, #tpu.memory_space<vmem>> -> memref<1x200x16xf32, #tpu.memory_space<vmem>>
    %dma_start3A_79 = tpu.memref_squeeze %dma_start3A_78 : memref<1x200x16xf32, #tpu.memory_space<vmem>> -> memref<200x16xf32, #tpu.memory_space<vmem>>
    %dma_start3A_80 = arith.constant 0 : i32
    %dma_start3A_81 = arith.constant 0 : i32
    %dma_start3A_82 = tpu.memref_slice %dma_start3A_79[%dma_start3A_80, %dma_start3A_81] : memref<200x16xf32, #tpu.memory_space<vmem>> -> memref<100x16xf32, #tpu.memory_space<vmem>>
    %dma_start3A_83 = arith.constant 0 : i32
    %dma_start3A_84 = tpu.memref_slice %arg6[%dma_start3A_73, %dma_start3A_74, %dma_start3A_83] : memref<128x2x100xi32, #tpu.memory_space<vmem>> -> memref<1x1x100xi32, #tpu.memory_space<vmem>>
    %dma_start3A_85 = tpu.memref_squeeze %dma_start3A_84 : memref<1x1x100xi32, #tpu.memory_space<vmem>> -> memref<100xi32, #tpu.memory_space<vmem>>
    %dma_start3A_86 = arith.constant 0 : i32
    %dma_start3A_87 = arith.constant 0 : i32
    %dma_start3A_88 = tpu.memref_slice %arg4[%dma_start3A_86, %dma_start3A_87] : memref<1024000x16xf32, #tpu.memory_space<hbm>> -> memref<1024000x16xf32, #tpu.memory_space<hbm>>
    tpu.enqueue_indirect_dma source(%dma_start3A_88 : memref<1024000x16xf32, #tpu.memory_space<hbm>>) target(%dma_start3A_82 : memref<100x16xf32, #tpu.memory_space<vmem>>) offsets(%dma_start3A_85 : memref<100xi32, #tpu.memory_space<vmem>>) semaphore(%arg11 : memref<!tpu.dma_semaphore, #tpu.memory_space<semaphore_mem>>)
    %dma_start3A_89 = arith.constant 1 : i32
    %dma_start3A_90 = arith.constant 1 : i32
    %dma_start3A_91 = arith.constant 1 : i32
    %dma_start3A_92 = arith.constant 0 : i32
    %dma_start3A_93 = arith.constant 0 : i32
    %dma_start3A_94 = tpu.memref_slice %arg9[%dma_start3A_91, %dma_start3A_92, %dma_start3A_93] : memref<4x200x16xf32, #tpu.memory_space<vmem>> -> memref<1x200x16xf32, #tpu.memory_space<vmem>>
    %dma_start3A_95 = tpu.memref_squeeze %dma_start3A_94 : memref<1x200x16xf32, #tpu.memory_space<vmem>> -> memref<200x16xf32, #tpu.memory_space<vmem>>
    %dma_start3A_96 = arith.constant 100 : i32
    %dma_start3A_97 = arith.constant 0 : i32
    %dma_start3A_98 = tpu.memref_slice %dma_start3A_95[%dma_start3A_96, %dma_start3A_97] : memref<200x16xf32, #tpu.memory_space<vmem>> -> memref<100x16xf32, #tpu.memory_space<vmem>>
    %dma_start3A_99 = arith.constant 0 : i32
    %dma_start3A_100 = tpu.memref_slice %arg6[%dma_start3A_89, %dma_start3A_90, %dma_start3A_99] : memref<128x2x100xi32, #tpu.memory_space<vmem>> -> memref<1x1x100xi32, #tpu.memory_space<vmem>>
    %dma_start3A_101 = tpu.memref_squeeze %dma_start3A_100 : memref<1x1x100xi32, #tpu.memory_space<vmem>> -> memref<100xi32, #tpu.memory_space<vmem>>
    %dma_start3A_102 = arith.constant 0 : i32
    %dma_start3A_103 = arith.constant 0 : i32
    %dma_start3A_104 = tpu.memref_slice %arg4[%dma_start3A_102, %dma_start3A_103] : memref<1024000x16xf32, #tpu.memory_space<hbm>> -> memref<1024000x16xf32, #tpu.memory_space<hbm>>
    tpu.enqueue_indirect_dma source(%dma_start3A_104 : memref<1024000x16xf32, #tpu.memory_space<hbm>>) target(%dma_start3A_98 : memref<100x16xf32, #tpu.memory_space<vmem>>) offsets(%dma_start3A_101 : memref<100xi32, #tpu.memory_space<vmem>>) semaphore(%arg11 : memref<!tpu.dma_semaphore, #tpu.memory_space<semaphore_mem>>)
    %dma_start3A_105 = arith.constant 2 : i32
    %dma_start3A_106 = arith.constant 0 : i32
    %dma_start3A_107 = arith.constant 2 : i32
    %dma_start3A_108 = arith.constant 0 : i32
    %dma_start3A_109 = arith.constant 0 : i32
    %dma_start3A_110 = tpu.memref_slice %arg9[%dma_start3A_107, %dma_start3A_108, %dma_start3A_109] : memref<4x200x16xf32, #tpu.memory_space<vmem>> -> memref<1x200x16xf32, #tpu.memory_space<vmem>>
    %dma_start3A_111 = tpu.memref_squeeze %dma_start3A_110 : memref<1x200x16xf32, #tpu.memory_space<vmem>> -> memref<200x16xf32, #tpu.memory_space<vmem>>
    %dma_start3A_112 = arith.constant 0 : i32
    %dma_start3A_113 = arith.constant 0 : i32
    %dma_start3A_114 = tpu.memref_slice %dma_start3A_111[%dma_start3A_112, %dma_start3A_113] : memref<200x16xf32, #tpu.memory_space<vmem>> -> memref<100x16xf32, #tpu.memory_space<vmem>>
    %dma_start3A_115 = arith.constant 0 : i32
    %dma_start3A_116 = tpu.memref_slice %arg6[%dma_start3A_105, %dma_start3A_106, %dma_start3A_115] : memref<128x2x100xi32, #tpu.memory_space<vmem>> -> memref<1x1x100xi32, #tpu.memory_space<vmem>>
    %dma_start3A_117 = tpu.memref_squeeze %dma_start3A_116 : memref<1x1x100xi32, #tpu.memory_space<vmem>> -> memref<100xi32, #tpu.memory_space<vmem>>
    %dma_start3A_118 = arith.constant 0 : i32
    %dma_start3A_119 = arith.constant 0 : i32
    %dma_start3A_120 = tpu.memref_slice %arg4[%dma_start3A_118, %dma_start3A_119] : memref<1024000x16xf32, #tpu.memory_space<hbm>> -> memref<1024000x16xf32, #tpu.memory_space<hbm>>
    tpu.enqueue_indirect_dma source(%dma_start3A_120 : memref<1024000x16xf32, #tpu.memory_space<hbm>>) target(%dma_start3A_114 : memref<100x16xf32, #tpu.memory_space<vmem>>) offsets(%dma_start3A_117 : memref<100xi32, #tpu.memory_space<vmem>>) semaphore(%arg12 : memref<!tpu.dma_semaphore, #tpu.memory_space<semaphore_mem>>)
    %dma_start3A_121 = arith.constant 2 : i32
    %dma_start3A_122 = arith.constant 1 : i32
    %dma_start3A_123 = arith.constant 2 : i32
    %dma_start3A_124 = arith.constant 0 : i32
    %dma_start3A_125 = arith.constant 0 : i32
    %dma_start3A_126 = tpu.memref_slice %arg9[%dma_start3A_123, %dma_start3A_124, %dma_start3A_125] : memref<4x200x16xf32, #tpu.memory_space<vmem>> -> memref<1x200x16xf32, #tpu.memory_space<vmem>>
    %dma_start3A_127 = tpu.memref_squeeze %dma_start3A_126 : memref<1x200x16xf32, #tpu.memory_space<vmem>> -> memref<200x16xf32, #tpu.memory_space<vmem>>
    %dma_start3A_128 = arith.constant 100 : i32
    %dma_start3A_129 = arith.constant 0 : i32
    %dma_start3A_130 = tpu.memref_slice %dma_start3A_127[%dma_start3A_128, %dma_start3A_129] : memref<200x16xf32, #tpu.memory_space<vmem>> -> memref<100x16xf32, #tpu.memory_space<vmem>>
    %dma_start3A_131 = arith.constant 0 : i32
    %dma_start3A_132 = tpu.memref_slice %arg6[%dma_start3A_121, %dma_start3A_122, %dma_start3A_131] : memref<128x2x100xi32, #tpu.memory_space<vmem>> -> memref<1x1x100xi32, #tpu.memory_space<vmem>>
    %dma_start3A_133 = tpu.memref_squeeze %dma_start3A_132 : memref<1x1x100xi32, #tpu.memory_space<vmem>> -> memref<100xi32, #tpu.memory_space<vmem>>
    %dma_start3A_134 = arith.constant 0 : i32
    %dma_start3A_135 = arith.constant 0 : i32
    %dma_start3A_136 = tpu.memref_slice %arg4[%dma_start3A_134, %dma_start3A_135] : memref<1024000x16xf32, #tpu.memory_space<hbm>> -> memref<1024000x16xf32, #tpu.memory_space<hbm>>
    tpu.enqueue_indirect_dma source(%dma_start3A_136 : memref<1024000x16xf32, #tpu.memory_space<hbm>>) target(%dma_start3A_130 : memref<100x16xf32, #tpu.memory_space<vmem>>) offsets(%dma_start3A_133 : memref<100xi32, #tpu.memory_space<vmem>>) semaphore(%arg12 : memref<!tpu.dma_semaphore, #tpu.memory_space<semaphore_mem>>)
    %dma_start3A_137 = arith.constant 3 : i32
    %dma_start3A_138 = arith.constant 0 : i32
    %dma_start3A_139 = arith.constant 3 : i32
    %dma_start3A_140 = arith.constant 0 : i32
    %dma_start3A_141 = arith.constant 0 : i32
    %dma_start3A_142 = tpu.memref_slice %arg9[%dma_start3A_139, %dma_start3A_140, %dma_start3A_141] : memref<4x200x16xf32, #tpu.memory_space<vmem>> -> memref<1x200x16xf32, #tpu.memory_space<vmem>>
    %dma_start3A_143 = tpu.memref_squeeze %dma_start3A_142 : memref<1x200x16xf32, #tpu.memory_space<vmem>> -> memref<200x16xf32, #tpu.memory_space<vmem>>
    %dma_start3A_144 = arith.constant 0 : i32
    %dma_start3A_145 = arith.constant 0 : i32
    %dma_start3A_146 = tpu.memref_slice %dma_start3A_143[%dma_start3A_144, %dma_start3A_145] : memref<200x16xf32, #tpu.memory_space<vmem>> -> memref<100x16xf32, #tpu.memory_space<vmem>>
    %dma_start3A_147 = arith.constant 0 : i32
    %dma_start3A_148 = tpu.memref_slice %arg6[%dma_start3A_137, %dma_start3A_138, %dma_start3A_147] : memref<128x2x100xi32, #tpu.memory_space<vmem>> -> memref<1x1x100xi32, #tpu.memory_space<vmem>>
    %dma_start3A_149 = tpu.memref_squeeze %dma_start3A_148 : memref<1x1x100xi32, #tpu.memory_space<vmem>> -> memref<100xi32, #tpu.memory_space<vmem>>
    %dma_start3A_150 = arith.constant 0 : i32
    %dma_start3A_151 = arith.constant 0 : i32
    %dma_start3A_152 = tpu.memref_slice %arg4[%dma_start3A_150, %dma_start3A_151] : memref<1024000x16xf32, #tpu.memory_space<hbm>> -> memref<1024000x16xf32, #tpu.memory_space<hbm>>
    tpu.enqueue_indirect_dma source(%dma_start3A_152 : memref<1024000x16xf32, #tpu.memory_space<hbm>>) target(%dma_start3A_146 : memref<100x16xf32, #tpu.memory_space<vmem>>) offsets(%dma_start3A_149 : memref<100xi32, #tpu.memory_space<vmem>>) semaphore(%arg13 : memref<!tpu.dma_semaphore, #tpu.memory_space<semaphore_mem>>)
    %dma_start3A_153 = arith.constant 3 : i32
    %dma_start3A_154 = arith.constant 1 : i32
    %dma_start3A_155 = arith.constant 3 : i32
    %dma_start3A_156 = arith.constant 0 : i32
    %dma_start3A_157 = arith.constant 0 : i32
    %dma_start3A_158 = tpu.memref_slice %arg9[%dma_start3A_155, %dma_start3A_156, %dma_start3A_157] : memref<4x200x16xf32, #tpu.memory_space<vmem>> -> memref<1x200x16xf32, #tpu.memory_space<vmem>>
    %dma_start3A_159 = tpu.memref_squeeze %dma_start3A_158 : memref<1x200x16xf32, #tpu.memory_space<vmem>> -> memref<200x16xf32, #tpu.memory_space<vmem>>
    %dma_start3A_160 = arith.constant 100 : i32
    %dma_start3A_161 = arith.constant 0 : i32
    %dma_start3A_162 = tpu.memref_slice %dma_start3A_159[%dma_start3A_160, %dma_start3A_161] : memref<200x16xf32, #tpu.memory_space<vmem>> -> memref<100x16xf32, #tpu.memory_space<vmem>>
    %dma_start3A_163 = arith.constant 0 : i32
    %dma_start3A_164 = tpu.memref_slice %arg6[%dma_start3A_153, %dma_start3A_154, %dma_start3A_163] : memref<128x2x100xi32, #tpu.memory_space<vmem>> -> memref<1x1x100xi32, #tpu.memory_space<vmem>>
    %dma_start3A_165 = tpu.memref_squeeze %dma_start3A_164 : memref<1x1x100xi32, #tpu.memory_space<vmem>> -> memref<100xi32, #tpu.memory_space<vmem>>
    %dma_start3A_166 = arith.constant 0 : i32
    %dma_start3A_167 = arith.constant 0 : i32
    %dma_start3A_168 = tpu.memref_slice %arg4[%dma_start3A_166, %dma_start3A_167] : memref<1024000x16xf32, #tpu.memory_space<hbm>> -> memref<1024000x16xf32, #tpu.memory_space<hbm>>
    tpu.enqueue_indirect_dma source(%dma_start3A_168 : memref<1024000x16xf32, #tpu.memory_space<hbm>>) target(%dma_start3A_162 : memref<100x16xf32, #tpu.memory_space<vmem>>) offsets(%dma_start3A_165 : memref<100xi32, #tpu.memory_space<vmem>>) semaphore(%arg13 : memref<!tpu.dma_semaphore, #tpu.memory_space<semaphore_mem>>)
    %scan3A = arith.constant 0 : i32
    %scan3A_169 = arith.constant 0 : i32
    %scan3A_170 = arith.constant 32 : i32
    %scan3A_171 = arith.addi %scan3A_169, %scan3A_170 : i32
    %scan3A_172 = arith.constant 1 : i32
    scf.for %scan3A_174 = %scan3A_169 to %scan3A_171 step %scan3A_172  : i32 {
      %mul3A_175 = arith.constant 4 : i32
      %mul3A_176 = arith.muli %mul3A_175, %scan3A_174 : i32
      %add3A_177 = arith.constant 0 : i32
      %add3A_178 = arith.addi %mul3A_176, %add3A_177 : i32
      %dma_wait3A = arith.constant 0 : i32
      %dma_wait3A_179 = arith.constant 0 : i32
      %dma_wait3A_180 = arith.constant 0 : i32
      %dma_wait3A_181 = arith.constant 0 : i32
      %dma_wait3A_182 = tpu.memref_slice %arg9[%dma_wait3A_179, %dma_wait3A_180, %dma_wait3A_181] : memref<4x200x16xf32, #tpu.memory_space<vmem>> -> memref<1x200x16xf32, #tpu.memory_space<vmem>>
      %dma_wait3A_183 = tpu.memref_squeeze %dma_wait3A_182 : memref<1x200x16xf32, #tpu.memory_space<vmem>> -> memref<200x16xf32, #tpu.memory_space<vmem>>
      %dma_wait3A_184 = arith.constant 0 : i32
      %dma_wait3A_185 = arith.constant 0 : i32
      %dma_wait3A_186 = tpu.memref_slice %dma_wait3A_183[%dma_wait3A_184, %dma_wait3A_185] : memref<200x16xf32, #tpu.memory_space<vmem>> -> memref<100x16xf32, #tpu.memory_space<vmem>>
      %dma_wait3A_187 = arith.constant 0 : i32
      %dma_wait3A_188 = tpu.memref_slice %arg6[%add3A_178, %dma_wait3A, %dma_wait3A_187] : memref<128x2x100xi32, #tpu.memory_space<vmem>> -> memref<1x1x100xi32, #tpu.memory_space<vmem>>
      %dma_wait3A_189 = tpu.memref_squeeze %dma_wait3A_188 : memref<1x1x100xi32, #tpu.memory_space<vmem>> -> memref<100xi32, #tpu.memory_space<vmem>>
      %dma_wait3A_190 = arith.constant 0 : i32
      %dma_wait3A_191 = arith.constant 0 : i32
      %dma_wait3A_192 = tpu.memref_slice %arg4[%dma_wait3A_190, %dma_wait3A_191] : memref<1024000x16xf32, #tpu.memory_space<hbm>> -> memref<1024000x16xf32, #tpu.memory_space<hbm>>
      tpu.wait_indirect_dma semaphore(%arg10 : memref<!tpu.dma_semaphore, #tpu.memory_space<semaphore_mem>>) src(%dma_wait3A_192 : memref<1024000x16xf32, #tpu.memory_space<hbm>>) dst(%dma_wait3A_186 : memref<100x16xf32, #tpu.memory_space<vmem>>)
      %dma_wait3A_193 = arith.constant 1 : i32
      %dma_wait3A_194 = arith.constant 0 : i32
      %dma_wait3A_195 = arith.constant 0 : i32
      %dma_wait3A_196 = arith.constant 0 : i32
      %dma_wait3A_197 = tpu.memref_slice %arg9[%dma_wait3A_194, %dma_wait3A_195, %dma_wait3A_196] : memref<4x200x16xf32, #tpu.memory_space<vmem>> -> memref<1x200x16xf32, #tpu.memory_space<vmem>>
      %dma_wait3A_198 = tpu.memref_squeeze %dma_wait3A_197 : memref<1x200x16xf32, #tpu.memory_space<vmem>> -> memref<200x16xf32, #tpu.memory_space<vmem>>
      %dma_wait3A_199 = arith.constant 100 : i32
      %dma_wait3A_200 = arith.constant 0 : i32
      %dma_wait3A_201 = tpu.memref_slice %dma_wait3A_198[%dma_wait3A_199, %dma_wait3A_200] : memref<200x16xf32, #tpu.memory_space<vmem>> -> memref<100x16xf32, #tpu.memory_space<vmem>>
      %dma_wait3A_202 = arith.constant 0 : i32
      %dma_wait3A_203 = tpu.memref_slice %arg6[%add3A_178, %dma_wait3A_193, %dma_wait3A_202] : memref<128x2x100xi32, #tpu.memory_space<vmem>> -> memref<1x1x100xi32, #tpu.memory_space<vmem>>
      %dma_wait3A_204 = tpu.memref_squeeze %dma_wait3A_203 : memref<1x1x100xi32, #tpu.memory_space<vmem>> -> memref<100xi32, #tpu.memory_space<vmem>>
      %dma_wait3A_205 = arith.constant 0 : i32
      %dma_wait3A_206 = arith.constant 0 : i32
      %dma_wait3A_207 = tpu.memref_slice %arg4[%dma_wait3A_205, %dma_wait3A_206] : memref<1024000x16xf32, #tpu.memory_space<hbm>> -> memref<1024000x16xf32, #tpu.memory_space<hbm>>
      tpu.wait_indirect_dma semaphore(%arg10 : memref<!tpu.dma_semaphore, #tpu.memory_space<semaphore_mem>>) src(%dma_wait3A_207 : memref<1024000x16xf32, #tpu.memory_space<hbm>>) dst(%dma_wait3A_201 : memref<100x16xf32, #tpu.memory_space<vmem>>)
      %broadcast_in_dim3A = vector.broadcast %add3A_178 : i32 to vector<16xi32>
      %broadcast_in_dim3A_208 = arith.constant 0.000000e+00 : f32
      %broadcast_in_dim3A_209 = vector.broadcast %broadcast_in_dim3A_208 : f32 to vector<16xf32>
      %broadcast_in_dim3A_210 = arith.constant 0.000000e+00 : f32
      %broadcast_in_dim3A_211 = vector.broadcast %broadcast_in_dim3A_210 : f32 to vector<16xf32>
      %broadcast_in_dim3A_212 = arith.constant 0.000000e+00 : f32
      %broadcast_in_dim3A_213 = vector.broadcast %broadcast_in_dim3A_212 : f32 to vector<16xf32>
      %broadcast_in_dim3A_214 = arith.constant 0.000000e+00 : f32
      %broadcast_in_dim3A_215 = vector.broadcast %broadcast_in_dim3A_214 : f32 to vector<16xf32>
      %broadcast_in_dim3A_216 = arith.constant 0.000000e+00 : f32
      %broadcast_in_dim3A_217 = vector.broadcast %broadcast_in_dim3A_216 : f32 to vector<16xf32>
      %broadcast_in_dim3A_218 = arith.constant 0.000000e+00 : f32
      %broadcast_in_dim3A_219 = vector.broadcast %broadcast_in_dim3A_218 : f32 to vector<16xf32>
      %broadcast_in_dim3A_220 = arith.constant 0.000000e+00 : f32
      %broadcast_in_dim3A_221 = vector.broadcast %broadcast_in_dim3A_220 : f32 to vector<16xf32>
      %broadcast_in_dim3A_222 = arith.constant 0.000000e+00 : f32
      %broadcast_in_dim3A_223 = vector.broadcast %broadcast_in_dim3A_222 : f32 to vector<16xf32>
      %broadcast_in_dim3A_224 = arith.constant 0.000000e+00 : f32
      %broadcast_in_dim3A_225 = vector.broadcast %broadcast_in_dim3A_224 : f32 to vector<16xf32>
      %broadcast_in_dim3A_226 = arith.constant 0.000000e+00 : f32
      %broadcast_in_dim3A_227 = vector.broadcast %broadcast_in_dim3A_226 : f32 to vector<16xf32>
      %broadcast_in_dim3A_228 = arith.constant 0.000000e+00 : f32
      %broadcast_in_dim3A_229 = vector.broadcast %broadcast_in_dim3A_228 : f32 to vector<16xf32>
      %broadcast_in_dim3A_230 = arith.constant 0.000000e+00 : f32
      %broadcast_in_dim3A_231 = vector.broadcast %broadcast_in_dim3A_230 : f32 to vector<16xf32>
      %broadcast_in_dim3A_232 = arith.constant 0.000000e+00 : f32
      %broadcast_in_dim3A_233 = vector.broadcast %broadcast_in_dim3A_232 : f32 to vector<16xf32>
      %scan3A_234 = arith.constant 0 : i32
      %scan3A_235 = arith.constant 0 : i32
      %scan3A_236 = arith.constant 16 : i32
      %scan3A_237 = arith.addi %scan3A_235, %scan3A_236 : i32
      %scan3A_238 = arith.constant 1 : i32
      %scan3A_239:13 = scf.for %scan3A_464 = %scan3A_235 to %scan3A_237 step %scan3A_238 iter_args(%scan3A_465 = %broadcast_in_dim3A_209, %scan3A_466 = %broadcast_in_dim3A_211, %scan3A_467 = %broadcast_in_dim3A_213, %scan3A_468 = %broadcast_in_dim3A_215, %scan3A_469 = %broadcast_in_dim3A_217, %scan3A_470 = %broadcast_in_dim3A_219, %scan3A_471 = %broadcast_in_dim3A_221, %scan3A_472 = %broadcast_in_dim3A_223, %scan3A_473 = %broadcast_in_dim3A_225, %scan3A_474 = %broadcast_in_dim3A_227, %scan3A_475 = %broadcast_in_dim3A_229, %scan3A_476 = %broadcast_in_dim3A_231, %scan3A_477 = %broadcast_in_dim3A_233) -> (vector<16xf32>, vector<16xf32>, vector<16xf32>, vector<16xf32>, vector<16xf32>, vector<16xf32>, vector<16xf32>, vector<16xf32>, vector<16xf32>, vector<16xf32>, vector<16xf32>, vector<16xf32>, vector<16xf32>)  : i32 {
        %broadcast_in_dim3A_478 = vector.broadcast %scan3A_464 : i32 to vector<16xi32>
        %gather3A = tpu.vector_load_idx %arg7[%broadcast_in_dim3A, %broadcast_in_dim3A_478] : memref<128x32xf32, #tpu.memory_space<vmem>>[vector<16xi32>, vector<16xi32>], vector<16xf32>,
        %add3A_479 = arith.constant 16 : i32
        %add3A_480 = vector.broadcast %add3A_479 : i32 to vector<16xi32>
        %add3A_481 = arith.addi %broadcast_in_dim3A_478, %add3A_480 : vector<16xi32>
        %gather3A_482 = tpu.vector_load_idx %arg7[%broadcast_in_dim3A, %add3A_481] : memref<128x32xf32, #tpu.memory_space<vmem>>[vector<16xi32>, vector<16xi32>], vector<16xf32>,
        %gather3A_483 = arith.constant 0 : i32
        %gather3A_484 = arith.constant 0 : i32
        %gather3A_485 = tpu.memref_slice %arg9[%scan3A_234, %gather3A_483, %gather3A_484] : memref<4x200x16xf32, #tpu.memory_space<vmem>> -> memref<1x200x16xf32, #tpu.memory_space<vmem>>
        %gather3A_486 = tpu.memref_squeeze %gather3A_485 : memref<1x200x16xf32, #tpu.memory_space<vmem>> -> memref<200x16xf32, #tpu.memory_space<vmem>>
        %gather3A_487 = tpu.vector_load_idx %gather3A_486[%add3A_5, %broadcast_in_dim3A_478] : memref<200x16xf32, #tpu.memory_space<vmem>>[vector<16xi32>, vector<16xi32>], vector<16xf32>,
        %bitcast3A = vector.bitcast %gather3A_487 : vector<16xf32> to vector<32xbf16>
        %unpack3A = tpu.unpack_subelements %bitcast3A, 0 {pack_format = #tpu.pack_format<interleaved>} : vector<32xbf16> -> vector<16xf32>
        %unpack3A_488 = tpu.unpack_subelements %bitcast3A, 1 {pack_format = #tpu.pack_format<interleaved>} : vector<32xbf16> -> vector<16xf32>
        %mul3A_489 = arith.mulf %gather3A, %unpack3A : vector<16xf32>
        %add3A_490 = arith.addf %scan3A_465, %mul3A_489 : vector<16xf32>
        %mul3A_491 = arith.mulf %gather3A_482, %unpack3A_488 : vector<16xf32>
        %add3A_492 = arith.addf %add3A_490, %mul3A_491 : vector<16xf32>
        %gather3A_493 = arith.constant 0 : i32
        %gather3A_494 = arith.constant 0 : i32
        %gather3A_495 = tpu.memref_slice %arg9[%scan3A_234, %gather3A_493, %gather3A_494] : memref<4x200x16xf32, #tpu.memory_space<vmem>> -> memref<1x200x16xf32, #tpu.memory_space<vmem>>
        %gather3A_496 = tpu.memref_squeeze %gather3A_495 : memref<1x200x16xf32, #tpu.memory_space<vmem>> -> memref<200x16xf32, #tpu.memory_space<vmem>>
        %gather3A_497 = tpu.vector_load_idx %gather3A_496[%add3A_8, %broadcast_in_dim3A_478] : memref<200x16xf32, #tpu.memory_space<vmem>>[vector<16xi32>, vector<16xi32>], vector<16xf32>,
        %bitcast3A_498 = vector.bitcast %gather3A_497 : vector<16xf32> to vector<32xbf16>
        %unpack3A_499 = tpu.unpack_subelements %bitcast3A_498, 0 {pack_format = #tpu.pack_format<interleaved>} : vector<32xbf16> -> vector<16xf32>
        %unpack3A_500 = tpu.unpack_subelements %bitcast3A_498, 1 {pack_format = #tpu.pack_format<interleaved>} : vector<32xbf16> -> vector<16xf32>
        %mul3A_501 = arith.mulf %gather3A, %unpack3A_499 : vector<16xf32>
        %add3A_502 = arith.addf %scan3A_466, %mul3A_501 : vector<16xf32>
        %mul3A_503 = arith.mulf %gather3A_482, %unpack3A_500 : vector<16xf32>
        %add3A_504 = arith.addf %add3A_502, %mul3A_503 : vector<16xf32>
        %gather3A_505 = arith.constant 0 : i32
        %gather3A_506 = arith.constant 0 : i32
        %gather3A_507 = tpu.memref_slice %arg9[%scan3A_234, %gather3A_505, %gather3A_506] : memref<4x200x16xf32, #tpu.memory_space<vmem>> -> memref<1x200x16xf32, #tpu.memory_space<vmem>>
        %gather3A_508 = tpu.memref_squeeze %gather3A_507 : memref<1x200x16xf32, #tpu.memory_space<vmem>> -> memref<200x16xf32, #tpu.memory_space<vmem>>
        %gather3A_509 = tpu.vector_load_idx %gather3A_508[%add3A_11, %broadcast_in_dim3A_478] : memref<200x16xf32, #tpu.memory_space<vmem>>[vector<16xi32>, vector<16xi32>], vector<16xf32>,
        %bitcast3A_510 = vector.bitcast %gather3A_509 : vector<16xf32> to vector<32xbf16>
        %unpack3A_511 = tpu.unpack_subelements %bitcast3A_510, 0 {pack_format = #tpu.pack_format<interleaved>} : vector<32xbf16> -> vector<16xf32>
        %unpack3A_512 = tpu.unpack_subelements %bitcast3A_510, 1 {pack_format = #tpu.pack_format<interleaved>} : vector<32xbf16> -> vector<16xf32>
        %mul3A_513 = arith.mulf %gather3A, %unpack3A_511 : vector<16xf32>
        %add3A_514 = arith.addf %scan3A_467, %mul3A_513 : vector<16xf32>
        %mul3A_515 = arith.mulf %gather3A_482, %unpack3A_512 : vector<16xf32>
        %add3A_516 = arith.addf %add3A_514, %mul3A_515 : vector<16xf32>
        %gather3A_517 = arith.constant 0 : i32
        %gather3A_518 = arith.constant 0 : i32
        %gather3A_519 = tpu.memref_slice %arg9[%scan3A_234, %gather3A_517, %gather3A_518] : memref<4x200x16xf32, #tpu.memory_space<vmem>> -> memref<1x200x16xf32, #tpu.memory_space<vmem>>
        %gather3A_520 = tpu.memref_squeeze %gather3A_519 : memref<1x200x16xf32, #tpu.memory_space<vmem>> -> memref<200x16xf32, #tpu.memory_space<vmem>>
        %gather3A_521 = tpu.vector_load_idx %gather3A_520[%add3A_14, %broadcast_in_dim3A_478] : memref<200x16xf32, #tpu.memory_space<vmem>>[vector<16xi32>, vector<16xi32>], vector<16xf32>,
        %bitcast3A_522 = vector.bitcast %gather3A_521 : vector<16xf32> to vector<32xbf16>
        %unpack3A_523 = tpu.unpack_subelements %bitcast3A_522, 0 {pack_format = #tpu.pack_format<interleaved>} : vector<32xbf16> -> vector<16xf32>
        %unpack3A_524 = tpu.unpack_subelements %bitcast3A_522, 1 {pack_format = #tpu.pack_format<interleaved>} : vector<32xbf16> -> vector<16xf32>
        %mul3A_525 = arith.mulf %gather3A, %unpack3A_523 : vector<16xf32>
        %add3A_526 = arith.addf %scan3A_468, %mul3A_525 : vector<16xf32>
        %mul3A_527 = arith.mulf %gather3A_482, %unpack3A_524 : vector<16xf32>
        %add3A_528 = arith.addf %add3A_526, %mul3A_527 : vector<16xf32>
        %gather3A_529 = arith.constant 0 : i32
        %gather3A_530 = arith.constant 0 : i32
        %gather3A_531 = tpu.memref_slice %arg9[%scan3A_234, %gather3A_529, %gather3A_530] : memref<4x200x16xf32, #tpu.memory_space<vmem>> -> memref<1x200x16xf32, #tpu.memory_space<vmem>>
        %gather3A_532 = tpu.memref_squeeze %gather3A_531 : memref<1x200x16xf32, #tpu.memory_space<vmem>> -> memref<200x16xf32, #tpu.memory_space<vmem>>
        %gather3A_533 = tpu.vector_load_idx %gather3A_532[%add3A_17, %broadcast_in_dim3A_478] : memref<200x16xf32, #tpu.memory_space<vmem>>[vector<16xi32>, vector<16xi32>], vector<16xf32>,
        %bitcast3A_534 = vector.bitcast %gather3A_533 : vector<16xf32> to vector<32xbf16>
        %unpack3A_535 = tpu.unpack_subelements %bitcast3A_534, 0 {pack_format = #tpu.pack_format<interleaved>} : vector<32xbf16> -> vector<16xf32>
        %unpack3A_536 = tpu.unpack_subelements %bitcast3A_534, 1 {pack_format = #tpu.pack_format<interleaved>} : vector<32xbf16> -> vector<16xf32>
        %mul3A_537 = arith.mulf %gather3A, %unpack3A_535 : vector<16xf32>
        %add3A_538 = arith.addf %scan3A_469, %mul3A_537 : vector<16xf32>
        %mul3A_539 = arith.mulf %gather3A_482, %unpack3A_536 : vector<16xf32>
        %add3A_540 = arith.addf %add3A_538, %mul3A_539 : vector<16xf32>
        %gather3A_541 = arith.constant 0 : i32
        %gather3A_542 = arith.constant 0 : i32
        %gather3A_543 = tpu.memref_slice %arg9[%scan3A_234, %gather3A_541, %gather3A_542] : memref<4x200x16xf32, #tpu.memory_space<vmem>> -> memref<1x200x16xf32, #tpu.memory_space<vmem>>
        %gather3A_544 = tpu.memref_squeeze %gather3A_543 : memref<1x200x16xf32, #tpu.memory_space<vmem>> -> memref<200x16xf32, #tpu.memory_space<vmem>>
        %gather3A_545 = tpu.vector_load_idx %gather3A_544[%add3A_20, %broadcast_in_dim3A_478] : memref<200x16xf32, #tpu.memory_space<vmem>>[vector<16xi32>, vector<16xi32>], vector<16xf32>,
        %bitcast3A_546 = vector.bitcast %gather3A_545 : vector<16xf32> to vector<32xbf16>
        %unpack3A_547 = tpu.unpack_subelements %bitcast3A_546, 0 {pack_format = #tpu.pack_format<interleaved>} : vector<32xbf16> -> vector<16xf32>
        %unpack3A_548 = tpu.unpack_subelements %bitcast3A_546, 1 {pack_format = #tpu.pack_format<interleaved>} : vector<32xbf16> -> vector<16xf32>
        %mul3A_549 = arith.mulf %gather3A, %unpack3A_547 : vector<16xf32>
        %add3A_550 = arith.addf %scan3A_470, %mul3A_549 : vector<16xf32>
        %mul3A_551 = arith.mulf %gather3A_482, %unpack3A_548 : vector<16xf32>
        %add3A_552 = arith.addf %add3A_550, %mul3A_551 : vector<16xf32>
        %gather3A_553 = arith.constant 0 : i32
        %gather3A_554 = arith.constant 0 : i32
        %gather3A_555 = tpu.memref_slice %arg9[%scan3A_234, %gather3A_553, %gather3A_554] : memref<4x200x16xf32, #tpu.memory_space<vmem>> -> memref<1x200x16xf32, #tpu.memory_space<vmem>>
        %gather3A_556 = tpu.memref_squeeze %gather3A_555 : memref<1x200x16xf32, #tpu.memory_space<vmem>> -> memref<200x16xf32, #tpu.memory_space<vmem>>
        %gather3A_557 = tpu.vector_load_idx %gather3A_556[%add3A_23, %broadcast_in_dim3A_478] : memref<200x16xf32, #tpu.memory_space<vmem>>[vector<16xi32>, vector<16xi32>], vector<16xf32>,
        %bitcast3A_558 = vector.bitcast %gather3A_557 : vector<16xf32> to vector<32xbf16>
        %unpack3A_559 = tpu.unpack_subelements %bitcast3A_558, 0 {pack_format = #tpu.pack_format<interleaved>} : vector<32xbf16> -> vector<16xf32>
        %unpack3A_560 = tpu.unpack_subelements %bitcast3A_558, 1 {pack_format = #tpu.pack_format<interleaved>} : vector<32xbf16> -> vector<16xf32>
        %mul3A_561 = arith.mulf %gather3A, %unpack3A_559 : vector<16xf32>
        %add3A_562 = arith.addf %scan3A_471, %mul3A_561 : vector<16xf32>
        %mul3A_563 = arith.mulf %gather3A_482, %unpack3A_560 : vector<16xf32>
        %add3A_564 = arith.addf %add3A_562, %mul3A_563 : vector<16xf32>
        %gather3A_565 = arith.constant 0 : i32
        %gather3A_566 = arith.constant 0 : i32
        %gather3A_567 = tpu.memref_slice %arg9[%scan3A_234, %gather3A_565, %gather3A_566] : memref<4x200x16xf32, #tpu.memory_space<vmem>> -> memref<1x200x16xf32, #tpu.memory_space<vmem>>
        %gather3A_568 = tpu.memref_squeeze %gather3A_567 : memref<1x200x16xf32, #tpu.memory_space<vmem>> -> memref<200x16xf32, #tpu.memory_space<vmem>>
        %gather3A_569 = tpu.vector_load_idx %gather3A_568[%add3A_26, %broadcast_in_dim3A_478] : memref<200x16xf32, #tpu.memory_space<vmem>>[vector<16xi32>, vector<16xi32>], vector<16xf32>,
        %bitcast3A_570 = vector.bitcast %gather3A_569 : vector<16xf32> to vector<32xbf16>
        %unpack3A_571 = tpu.unpack_subelements %bitcast3A_570, 0 {pack_format = #tpu.pack_format<interleaved>} : vector<32xbf16> -> vector<16xf32>
        %unpack3A_572 = tpu.unpack_subelements %bitcast3A_570, 1 {pack_format = #tpu.pack_format<interleaved>} : vector<32xbf16> -> vector<16xf32>
        %mul3A_573 = arith.mulf %gather3A, %unpack3A_571 : vector<16xf32>
        %add3A_574 = arith.addf %scan3A_472, %mul3A_573 : vector<16xf32>
        %mul3A_575 = arith.mulf %gather3A_482, %unpack3A_572 : vector<16xf32>
        %add3A_576 = arith.addf %add3A_574, %mul3A_575 : vector<16xf32>
        %gather3A_577 = arith.constant 0 : i32
        %gather3A_578 = arith.constant 0 : i32
        %gather3A_579 = tpu.memref_slice %arg9[%scan3A_234, %gather3A_577, %gather3A_578] : memref<4x200x16xf32, #tpu.memory_space<vmem>> -> memref<1x200x16xf32, #tpu.memory_space<vmem>>
        %gather3A_580 = tpu.memref_squeeze %gather3A_579 : memref<1x200x16xf32, #tpu.memory_space<vmem>> -> memref<200x16xf32, #tpu.memory_space<vmem>>
        %gather3A_581 = tpu.vector_load_idx %gather3A_580[%add3A_29, %broadcast_in_dim3A_478] : memref<200x16xf32, #tpu.memory_space<vmem>>[vector<16xi32>, vector<16xi32>], vector<16xf32>,
        %bitcast3A_582 = vector.bitcast %gather3A_581 : vector<16xf32> to vector<32xbf16>
        %unpack3A_583 = tpu.unpack_subelements %bitcast3A_582, 0 {pack_format = #tpu.pack_format<interleaved>} : vector<32xbf16> -> vector<16xf32>
        %unpack3A_584 = tpu.unpack_subelements %bitcast3A_582, 1 {pack_format = #tpu.pack_format<interleaved>} : vector<32xbf16> -> vector<16xf32>
        %mul3A_585 = arith.mulf %gather3A, %unpack3A_583 : vector<16xf32>
        %add3A_586 = arith.addf %scan3A_473, %mul3A_585 : vector<16xf32>
        %mul3A_587 = arith.mulf %gather3A_482, %unpack3A_584 : vector<16xf32>
        %add3A_588 = arith.addf %add3A_586, %mul3A_587 : vector<16xf32>
        %gather3A_589 = arith.constant 0 : i32
        %gather3A_590 = arith.constant 0 : i32
        %gather3A_591 = tpu.memref_slice %arg9[%scan3A_234, %gather3A_589, %gather3A_590] : memref<4x200x16xf32, #tpu.memory_space<vmem>> -> memref<1x200x16xf32, #tpu.memory_space<vmem>>
        %gather3A_592 = tpu.memref_squeeze %gather3A_591 : memref<1x200x16xf32, #tpu.memory_space<vmem>> -> memref<200x16xf32, #tpu.memory_space<vmem>>
        %gather3A_593 = tpu.vector_load_idx %gather3A_592[%add3A_32, %broadcast_in_dim3A_478] : memref<200x16xf32, #tpu.memory_space<vmem>>[vector<16xi32>, vector<16xi32>], vector<16xf32>,
        %bitcast3A_594 = vector.bitcast %gather3A_593 : vector<16xf32> to vector<32xbf16>
        %unpack3A_595 = tpu.unpack_subelements %bitcast3A_594, 0 {pack_format = #tpu.pack_format<interleaved>} : vector<32xbf16> -> vector<16xf32>
        %unpack3A_596 = tpu.unpack_subelements %bitcast3A_594, 1 {pack_format = #tpu.pack_format<interleaved>} : vector<32xbf16> -> vector<16xf32>
        %mul3A_597 = arith.mulf %gather3A, %unpack3A_595 : vector<16xf32>
        %add3A_598 = arith.addf %scan3A_474, %mul3A_597 : vector<16xf32>
        %mul3A_599 = arith.mulf %gather3A_482, %unpack3A_596 : vector<16xf32>
        %add3A_600 = arith.addf %add3A_598, %mul3A_599 : vector<16xf32>
        %gather3A_601 = arith.constant 0 : i32
        %gather3A_602 = arith.constant 0 : i32
        %gather3A_603 = tpu.memref_slice %arg9[%scan3A_234, %gather3A_601, %gather3A_602] : memref<4x200x16xf32, #tpu.memory_space<vmem>> -> memref<1x200x16xf32, #tpu.memory_space<vmem>>
        %gather3A_604 = tpu.memref_squeeze %gather3A_603 : memref<1x200x16xf32, #tpu.memory_space<vmem>> -> memref<200x16xf32, #tpu.memory_space<vmem>>
        %gather3A_605 = tpu.vector_load_idx %gather3A_604[%add3A_35, %broadcast_in_dim3A_478] : memref<200x16xf32, #tpu.memory_space<vmem>>[vector<16xi32>, vector<16xi32>], vector<16xf32>,
        %bitcast3A_606 = vector.bitcast %gather3A_605 : vector<16xf32> to vector<32xbf16>
        %unpack3A_607 = tpu.unpack_subelements %bitcast3A_606, 0 {pack_format = #tpu.pack_format<interleaved>} : vector<32xbf16> -> vector<16xf32>
        %unpack3A_608 = tpu.unpack_subelements %bitcast3A_606, 1 {pack_format = #tpu.pack_format<interleaved>} : vector<32xbf16> -> vector<16xf32>
        %mul3A_609 = arith.mulf %gather3A, %unpack3A_607 : vector<16xf32>
        %add3A_610 = arith.addf %scan3A_475, %mul3A_609 : vector<16xf32>
        %mul3A_611 = arith.mulf %gather3A_482, %unpack3A_608 : vector<16xf32>
        %add3A_612 = arith.addf %add3A_610, %mul3A_611 : vector<16xf32>
        %gather3A_613 = arith.constant 0 : i32
        %gather3A_614 = arith.constant 0 : i32
        %gather3A_615 = tpu.memref_slice %arg9[%scan3A_234, %gather3A_613, %gather3A_614] : memref<4x200x16xf32, #tpu.memory_space<vmem>> -> memref<1x200x16xf32, #tpu.memory_space<vmem>>
        %gather3A_616 = tpu.memref_squeeze %gather3A_615 : memref<1x200x16xf32, #tpu.memory_space<vmem>> -> memref<200x16xf32, #tpu.memory_space<vmem>>
        %gather3A_617 = tpu.vector_load_idx %gather3A_616[%add3A_38, %broadcast_in_dim3A_478] : memref<200x16xf32, #tpu.memory_space<vmem>>[vector<16xi32>, vector<16xi32>], vector<16xf32>,
        %bitcast3A_618 = vector.bitcast %gather3A_617 : vector<16xf32> to vector<32xbf16>
        %unpack3A_619 = tpu.unpack_subelements %bitcast3A_618, 0 {pack_format = #tpu.pack_format<interleaved>} : vector<32xbf16> -> vector<16xf32>
        %unpack3A_620 = tpu.unpack_subelements %bitcast3A_618, 1 {pack_format = #tpu.pack_format<interleaved>} : vector<32xbf16> -> vector<16xf32>
        %mul3A_621 = arith.mulf %gather3A, %unpack3A_619 : vector<16xf32>
        %add3A_622 = arith.addf %scan3A_476, %mul3A_621 : vector<16xf32>
        %mul3A_623 = arith.mulf %gather3A_482, %unpack3A_620 : vector<16xf32>
        %add3A_624 = arith.addf %add3A_622, %mul3A_623 : vector<16xf32>
        %gather3A_625 = arith.constant 0 : i32
        %gather3A_626 = arith.constant 0 : i32
        %gather3A_627 = tpu.memref_slice %arg9[%scan3A_234, %gather3A_625, %gather3A_626] : memref<4x200x16xf32, #tpu.memory_space<vmem>> -> memref<1x200x16xf32, #tpu.memory_space<vmem>>
        %gather3A_628 = tpu.memref_squeeze %gather3A_627 : memref<1x200x16xf32, #tpu.memory_space<vmem>> -> memref<200x16xf32, #tpu.memory_space<vmem>>
        %gather3A_629 = tpu.vector_load_idx %gather3A_628[%add3A_41, %broadcast_in_dim3A_478] : memref<200x16xf32, #tpu.memory_space<vmem>>[vector<16xi32>, vector<16xi32>], vector<16xf32>,
        %bitcast3A_630 = vector.bitcast %gather3A_629 : vector<16xf32> to vector<32xbf16>
        %unpack3A_631 = tpu.unpack_subelements %bitcast3A_630, 0 {pack_format = #tpu.pack_format<interleaved>} : vector<32xbf16> -> vector<16xf32>
        %unpack3A_632 = tpu.unpack_subelements %bitcast3A_630, 1 {pack_format = #tpu.pack_format<interleaved>} : vector<32xbf16> -> vector<16xf32>
        %mul3A_633 = arith.mulf %gather3A, %unpack3A_631 : vector<16xf32>
        %add3A_634 = arith.addf %scan3A_477, %mul3A_633 : vector<16xf32>
        %mul3A_635 = arith.mulf %gather3A_482, %unpack3A_632 : vector<16xf32>
        %add3A_636 = arith.addf %add3A_634, %mul3A_635 : vector<16xf32>
        scf.yield %add3A_492, %add3A_504, %add3A_516, %add3A_528, %add3A_540, %add3A_552, %add3A_564, %add3A_576, %add3A_588, %add3A_600, %add3A_612, %add3A_624, %add3A_636 : vector<16xf32>, vector<16xf32>, vector<16xf32>, vector<16xf32>, vector<16xf32>, vector<16xf32>, vector<16xf32>, vector<16xf32>, vector<16xf32>, vector<16xf32>, vector<16xf32>, vector<16xf32>, vector<16xf32>
      }
      %scan3A_240 = arith.constant 16 : i32
      tpu.vector_store_idx %arg8[%broadcast_in_dim3A, %add3A_5], %scan3A_239#0 : memref<128x200xf32, #tpu.memory_space<vmem>>[vector<16xi32>, vector<16xi32>], vector<16xf32>,
      tpu.vector_store_idx %arg8[%broadcast_in_dim3A, %add3A_8], %scan3A_239#1 : memref<128x200xf32, #tpu.memory_space<vmem>>[vector<16xi32>, vector<16xi32>], vector<16xf32>,
      tpu.vector_store_idx %arg8[%broadcast_in_dim3A, %add3A_11], %scan3A_239#2 : memref<128x200xf32, #tpu.memory_space<vmem>>[vector<16xi32>, vector<16xi32>], vector<16xf32>,
      tpu.vector_store_idx %arg8[%broadcast_in_dim3A, %add3A_14], %scan3A_239#3 : memref<128x200xf32, #tpu.memory_space<vmem>>[vector<16xi32>, vector<16xi32>], vector<16xf32>,
      tpu.vector_store_idx %arg8[%broadcast_in_dim3A, %add3A_17], %scan3A_239#4 : memref<128x200xf32, #tpu.memory_space<vmem>>[vector<16xi32>, vector<16xi32>], vector<16xf32>,
      tpu.vector_store_idx %arg8[%broadcast_in_dim3A, %add3A_20], %scan3A_239#5 : memref<128x200xf32, #tpu.memory_space<vmem>>[vector<16xi32>, vector<16xi32>], vector<16xf32>,
      tpu.vector_store_idx %arg8[%broadcast_in_dim3A, %add3A_23], %scan3A_239#6 : memref<128x200xf32, #tpu.memory_space<vmem>>[vector<16xi32>, vector<16xi32>], vector<16xf32>,
      tpu.vector_store_idx %arg8[%broadcast_in_dim3A, %add3A_26], %scan3A_239#7 : memref<128x200xf32, #tpu.memory_space<vmem>>[vector<16xi32>, vector<16xi32>], vector<16xf32>,
      tpu.vector_store_idx %arg8[%broadcast_in_dim3A, %add3A_29], %scan3A_239#8 : memref<128x200xf32, #tpu.memory_space<vmem>>[vector<16xi32>, vector<16xi32>], vector<16xf32>,
      tpu.vector_store_idx %arg8[%broadcast_in_dim3A, %add3A_32], %scan3A_239#9 : memref<128x200xf32, #tpu.memory_space<vmem>>[vector<16xi32>, vector<16xi32>], vector<16xf32>,
      tpu.vector_store_idx %arg8[%broadcast_in_dim3A, %add3A_35], %scan3A_239#10 : memref<128x200xf32, #tpu.memory_space<vmem>>[vector<16xi32>, vector<16xi32>], vector<16xf32>,
      tpu.vector_store_idx %arg8[%broadcast_in_dim3A, %add3A_38], %scan3A_239#11 : memref<128x200xf32, #tpu.memory_space<vmem>>[vector<16xi32>, vector<16xi32>], vector<16xf32>,
      tpu.vector_store_idx %arg8[%broadcast_in_dim3A, %add3A_41], %scan3A_239#12 : memref<128x200xf32, #tpu.memory_space<vmem>>[vector<16xi32>, vector<16xi32>], vector<16xf32>,
      %add3A_241 = arith.constant 4 : i32
      %add3A_242 = arith.addi %add3A_178, %add3A_241 : i32
      %lt3A = arith.constant 128 : i32
      %lt3A_243 = arith.cmpi slt, %add3A_242, %lt3A : i32
      %convert_element_type3A = arith.extui %lt3A_243 : i1 to i32
      %cond3A = arith.constant 0 : i32
      %cond3A_244 = arith.cmpi ne, %convert_element_type3A, %cond3A : i32
      scf.if %cond3A_244 {
        %add3A_464 = arith.constant 4 : i32
        %add3A_465 = arith.addi %add3A_178, %add3A_464 : i32
        %dma_start3A_466 = arith.constant 0 : i32
        %dma_start3A_467 = arith.constant 0 : i32
        %dma_start3A_468 = arith.constant 0 : i32
        %dma_start3A_469 = arith.constant 0 : i32
        %dma_start3A_470 = tpu.memref_slice %arg9[%dma_start3A_467, %dma_start3A_468, %dma_start3A_469] : memref<4x200x16xf32, #tpu.memory_space<vmem>> -> memref<1x200x16xf32, #tpu.memory_space<vmem>>
        %dma_start3A_471 = tpu.memref_squeeze %dma_start3A_470 : memref<1x200x16xf32, #tpu.memory_space<vmem>> -> memref<200x16xf32, #tpu.memory_space<vmem>>
        %dma_start3A_472 = arith.constant 0 : i32
        %dma_start3A_473 = arith.constant 0 : i32
        %dma_start3A_474 = tpu.memref_slice %dma_start3A_471[%dma_start3A_472, %dma_start3A_473] : memref<200x16xf32, #tpu.memory_space<vmem>> -> memref<100x16xf32, #tpu.memory_space<vmem>>
        %dma_start3A_475 = arith.constant 0 : i32
        %dma_start3A_476 = tpu.memref_slice %arg6[%add3A_465, %dma_start3A_466, %dma_start3A_475] : memref<128x2x100xi32, #tpu.memory_space<vmem>> -> memref<1x1x100xi32, #tpu.memory_space<vmem>>
        %dma_start3A_477 = tpu.memref_squeeze %dma_start3A_476 : memref<1x1x100xi32, #tpu.memory_space<vmem>> -> memref<100xi32, #tpu.memory_space<vmem>>
        %dma_start3A_478 = arith.constant 0 : i32
        %dma_start3A_479 = arith.constant 0 : i32
        %dma_start3A_480 = tpu.memref_slice %arg4[%dma_start3A_478, %dma_start3A_479] : memref<1024000x16xf32, #tpu.memory_space<hbm>> -> memref<1024000x16xf32, #tpu.memory_space<hbm>>
        tpu.enqueue_indirect_dma source(%dma_start3A_480 : memref<1024000x16xf32, #tpu.memory_space<hbm>>) target(%dma_start3A_474 : memref<100x16xf32, #tpu.memory_space<vmem>>) offsets(%dma_start3A_477 : memref<100xi32, #tpu.memory_space<vmem>>) semaphore(%arg10 : memref<!tpu.dma_semaphore, #tpu.memory_space<semaphore_mem>>)
        %dma_start3A_481 = arith.constant 1 : i32
        %dma_start3A_482 = arith.constant 0 : i32
        %dma_start3A_483 = arith.constant 0 : i32
        %dma_start3A_484 = arith.constant 0 : i32
        %dma_start3A_485 = tpu.memref_slice %arg9[%dma_start3A_482, %dma_start3A_483, %dma_start3A_484] : memref<4x200x16xf32, #tpu.memory_space<vmem>> -> memref<1x200x16xf32, #tpu.memory_space<vmem>>
        %dma_start3A_486 = tpu.memref_squeeze %dma_start3A_485 : memref<1x200x16xf32, #tpu.memory_space<vmem>> -> memref<200x16xf32, #tpu.memory_space<vmem>>
        %dma_start3A_487 = arith.constant 100 : i32
        %dma_start3A_488 = arith.constant 0 : i32
        %dma_start3A_489 = tpu.memref_slice %dma_start3A_486[%dma_start3A_487, %dma_start3A_488] : memref<200x16xf32, #tpu.memory_space<vmem>> -> memref<100x16xf32, #tpu.memory_space<vmem>>
        %dma_start3A_490 = arith.constant 0 : i32
        %dma_start3A_491 = tpu.memref_slice %arg6[%add3A_465, %dma_start3A_481, %dma_start3A_490] : memref<128x2x100xi32, #tpu.memory_space<vmem>> -> memref<1x1x100xi32, #tpu.memory_space<vmem>>
        %dma_start3A_492 = tpu.memref_squeeze %dma_start3A_491 : memref<1x1x100xi32, #tpu.memory_space<vmem>> -> memref<100xi32, #tpu.memory_space<vmem>>
        %dma_start3A_493 = arith.constant 0 : i32
        %dma_start3A_494 = arith.constant 0 : i32
        %dma_start3A_495 = tpu.memref_slice %arg4[%dma_start3A_493, %dma_start3A_494] : memref<1024000x16xf32, #tpu.memory_space<hbm>> -> memref<1024000x16xf32, #tpu.memory_space<hbm>>
        tpu.enqueue_indirect_dma source(%dma_start3A_495 : memref<1024000x16xf32, #tpu.memory_space<hbm>>) target(%dma_start3A_489 : memref<100x16xf32, #tpu.memory_space<vmem>>) offsets(%dma_start3A_492 : memref<100xi32, #tpu.memory_space<vmem>>) semaphore(%arg10 : memref<!tpu.dma_semaphore, #tpu.memory_space<semaphore_mem>>)
      } else {
      }
      %add3A_245 = arith.constant 1 : i32
      %add3A_246 = arith.addi %mul3A_176, %add3A_245 : i32
      %dma_wait3A_247 = arith.constant 0 : i32
      %dma_wait3A_248 = arith.constant 1 : i32
      %dma_wait3A_249 = arith.constant 0 : i32
      %dma_wait3A_250 = arith.constant 0 : i32
      %dma_wait3A_251 = tpu.memref_slice %arg9[%dma_wait3A_248, %dma_wait3A_249, %dma_wait3A_250] : memref<4x200x16xf32, #tpu.memory_space<vmem>> -> memref<1x200x16xf32, #tpu.memory_space<vmem>>
      %dma_wait3A_252 = tpu.memref_squeeze %dma_wait3A_251 : memref<1x200x16xf32, #tpu.memory_space<vmem>> -> memref<200x16xf32, #tpu.memory_space<vmem>>
      %dma_wait3A_253 = arith.constant 0 : i32
      %dma_wait3A_254 = arith.constant 0 : i32
      %dma_wait3A_255 = tpu.memref_slice %dma_wait3A_252[%dma_wait3A_253, %dma_wait3A_254] : memref<200x16xf32, #tpu.memory_space<vmem>> -> memref<100x16xf32, #tpu.memory_space<vmem>>
      %dma_wait3A_256 = arith.constant 0 : i32
      %dma_wait3A_257 = tpu.memref_slice %arg6[%add3A_246, %dma_wait3A_247, %dma_wait3A_256] : memref<128x2x100xi32, #tpu.memory_space<vmem>> -> memref<1x1x100xi32, #tpu.memory_space<vmem>>
      %dma_wait3A_258 = tpu.memref_squeeze %dma_wait3A_257 : memref<1x1x100xi32, #tpu.memory_space<vmem>> -> memref<100xi32, #tpu.memory_space<vmem>>
      %dma_wait3A_259 = arith.constant 0 : i32
      %dma_wait3A_260 = arith.constant 0 : i32
      %dma_wait3A_261 = tpu.memref_slice %arg4[%dma_wait3A_259, %dma_wait3A_260] : memref<1024000x16xf32, #tpu.memory_space<hbm>> -> memref<1024000x16xf32, #tpu.memory_space<hbm>>
      tpu.wait_indirect_dma semaphore(%arg11 : memref<!tpu.dma_semaphore, #tpu.memory_space<semaphore_mem>>) src(%dma_wait3A_261 : memref<1024000x16xf32, #tpu.memory_space<hbm>>) dst(%dma_wait3A_255 : memref<100x16xf32, #tpu.memory_space<vmem>>)
      %dma_wait3A_262 = arith.constant 1 : i32
      %dma_wait3A_263 = arith.constant 1 : i32
      %dma_wait3A_264 = arith.constant 0 : i32
      %dma_wait3A_265 = arith.constant 0 : i32
      %dma_wait3A_266 = tpu.memref_slice %arg9[%dma_wait3A_263, %dma_wait3A_264, %dma_wait3A_265] : memref<4x200x16xf32, #tpu.memory_space<vmem>> -> memref<1x200x16xf32, #tpu.memory_space<vmem>>
      %dma_wait3A_267 = tpu.memref_squeeze %dma_wait3A_266 : memref<1x200x16xf32, #tpu.memory_space<vmem>> -> memref<200x16xf32, #tpu.memory_space<vmem>>
      %dma_wait3A_268 = arith.constant 100 : i32
      %dma_wait3A_269 = arith.constant 0 : i32
      %dma_wait3A_270 = tpu.memref_slice %dma_wait3A_267[%dma_wait3A_268, %dma_wait3A_269] : memref<200x16xf32, #tpu.memory_space<vmem>> -> memref<100x16xf32, #tpu.memory_space<vmem>>
      %dma_wait3A_271 = arith.constant 0 : i32
      %dma_wait3A_272 = tpu.memref_slice %arg6[%add3A_246, %dma_wait3A_262, %dma_wait3A_271] : memref<128x2x100xi32, #tpu.memory_space<vmem>> -> memref<1x1x100xi32, #tpu.memory_space<vmem>>
      %dma_wait3A_273 = tpu.memref_squeeze %dma_wait3A_272 : memref<1x1x100xi32, #tpu.memory_space<vmem>> -> memref<100xi32, #tpu.memory_space<vmem>>
      %dma_wait3A_274 = arith.constant 0 : i32
      %dma_wait3A_275 = arith.constant 0 : i32
      %dma_wait3A_276 = tpu.memref_slice %arg4[%dma_wait3A_274, %dma_wait3A_275] : memref<1024000x16xf32, #tpu.memory_space<hbm>> -> memref<1024000x16xf32, #tpu.memory_space<hbm>>
      tpu.wait_indirect_dma semaphore(%arg11 : memref<!tpu.dma_semaphore, #tpu.memory_space<semaphore_mem>>) src(%dma_wait3A_276 : memref<1024000x16xf32, #tpu.memory_space<hbm>>) dst(%dma_wait3A_270 : memref<100x16xf32, #tpu.memory_space<vmem>>)
      %broadcast_in_dim3A_277 = vector.broadcast %add3A_246 : i32 to vector<16xi32>
      %broadcast_in_dim3A_278 = arith.constant 0.000000e+00 : f32
      %broadcast_in_dim3A_279 = vector.broadcast %broadcast_in_dim3A_278 : f32 to vector<16xf32>
      %broadcast_in_dim3A_280 = arith.constant 0.000000e+00 : f32
      %broadcast_in_dim3A_281 = vector.broadcast %broadcast_in_dim3A_280 : f32 to vector<16xf32>
      %broadcast_in_dim3A_282 = arith.constant 0.000000e+00 : f32
      %broadcast_in_dim3A_283 = vector.broadcast %broadcast_in_dim3A_282 : f32 to vector<16xf32>
      %broadcast_in_dim3A_284 = arith.constant 0.000000e+00 : f32
      %broadcast_in_dim3A_285 = vector.broadcast %broadcast_in_dim3A_284 : f32 to vector<16xf32>
      %broadcast_in_dim3A_286 = arith.constant 0.000000e+00 : f32
      %broadcast_in_dim3A_287 = vector.broadcast %broadcast_in_dim3A_286 : f32 to vector<16xf32>
      %broadcast_in_dim3A_288 = arith.constant 0.000000e+00 : f32
      %broadcast_in_dim3A_289 = vector.broadcast %broadcast_in_dim3A_288 : f32 to vector<16xf32>
      %broadcast_in_dim3A_290 = arith.constant 0.000000e+00 : f32
      %broadcast_in_dim3A_291 = vector.broadcast %broadcast_in_dim3A_290 : f32 to vector<16xf32>
      %broadcast_in_dim3A_292 = arith.constant 0.000000e+00 : f32
      %broadcast_in_dim3A_293 = vector.broadcast %broadcast_in_dim3A_292 : f32 to vector<16xf32>
      %broadcast_in_dim3A_294 = arith.constant 0.000000e+00 : f32
      %broadcast_in_dim3A_295 = vector.broadcast %broadcast_in_dim3A_294 : f32 to vector<16xf32>
      %broadcast_in_dim3A_296 = arith.constant 0.000000e+00 : f32
      %broadcast_in_dim3A_297 = vector.broadcast %broadcast_in_dim3A_296 : f32 to vector<16xf32>
      %broadcast_in_dim3A_298 = arith.constant 0.000000e+00 : f32
      %broadcast_in_dim3A_299 = vector.broadcast %broadcast_in_dim3A_298 : f32 to vector<16xf32>
      %broadcast_in_dim3A_300 = arith.constant 0.000000e+00 : f32
      %broadcast_in_dim3A_301 = vector.broadcast %broadcast_in_dim3A_300 : f32 to vector<16xf32>
      %broadcast_in_dim3A_302 = arith.constant 0.000000e+00 : f32
      %broadcast_in_dim3A_303 = vector.broadcast %broadcast_in_dim3A_302 : f32 to vector<16xf32>
      %scan3A_304 = arith.constant 1 : i32
      %scan3A_305 = arith.constant 0 : i32
      %scan3A_306 = arith.constant 16 : i32
      %scan3A_307 = arith.addi %scan3A_305, %scan3A_306 : i32
      %scan3A_308 = arith.constant 1 : i32
      %scan3A_309:13 = scf.for %scan3A_464 = %scan3A_305 to %scan3A_307 step %scan3A_308 iter_args(%scan3A_465 = %broadcast_in_dim3A_279, %scan3A_466 = %broadcast_in_dim3A_281, %scan3A_467 = %broadcast_in_dim3A_283, %scan3A_468 = %broadcast_in_dim3A_285, %scan3A_469 = %broadcast_in_dim3A_287, %scan3A_470 = %broadcast_in_dim3A_289, %scan3A_471 = %broadcast_in_dim3A_291, %scan3A_472 = %broadcast_in_dim3A_293, %scan3A_473 = %broadcast_in_dim3A_295, %scan3A_474 = %broadcast_in_dim3A_297, %scan3A_475 = %broadcast_in_dim3A_299, %scan3A_476 = %broadcast_in_dim3A_301, %scan3A_477 = %broadcast_in_dim3A_303) -> (vector<16xf32>, vector<16xf32>, vector<16xf32>, vector<16xf32>, vector<16xf32>, vector<16xf32>, vector<16xf32>, vector<16xf32>, vector<16xf32>, vector<16xf32>, vector<16xf32>, vector<16xf32>, vector<16xf32>)  : i32 {
        %broadcast_in_dim3A_478 = vector.broadcast %scan3A_464 : i32 to vector<16xi32>
        %gather3A = tpu.vector_load_idx %arg7[%broadcast_in_dim3A_277, %broadcast_in_dim3A_478] : memref<128x32xf32, #tpu.memory_space<vmem>>[vector<16xi32>, vector<16xi32>], vector<16xf32>,
        %add3A_479 = arith.constant 16 : i32
        %add3A_480 = vector.broadcast %add3A_479 : i32 to vector<16xi32>
        %add3A_481 = arith.addi %broadcast_in_dim3A_478, %add3A_480 : vector<16xi32>
        %gather3A_482 = tpu.vector_load_idx %arg7[%broadcast_in_dim3A_277, %add3A_481] : memref<128x32xf32, #tpu.memory_space<vmem>>[vector<16xi32>, vector<16xi32>], vector<16xf32>,
        %gather3A_483 = arith.constant 0 : i32
        %gather3A_484 = arith.constant 0 : i32
        %gather3A_485 = tpu.memref_slice %arg9[%scan3A_304, %gather3A_483, %gather3A_484] : memref<4x200x16xf32, #tpu.memory_space<vmem>> -> memref<1x200x16xf32, #tpu.memory_space<vmem>>
        %gather3A_486 = tpu.memref_squeeze %gather3A_485 : memref<1x200x16xf32, #tpu.memory_space<vmem>> -> memref<200x16xf32, #tpu.memory_space<vmem>>
        %gather3A_487 = tpu.vector_load_idx %gather3A_486[%add3A_5, %broadcast_in_dim3A_478] : memref<200x16xf32, #tpu.memory_space<vmem>>[vector<16xi32>, vector<16xi32>], vector<16xf32>,
        %bitcast3A = vector.bitcast %gather3A_487 : vector<16xf32> to vector<32xbf16>
        %unpack3A = tpu.unpack_subelements %bitcast3A, 0 {pack_format = #tpu.pack_format<interleaved>} : vector<32xbf16> -> vector<16xf32>
        %unpack3A_488 = tpu.unpack_subelements %bitcast3A, 1 {pack_format = #tpu.pack_format<interleaved>} : vector<32xbf16> -> vector<16xf32>
        %mul3A_489 = arith.mulf %gather3A, %unpack3A : vector<16xf32>
        %add3A_490 = arith.addf %scan3A_465, %mul3A_489 : vector<16xf32>
        %mul3A_491 = arith.mulf %gather3A_482, %unpack3A_488 : vector<16xf32>
        %add3A_492 = arith.addf %add3A_490, %mul3A_491 : vector<16xf32>
        %gather3A_493 = arith.constant 0 : i32
        %gather3A_494 = arith.constant 0 : i32
        %gather3A_495 = tpu.memref_slice %arg9[%scan3A_304, %gather3A_493, %gather3A_494] : memref<4x200x16xf32, #tpu.memory_space<vmem>> -> memref<1x200x16xf32, #tpu.memory_space<vmem>>
        %gather3A_496 = tpu.memref_squeeze %gather3A_495 : memref<1x200x16xf32, #tpu.memory_space<vmem>> -> memref<200x16xf32, #tpu.memory_space<vmem>>
        %gather3A_497 = tpu.vector_load_idx %gather3A_496[%add3A_8, %broadcast_in_dim3A_478] : memref<200x16xf32, #tpu.memory_space<vmem>>[vector<16xi32>, vector<16xi32>], vector<16xf32>,
        %bitcast3A_498 = vector.bitcast %gather3A_497 : vector<16xf32> to vector<32xbf16>
        %unpack3A_499 = tpu.unpack_subelements %bitcast3A_498, 0 {pack_format = #tpu.pack_format<interleaved>} : vector<32xbf16> -> vector<16xf32>
        %unpack3A_500 = tpu.unpack_subelements %bitcast3A_498, 1 {pack_format = #tpu.pack_format<interleaved>} : vector<32xbf16> -> vector<16xf32>
        %mul3A_501 = arith.mulf %gather3A, %unpack3A_499 : vector<16xf32>
        %add3A_502 = arith.addf %scan3A_466, %mul3A_501 : vector<16xf32>
        %mul3A_503 = arith.mulf %gather3A_482, %unpack3A_500 : vector<16xf32>
        %add3A_504 = arith.addf %add3A_502, %mul3A_503 : vector<16xf32>
        %gather3A_505 = arith.constant 0 : i32
        %gather3A_506 = arith.constant 0 : i32
        %gather3A_507 = tpu.memref_slice %arg9[%scan3A_304, %gather3A_505, %gather3A_506] : memref<4x200x16xf32, #tpu.memory_space<vmem>> -> memref<1x200x16xf32, #tpu.memory_space<vmem>>
        %gather3A_508 = tpu.memref_squeeze %gather3A_507 : memref<1x200x16xf32, #tpu.memory_space<vmem>> -> memref<200x16xf32, #tpu.memory_space<vmem>>
        %gather3A_509 = tpu.vector_load_idx %gather3A_508[%add3A_11, %broadcast_in_dim3A_478] : memref<200x16xf32, #tpu.memory_space<vmem>>[vector<16xi32>, vector<16xi32>], vector<16xf32>,
        %bitcast3A_510 = vector.bitcast %gather3A_509 : vector<16xf32> to vector<32xbf16>
        %unpack3A_511 = tpu.unpack_subelements %bitcast3A_510, 0 {pack_format = #tpu.pack_format<interleaved>} : vector<32xbf16> -> vector<16xf32>
        %unpack3A_512 = tpu.unpack_subelements %bitcast3A_510, 1 {pack_format = #tpu.pack_format<interleaved>} : vector<32xbf16> -> vector<16xf32>
        %mul3A_513 = arith.mulf %gather3A, %unpack3A_511 : vector<16xf32>
        %add3A_514 = arith.addf %scan3A_467, %mul3A_513 : vector<16xf32>
        %mul3A_515 = arith.mulf %gather3A_482, %unpack3A_512 : vector<16xf32>
        %add3A_516 = arith.addf %add3A_514, %mul3A_515 : vector<16xf32>
        %gather3A_517 = arith.constant 0 : i32
        %gather3A_518 = arith.constant 0 : i32
        %gather3A_519 = tpu.memref_slice %arg9[%scan3A_304, %gather3A_517, %gather3A_518] : memref<4x200x16xf32, #tpu.memory_space<vmem>> -> memref<1x200x16xf32, #tpu.memory_space<vmem>>
        %gather3A_520 = tpu.memref_squeeze %gather3A_519 : memref<1x200x16xf32, #tpu.memory_space<vmem>> -> memref<200x16xf32, #tpu.memory_space<vmem>>
        %gather3A_521 = tpu.vector_load_idx %gather3A_520[%add3A_14, %broadcast_in_dim3A_478] : memref<200x16xf32, #tpu.memory_space<vmem>>[vector<16xi32>, vector<16xi32>], vector<16xf32>,
        %bitcast3A_522 = vector.bitcast %gather3A_521 : vector<16xf32> to vector<32xbf16>
        %unpack3A_523 = tpu.unpack_subelements %bitcast3A_522, 0 {pack_format = #tpu.pack_format<interleaved>} : vector<32xbf16> -> vector<16xf32>
        %unpack3A_524 = tpu.unpack_subelements %bitcast3A_522, 1 {pack_format = #tpu.pack_format<interleaved>} : vector<32xbf16> -> vector<16xf32>
        %mul3A_525 = arith.mulf %gather3A, %unpack3A_523 : vector<16xf32>
        %add3A_526 = arith.addf %scan3A_468, %mul3A_525 : vector<16xf32>
        %mul3A_527 = arith.mulf %gather3A_482, %unpack3A_524 : vector<16xf32>
        %add3A_528 = arith.addf %add3A_526, %mul3A_527 : vector<16xf32>
        %gather3A_529 = arith.constant 0 : i32
        %gather3A_530 = arith.constant 0 : i32
        %gather3A_531 = tpu.memref_slice %arg9[%scan3A_304, %gather3A_529, %gather3A_530] : memref<4x200x16xf32, #tpu.memory_space<vmem>> -> memref<1x200x16xf32, #tpu.memory_space<vmem>>
        %gather3A_532 = tpu.memref_squeeze %gather3A_531 : memref<1x200x16xf32, #tpu.memory_space<vmem>> -> memref<200x16xf32, #tpu.memory_space<vmem>>
        %gather3A_533 = tpu.vector_load_idx %gather3A_532[%add3A_17, %broadcast_in_dim3A_478] : memref<200x16xf32, #tpu.memory_space<vmem>>[vector<16xi32>, vector<16xi32>], vector<16xf32>,
        %bitcast3A_534 = vector.bitcast %gather3A_533 : vector<16xf32> to vector<32xbf16>
        %unpack3A_535 = tpu.unpack_subelements %bitcast3A_534, 0 {pack_format = #tpu.pack_format<interleaved>} : vector<32xbf16> -> vector<16xf32>
        %unpack3A_536 = tpu.unpack_subelements %bitcast3A_534, 1 {pack_format = #tpu.pack_format<interleaved>} : vector<32xbf16> -> vector<16xf32>
        %mul3A_537 = arith.mulf %gather3A, %unpack3A_535 : vector<16xf32>
        %add3A_538 = arith.addf %scan3A_469, %mul3A_537 : vector<16xf32>
        %mul3A_539 = arith.mulf %gather3A_482, %unpack3A_536 : vector<16xf32>
        %add3A_540 = arith.addf %add3A_538, %mul3A_539 : vector<16xf32>
        %gather3A_541 = arith.constant 0 : i32
        %gather3A_542 = arith.constant 0 : i32
        %gather3A_543 = tpu.memref_slice %arg9[%scan3A_304, %gather3A_541, %gather3A_542] : memref<4x200x16xf32, #tpu.memory_space<vmem>> -> memref<1x200x16xf32, #tpu.memory_space<vmem>>
        %gather3A_544 = tpu.memref_squeeze %gather3A_543 : memref<1x200x16xf32, #tpu.memory_space<vmem>> -> memref<200x16xf32, #tpu.memory_space<vmem>>
        %gather3A_545 = tpu.vector_load_idx %gather3A_544[%add3A_20, %broadcast_in_dim3A_478] : memref<200x16xf32, #tpu.memory_space<vmem>>[vector<16xi32>, vector<16xi32>], vector<16xf32>,
        %bitcast3A_546 = vector.bitcast %gather3A_545 : vector<16xf32> to vector<32xbf16>
        %unpack3A_547 = tpu.unpack_subelements %bitcast3A_546, 0 {pack_format = #tpu.pack_format<interleaved>} : vector<32xbf16> -> vector<16xf32>
        %unpack3A_548 = tpu.unpack_subelements %bitcast3A_546, 1 {pack_format = #tpu.pack_format<interleaved>} : vector<32xbf16> -> vector<16xf32>
        %mul3A_549 = arith.mulf %gather3A, %unpack3A_547 : vector<16xf32>
        %add3A_550 = arith.addf %scan3A_470, %mul3A_549 : vector<16xf32>
        %mul3A_551 = arith.mulf %gather3A_482, %unpack3A_548 : vector<16xf32>
        %add3A_552 = arith.addf %add3A_550, %mul3A_551 : vector<16xf32>
        %gather3A_553 = arith.constant 0 : i32
        %gather3A_554 = arith.constant 0 : i32
        %gather3A_555 = tpu.memref_slice %arg9[%scan3A_304, %gather3A_553, %gather3A_554] : memref<4x200x16xf32, #tpu.memory_space<vmem>> -> memref<1x200x16xf32, #tpu.memory_space<vmem>>
        %gather3A_556 = tpu.memref_squeeze %gather3A_555 : memref<1x200x16xf32, #tpu.memory_space<vmem>> -> memref<200x16xf32, #tpu.memory_space<vmem>>
        %gather3A_557 = tpu.vector_load_idx %gather3A_556[%add3A_23, %broadcast_in_dim3A_478] : memref<200x16xf32, #tpu.memory_space<vmem>>[vector<16xi32>, vector<16xi32>], vector<16xf32>,
        %bitcast3A_558 = vector.bitcast %gather3A_557 : vector<16xf32> to vector<32xbf16>
        %unpack3A_559 = tpu.unpack_subelements %bitcast3A_558, 0 {pack_format = #tpu.pack_format<interleaved>} : vector<32xbf16> -> vector<16xf32>
        %unpack3A_560 = tpu.unpack_subelements %bitcast3A_558, 1 {pack_format = #tpu.pack_format<interleaved>} : vector<32xbf16> -> vector<16xf32>
        %mul3A_561 = arith.mulf %gather3A, %unpack3A_559 : vector<16xf32>
        %add3A_562 = arith.addf %scan3A_471, %mul3A_561 : vector<16xf32>
        %mul3A_563 = arith.mulf %gather3A_482, %unpack3A_560 : vector<16xf32>
        %add3A_564 = arith.addf %add3A_562, %mul3A_563 : vector<16xf32>
        %gather3A_565 = arith.constant 0 : i32
        %gather3A_566 = arith.constant 0 : i32
        %gather3A_567 = tpu.memref_slice %arg9[%scan3A_304, %gather3A_565, %gather3A_566] : memref<4x200x16xf32, #tpu.memory_space<vmem>> -> memref<1x200x16xf32, #tpu.memory_space<vmem>>
        %gather3A_568 = tpu.memref_squeeze %gather3A_567 : memref<1x200x16xf32, #tpu.memory_space<vmem>> -> memref<200x16xf32, #tpu.memory_space<vmem>>
        %gather3A_569 = tpu.vector_load_idx %gather3A_568[%add3A_26, %broadcast_in_dim3A_478] : memref<200x16xf32, #tpu.memory_space<vmem>>[vector<16xi32>, vector<16xi32>], vector<16xf32>,
        %bitcast3A_570 = vector.bitcast %gather3A_569 : vector<16xf32> to vector<32xbf16>
        %unpack3A_571 = tpu.unpack_subelements %bitcast3A_570, 0 {pack_format = #tpu.pack_format<interleaved>} : vector<32xbf16> -> vector<16xf32>
        %unpack3A_572 = tpu.unpack_subelements %bitcast3A_570, 1 {pack_format = #tpu.pack_format<interleaved>} : vector<32xbf16> -> vector<16xf32>
        %mul3A_573 = arith.mulf %gather3A, %unpack3A_571 : vector<16xf32>
        %add3A_574 = arith.addf %scan3A_472, %mul3A_573 : vector<16xf32>
        %mul3A_575 = arith.mulf %gather3A_482, %unpack3A_572 : vector<16xf32>
        %add3A_576 = arith.addf %add3A_574, %mul3A_575 : vector<16xf32>
        %gather3A_577 = arith.constant 0 : i32
        %gather3A_578 = arith.constant 0 : i32
        %gather3A_579 = tpu.memref_slice %arg9[%scan3A_304, %gather3A_577, %gather3A_578] : memref<4x200x16xf32, #tpu.memory_space<vmem>> -> memref<1x200x16xf32, #tpu.memory_space<vmem>>
        %gather3A_580 = tpu.memref_squeeze %gather3A_579 : memref<1x200x16xf32, #tpu.memory_space<vmem>> -> memref<200x16xf32, #tpu.memory_space<vmem>>
        %gather3A_581 = tpu.vector_load_idx %gather3A_580[%add3A_29, %broadcast_in_dim3A_478] : memref<200x16xf32, #tpu.memory_space<vmem>>[vector<16xi32>, vector<16xi32>], vector<16xf32>,
        %bitcast3A_582 = vector.bitcast %gather3A_581 : vector<16xf32> to vector<32xbf16>
        %unpack3A_583 = tpu.unpack_subelements %bitcast3A_582, 0 {pack_format = #tpu.pack_format<interleaved>} : vector<32xbf16> -> vector<16xf32>
        %unpack3A_584 = tpu.unpack_subelements %bitcast3A_582, 1 {pack_format = #tpu.pack_format<interleaved>} : vector<32xbf16> -> vector<16xf32>
        %mul3A_585 = arith.mulf %gather3A, %unpack3A_583 : vector<16xf32>
        %add3A_586 = arith.addf %scan3A_473, %mul3A_585 : vector<16xf32>
        %mul3A_587 = arith.mulf %gather3A_482, %unpack3A_584 : vector<16xf32>
        %add3A_588 = arith.addf %add3A_586, %mul3A_587 : vector<16xf32>
        %gather3A_589 = arith.constant 0 : i32
        %gather3A_590 = arith.constant 0 : i32
        %gather3A_591 = tpu.memref_slice %arg9[%scan3A_304, %gather3A_589, %gather3A_590] : memref<4x200x16xf32, #tpu.memory_space<vmem>> -> memref<1x200x16xf32, #tpu.memory_space<vmem>>
        %gather3A_592 = tpu.memref_squeeze %gather3A_591 : memref<1x200x16xf32, #tpu.memory_space<vmem>> -> memref<200x16xf32, #tpu.memory_space<vmem>>
        %gather3A_593 = tpu.vector_load_idx %gather3A_592[%add3A_32, %broadcast_in_dim3A_478] : memref<200x16xf32, #tpu.memory_space<vmem>>[vector<16xi32>, vector<16xi32>], vector<16xf32>,
        %bitcast3A_594 = vector.bitcast %gather3A_593 : vector<16xf32> to vector<32xbf16>
        %unpack3A_595 = tpu.unpack_subelements %bitcast3A_594, 0 {pack_format = #tpu.pack_format<interleaved>} : vector<32xbf16> -> vector<16xf32>
        %unpack3A_596 = tpu.unpack_subelements %bitcast3A_594, 1 {pack_format = #tpu.pack_format<interleaved>} : vector<32xbf16> -> vector<16xf32>
        %mul3A_597 = arith.mulf %gather3A, %unpack3A_595 : vector<16xf32>
        %add3A_598 = arith.addf %scan3A_474, %mul3A_597 : vector<16xf32>
        %mul3A_599 = arith.mulf %gather3A_482, %unpack3A_596 : vector<16xf32>
        %add3A_600 = arith.addf %add3A_598, %mul3A_599 : vector<16xf32>
        %gather3A_601 = arith.constant 0 : i32
        %gather3A_602 = arith.constant 0 : i32
        %gather3A_603 = tpu.memref_slice %arg9[%scan3A_304, %gather3A_601, %gather3A_602] : memref<4x200x16xf32, #tpu.memory_space<vmem>> -> memref<1x200x16xf32, #tpu.memory_space<vmem>>
        %gather3A_604 = tpu.memref_squeeze %gather3A_603 : memref<1x200x16xf32, #tpu.memory_space<vmem>> -> memref<200x16xf32, #tpu.memory_space<vmem>>
        %gather3A_605 = tpu.vector_load_idx %gather3A_604[%add3A_35, %broadcast_in_dim3A_478] : memref<200x16xf32, #tpu.memory_space<vmem>>[vector<16xi32>, vector<16xi32>], vector<16xf32>,
        %bitcast3A_606 = vector.bitcast %gather3A_605 : vector<16xf32> to vector<32xbf16>
        %unpack3A_607 = tpu.unpack_subelements %bitcast3A_606, 0 {pack_format = #tpu.pack_format<interleaved>} : vector<32xbf16> -> vector<16xf32>
        %unpack3A_608 = tpu.unpack_subelements %bitcast3A_606, 1 {pack_format = #tpu.pack_format<interleaved>} : vector<32xbf16> -> vector<16xf32>
        %mul3A_609 = arith.mulf %gather3A, %unpack3A_607 : vector<16xf32>
        %add3A_610 = arith.addf %scan3A_475, %mul3A_609 : vector<16xf32>
        %mul3A_611 = arith.mulf %gather3A_482, %unpack3A_608 : vector<16xf32>
        %add3A_612 = arith.addf %add3A_610, %mul3A_611 : vector<16xf32>
        %gather3A_613 = arith.constant 0 : i32
        %gather3A_614 = arith.constant 0 : i32
        %gather3A_615 = tpu.memref_slice %arg9[%scan3A_304, %gather3A_613, %gather3A_614] : memref<4x200x16xf32, #tpu.memory_space<vmem>> -> memref<1x200x16xf32, #tpu.memory_space<vmem>>
        %gather3A_616 = tpu.memref_squeeze %gather3A_615 : memref<1x200x16xf32, #tpu.memory_space<vmem>> -> memref<200x16xf32, #tpu.memory_space<vmem>>
        %gather3A_617 = tpu.vector_load_idx %gather3A_616[%add3A_38, %broadcast_in_dim3A_478] : memref<200x16xf32, #tpu.memory_space<vmem>>[vector<16xi32>, vector<16xi32>], vector<16xf32>,
        %bitcast3A_618 = vector.bitcast %gather3A_617 : vector<16xf32> to vector<32xbf16>
        %unpack3A_619 = tpu.unpack_subelements %bitcast3A_618, 0 {pack_format = #tpu.pack_format<interleaved>} : vector<32xbf16> -> vector<16xf32>
        %unpack3A_620 = tpu.unpack_subelements %bitcast3A_618, 1 {pack_format = #tpu.pack_format<interleaved>} : vector<32xbf16> -> vector<16xf32>
        %mul3A_621 = arith.mulf %gather3A, %unpack3A_619 : vector<16xf32>
        %add3A_622 = arith.addf %scan3A_476, %mul3A_621 : vector<16xf32>
        %mul3A_623 = arith.mulf %gather3A_482, %unpack3A_620 : vector<16xf32>
        %add3A_624 = arith.addf %add3A_622, %mul3A_623 : vector<16xf32>
        %gather3A_625 = arith.constant 0 : i32
        %gather3A_626 = arith.constant 0 : i32
        %gather3A_627 = tpu.memref_slice %arg9[%scan3A_304, %gather3A_625, %gather3A_626] : memref<4x200x16xf32, #tpu.memory_space<vmem>> -> memref<1x200x16xf32, #tpu.memory_space<vmem>>
        %gather3A_628 = tpu.memref_squeeze %gather3A_627 : memref<1x200x16xf32, #tpu.memory_space<vmem>> -> memref<200x16xf32, #tpu.memory_space<vmem>>
        %gather3A_629 = tpu.vector_load_idx %gather3A_628[%add3A_41, %broadcast_in_dim3A_478] : memref<200x16xf32, #tpu.memory_space<vmem>>[vector<16xi32>, vector<16xi32>], vector<16xf32>,
        %bitcast3A_630 = vector.bitcast %gather3A_629 : vector<16xf32> to vector<32xbf16>
        %unpack3A_631 = tpu.unpack_subelements %bitcast3A_630, 0 {pack_format = #tpu.pack_format<interleaved>} : vector<32xbf16> -> vector<16xf32>
        %unpack3A_632 = tpu.unpack_subelements %bitcast3A_630, 1 {pack_format = #tpu.pack_format<interleaved>} : vector<32xbf16> -> vector<16xf32>
        %mul3A_633 = arith.mulf %gather3A, %unpack3A_631 : vector<16xf32>
        %add3A_634 = arith.addf %scan3A_477, %mul3A_633 : vector<16xf32>
        %mul3A_635 = arith.mulf %gather3A_482, %unpack3A_632 : vector<16xf32>
        %add3A_636 = arith.addf %add3A_634, %mul3A_635 : vector<16xf32>
        scf.yield %add3A_492, %add3A_504, %add3A_516, %add3A_528, %add3A_540, %add3A_552, %add3A_564, %add3A_576, %add3A_588, %add3A_600, %add3A_612, %add3A_624, %add3A_636 : vector<16xf32>, vector<16xf32>, vector<16xf32>, vector<16xf32>, vector<16xf32>, vector<16xf32>, vector<16xf32>, vector<16xf32>, vector<16xf32>, vector<16xf32>, vector<16xf32>, vector<16xf32>, vector<16xf32>
      }
      %scan3A_310 = arith.constant 16 : i32
      tpu.vector_store_idx %arg8[%broadcast_in_dim3A_277, %add3A_5], %scan3A_309#0 : memref<128x200xf32, #tpu.memory_space<vmem>>[vector<16xi32>, vector<16xi32>], vector<16xf32>,
      tpu.vector_store_idx %arg8[%broadcast_in_dim3A_277, %add3A_8], %scan3A_309#1 : memref<128x200xf32, #tpu.memory_space<vmem>>[vector<16xi32>, vector<16xi32>], vector<16xf32>,
      tpu.vector_store_idx %arg8[%broadcast_in_dim3A_277, %add3A_11], %scan3A_309#2 : memref<128x200xf32, #tpu.memory_space<vmem>>[vector<16xi32>, vector<16xi32>], vector<16xf32>,
      tpu.vector_store_idx %arg8[%broadcast_in_dim3A_277, %add3A_14], %scan3A_309#3 : memref<128x200xf32, #tpu.memory_space<vmem>>[vector<16xi32>, vector<16xi32>], vector<16xf32>,
      tpu.vector_store_idx %arg8[%broadcast_in_dim3A_277, %add3A_17], %scan3A_309#4 : memref<128x200xf32, #tpu.memory_space<vmem>>[vector<16xi32>, vector<16xi32>], vector<16xf32>,
      tpu.vector_store_idx %arg8[%broadcast_in_dim3A_277, %add3A_20], %scan3A_309#5 : memref<128x200xf32, #tpu.memory_space<vmem>>[vector<16xi32>, vector<16xi32>], vector<16xf32>,
      tpu.vector_store_idx %arg8[%broadcast_in_dim3A_277, %add3A_23], %scan3A_309#6 : memref<128x200xf32, #tpu.memory_space<vmem>>[vector<16xi32>, vector<16xi32>], vector<16xf32>,
      tpu.vector_store_idx %arg8[%broadcast_in_dim3A_277, %add3A_26], %scan3A_309#7 : memref<128x200xf32, #tpu.memory_space<vmem>>[vector<16xi32>, vector<16xi32>], vector<16xf32>,
      tpu.vector_store_idx %arg8[%broadcast_in_dim3A_277, %add3A_29], %scan3A_309#8 : memref<128x200xf32, #tpu.memory_space<vmem>>[vector<16xi32>, vector<16xi32>], vector<16xf32>,
      tpu.vector_store_idx %arg8[%broadcast_in_dim3A_277, %add3A_32], %scan3A_309#9 : memref<128x200xf32, #tpu.memory_space<vmem>>[vector<16xi32>, vector<16xi32>], vector<16xf32>,
      tpu.vector_store_idx %arg8[%broadcast_in_dim3A_277, %add3A_35], %scan3A_309#10 : memref<128x200xf32, #tpu.memory_space<vmem>>[vector<16xi32>, vector<16xi32>], vector<16xf32>,
      tpu.vector_store_idx %arg8[%broadcast_in_dim3A_277, %add3A_38], %scan3A_309#11 : memref<128x200xf32, #tpu.memory_space<vmem>>[vector<16xi32>, vector<16xi32>], vector<16xf32>,
      tpu.vector_store_idx %arg8[%broadcast_in_dim3A_277, %add3A_41], %scan3A_309#12 : memref<128x200xf32, #tpu.memory_space<vmem>>[vector<16xi32>, vector<16xi32>], vector<16xf32>,
      %add3A_311 = arith.constant 4 : i32
      %add3A_312 = arith.addi %add3A_246, %add3A_311 : i32
      %lt3A_313 = arith.constant 128 : i32
      %lt3A_314 = arith.cmpi slt, %add3A_312, %lt3A_313 : i32
      %convert_element_type3A_315 = arith.extui %lt3A_314 : i1 to i32
      %cond3A_316 = arith.constant 0 : i32
      %cond3A_317 = arith.cmpi ne, %convert_element_type3A_315, %cond3A_316 : i32
      scf.if %cond3A_317 {
        %add3A_464 = arith.constant 4 : i32
        %add3A_465 = arith.addi %add3A_246, %add3A_464 : i32
        %dma_start3A_466 = arith.constant 0 : i32
        %dma_start3A_467 = arith.constant 1 : i32
        %dma_start3A_468 = arith.constant 0 : i32
        %dma_start3A_469 = arith.constant 0 : i32
        %dma_start3A_470 = tpu.memref_slice %arg9[%dma_start3A_467, %dma_start3A_468, %dma_start3A_469] : memref<4x200x16xf32, #tpu.memory_space<vmem>> -> memref<1x200x16xf32, #tpu.memory_space<vmem>>
        %dma_start3A_471 = tpu.memref_squeeze %dma_start3A_470 : memref<1x200x16xf32, #tpu.memory_space<vmem>> -> memref<200x16xf32, #tpu.memory_space<vmem>>
        %dma_start3A_472 = arith.constant 0 : i32
        %dma_start3A_473 = arith.constant 0 : i32
        %dma_start3A_474 = tpu.memref_slice %dma_start3A_471[%dma_start3A_472, %dma_start3A_473] : memref<200x16xf32, #tpu.memory_space<vmem>> -> memref<100x16xf32, #tpu.memory_space<vmem>>
        %dma_start3A_475 = arith.constant 0 : i32
        %dma_start3A_476 = tpu.memref_slice %arg6[%add3A_465, %dma_start3A_466, %dma_start3A_475] : memref<128x2x100xi32, #tpu.memory_space<vmem>> -> memref<1x1x100xi32, #tpu.memory_space<vmem>>
        %dma_start3A_477 = tpu.memref_squeeze %dma_start3A_476 : memref<1x1x100xi32, #tpu.memory_space<vmem>> -> memref<100xi32, #tpu.memory_space<vmem>>
        %dma_start3A_478 = arith.constant 0 : i32
        %dma_start3A_479 = arith.constant 0 : i32
        %dma_start3A_480 = tpu.memref_slice %arg4[%dma_start3A_478, %dma_start3A_479] : memref<1024000x16xf32, #tpu.memory_space<hbm>> -> memref<1024000x16xf32, #tpu.memory_space<hbm>>
        tpu.enqueue_indirect_dma source(%dma_start3A_480 : memref<1024000x16xf32, #tpu.memory_space<hbm>>) target(%dma_start3A_474 : memref<100x16xf32, #tpu.memory_space<vmem>>) offsets(%dma_start3A_477 : memref<100xi32, #tpu.memory_space<vmem>>) semaphore(%arg11 : memref<!tpu.dma_semaphore, #tpu.memory_space<semaphore_mem>>)
        %dma_start3A_481 = arith.constant 1 : i32
        %dma_start3A_482 = arith.constant 1 : i32
        %dma_start3A_483 = arith.constant 0 : i32
        %dma_start3A_484 = arith.constant 0 : i32
        %dma_start3A_485 = tpu.memref_slice %arg9[%dma_start3A_482, %dma_start3A_483, %dma_start3A_484] : memref<4x200x16xf32, #tpu.memory_space<vmem>> -> memref<1x200x16xf32, #tpu.memory_space<vmem>>
        %dma_start3A_486 = tpu.memref_squeeze %dma_start3A_485 : memref<1x200x16xf32, #tpu.memory_space<vmem>> -> memref<200x16xf32, #tpu.memory_space<vmem>>
        %dma_start3A_487 = arith.constant 100 : i32
        %dma_start3A_488 = arith.constant 0 : i32
        %dma_start3A_489 = tpu.memref_slice %dma_start3A_486[%dma_start3A_487, %dma_start3A_488] : memref<200x16xf32, #tpu.memory_space<vmem>> -> memref<100x16xf32, #tpu.memory_space<vmem>>
        %dma_start3A_490 = arith.constant 0 : i32
        %dma_start3A_491 = tpu.memref_slice %arg6[%add3A_465, %dma_start3A_481, %dma_start3A_490] : memref<128x2x100xi32, #tpu.memory_space<vmem>> -> memref<1x1x100xi32, #tpu.memory_space<vmem>>
        %dma_start3A_492 = tpu.memref_squeeze %dma_start3A_491 : memref<1x1x100xi32, #tpu.memory_space<vmem>> -> memref<100xi32, #tpu.memory_space<vmem>>
        %dma_start3A_493 = arith.constant 0 : i32
        %dma_start3A_494 = arith.constant 0 : i32
        %dma_start3A_495 = tpu.memref_slice %arg4[%dma_start3A_493, %dma_start3A_494] : memref<1024000x16xf32, #tpu.memory_space<hbm>> -> memref<1024000x16xf32, #tpu.memory_space<hbm>>
        tpu.enqueue_indirect_dma source(%dma_start3A_495 : memref<1024000x16xf32, #tpu.memory_space<hbm>>) target(%dma_start3A_489 : memref<100x16xf32, #tpu.memory_space<vmem>>) offsets(%dma_start3A_492 : memref<100xi32, #tpu.memory_space<vmem>>) semaphore(%arg11 : memref<!tpu.dma_semaphore, #tpu.memory_space<semaphore_mem>>)
      } else {
      }
      %add3A_318 = arith.constant 2 : i32
      %add3A_319 = arith.addi %mul3A_176, %add3A_318 : i32
      %dma_wait3A_320 = arith.constant 0 : i32
      %dma_wait3A_321 = arith.constant 2 : i32
      %dma_wait3A_322 = arith.constant 0 : i32
      %dma_wait3A_323 = arith.constant 0 : i32
      %dma_wait3A_324 = tpu.memref_slice %arg9[%dma_wait3A_321, %dma_wait3A_322, %dma_wait3A_323] : memref<4x200x16xf32, #tpu.memory_space<vmem>> -> memref<1x200x16xf32, #tpu.memory_space<vmem>>
      %dma_wait3A_325 = tpu.memref_squeeze %dma_wait3A_324 : memref<1x200x16xf32, #tpu.memory_space<vmem>> -> memref<200x16xf32, #tpu.memory_space<vmem>>
      %dma_wait3A_326 = arith.constant 0 : i32
      %dma_wait3A_327 = arith.constant 0 : i32
      %dma_wait3A_328 = tpu.memref_slice %dma_wait3A_325[%dma_wait3A_326, %dma_wait3A_327] : memref<200x16xf32, #tpu.memory_space<vmem>> -> memref<100x16xf32, #tpu.memory_space<vmem>>
      %dma_wait3A_329 = arith.constant 0 : i32
      %dma_wait3A_330 = tpu.memref_slice %arg6[%add3A_319, %dma_wait3A_320, %dma_wait3A_329] : memref<128x2x100xi32, #tpu.memory_space<vmem>> -> memref<1x1x100xi32, #tpu.memory_space<vmem>>
      %dma_wait3A_331 = tpu.memref_squeeze %dma_wait3A_330 : memref<1x1x100xi32, #tpu.memory_space<vmem>> -> memref<100xi32, #tpu.memory_space<vmem>>
      %dma_wait3A_332 = arith.constant 0 : i32
      %dma_wait3A_333 = arith.constant 0 : i32
      %dma_wait3A_334 = tpu.memref_slice %arg4[%dma_wait3A_332, %dma_wait3A_333] : memref<1024000x16xf32, #tpu.memory_space<hbm>> -> memref<1024000x16xf32, #tpu.memory_space<hbm>>
      tpu.wait_indirect_dma semaphore(%arg12 : memref<!tpu.dma_semaphore, #tpu.memory_space<semaphore_mem>>) src(%dma_wait3A_334 : memref<1024000x16xf32, #tpu.memory_space<hbm>>) dst(%dma_wait3A_328 : memref<100x16xf32, #tpu.memory_space<vmem>>)
      %dma_wait3A_335 = arith.constant 1 : i32
      %dma_wait3A_336 = arith.constant 2 : i32
      %dma_wait3A_337 = arith.constant 0 : i32
      %dma_wait3A_338 = arith.constant 0 : i32
      %dma_wait3A_339 = tpu.memref_slice %arg9[%dma_wait3A_336, %dma_wait3A_337, %dma_wait3A_338] : memref<4x200x16xf32, #tpu.memory_space<vmem>> -> memref<1x200x16xf32, #tpu.memory_space<vmem>>
      %dma_wait3A_340 = tpu.memref_squeeze %dma_wait3A_339 : memref<1x200x16xf32, #tpu.memory_space<vmem>> -> memref<200x16xf32, #tpu.memory_space<vmem>>
      %dma_wait3A_341 = arith.constant 100 : i32
      %dma_wait3A_342 = arith.constant 0 : i32
      %dma_wait3A_343 = tpu.memref_slice %dma_wait3A_340[%dma_wait3A_341, %dma_wait3A_342] : memref<200x16xf32, #tpu.memory_space<vmem>> -> memref<100x16xf32, #tpu.memory_space<vmem>>
      %dma_wait3A_344 = arith.constant 0 : i32
      %dma_wait3A_345 = tpu.memref_slice %arg6[%add3A_319, %dma_wait3A_335, %dma_wait3A_344] : memref<128x2x100xi32, #tpu.memory_space<vmem>> -> memref<1x1x100xi32, #tpu.memory_space<vmem>>
      %dma_wait3A_346 = tpu.memref_squeeze %dma_wait3A_345 : memref<1x1x100xi32, #tpu.memory_space<vmem>> -> memref<100xi32, #tpu.memory_space<vmem>>
      %dma_wait3A_347 = arith.constant 0 : i32
      %dma_wait3A_348 = arith.constant 0 : i32
      %dma_wait3A_349 = tpu.memref_slice %arg4[%dma_wait3A_347, %dma_wait3A_348] : memref<1024000x16xf32, #tpu.memory_space<hbm>> -> memref<1024000x16xf32, #tpu.memory_space<hbm>>
      tpu.wait_indirect_dma semaphore(%arg12 : memref<!tpu.dma_semaphore, #tpu.memory_space<semaphore_mem>>) src(%dma_wait3A_349 : memref<1024000x16xf32, #tpu.memory_space<hbm>>) dst(%dma_wait3A_343 : memref<100x16xf32, #tpu.memory_space<vmem>>)
      %broadcast_in_dim3A_350 = vector.broadcast %add3A_319 : i32 to vector<16xi32>
      %broadcast_in_dim3A_351 = arith.constant 0.000000e+00 : f32
      %broadcast_in_dim3A_352 = vector.broadcast %broadcast_in_dim3A_351 : f32 to vector<16xf32>
      %broadcast_in_dim3A_353 = arith.constant 0.000000e+00 : f32
      %broadcast_in_dim3A_354 = vector.broadcast %broadcast_in_dim3A_353 : f32 to vector<16xf32>
      %broadcast_in_dim3A_355 = arith.constant 0.000000e+00 : f32
      %broadcast_in_dim3A_356 = vector.broadcast %broadcast_in_dim3A_355 : f32 to vector<16xf32>
      %broadcast_in_dim3A_357 = arith.constant 0.000000e+00 : f32
      %broadcast_in_dim3A_358 = vector.broadcast %broadcast_in_dim3A_357 : f32 to vector<16xf32>
      %broadcast_in_dim3A_359 = arith.constant 0.000000e+00 : f32
      %broadcast_in_dim3A_360 = vector.broadcast %broadcast_in_dim3A_359 : f32 to vector<16xf32>
      %broadcast_in_dim3A_361 = arith.constant 0.000000e+00 : f32
      %broadcast_in_dim3A_362 = vector.broadcast %broadcast_in_dim3A_361 : f32 to vector<16xf32>
      %broadcast_in_dim3A_363 = arith.constant 0.000000e+00 : f32
      %broadcast_in_dim3A_364 = vector.broadcast %broadcast_in_dim3A_363 : f32 to vector<16xf32>
      %broadcast_in_dim3A_365 = arith.constant 0.000000e+00 : f32
      %broadcast_in_dim3A_366 = vector.broadcast %broadcast_in_dim3A_365 : f32 to vector<16xf32>
      %broadcast_in_dim3A_367 = arith.constant 0.000000e+00 : f32
      %broadcast_in_dim3A_368 = vector.broadcast %broadcast_in_dim3A_367 : f32 to vector<16xf32>
      %broadcast_in_dim3A_369 = arith.constant 0.000000e+00 : f32
      %broadcast_in_dim3A_370 = vector.broadcast %broadcast_in_dim3A_369 : f32 to vector<16xf32>
      %broadcast_in_dim3A_371 = arith.constant 0.000000e+00 : f32
      %broadcast_in_dim3A_372 = vector.broadcast %broadcast_in_dim3A_371 : f32 to vector<16xf32>
      %broadcast_in_dim3A_373 = arith.constant 0.000000e+00 : f32
      %broadcast_in_dim3A_374 = vector.broadcast %broadcast_in_dim3A_373 : f32 to vector<16xf32>
      %broadcast_in_dim3A_375 = arith.constant 0.000000e+00 : f32
      %broadcast_in_dim3A_376 = vector.broadcast %broadcast_in_dim3A_375 : f32 to vector<16xf32>
      %scan3A_377 = arith.constant 2 : i32
      %scan3A_378 = arith.constant 0 : i32
      %scan3A_379 = arith.constant 16 : i32
      %scan3A_380 = arith.addi %scan3A_378, %scan3A_379 : i32
      %scan3A_381 = arith.constant 1 : i32
      %scan3A_382:13 = scf.for %scan3A_464 = %scan3A_378 to %scan3A_380 step %scan3A_381 iter_args(%scan3A_465 = %broadcast_in_dim3A_352, %scan3A_466 = %broadcast_in_dim3A_354, %scan3A_467 = %broadcast_in_dim3A_356, %scan3A_468 = %broadcast_in_dim3A_358, %scan3A_469 = %broadcast_in_dim3A_360, %scan3A_470 = %broadcast_in_dim3A_362, %scan3A_471 = %broadcast_in_dim3A_364, %scan3A_472 = %broadcast_in_dim3A_366, %scan3A_473 = %broadcast_in_dim3A_368, %scan3A_474 = %broadcast_in_dim3A_370, %scan3A_475 = %broadcast_in_dim3A_372, %scan3A_476 = %broadcast_in_dim3A_374, %scan3A_477 = %broadcast_in_dim3A_376) -> (vector<16xf32>, vector<16xf32>, vector<16xf32>, vector<16xf32>, vector<16xf32>, vector<16xf32>, vector<16xf32>, vector<16xf32>, vector<16xf32>, vector<16xf32>, vector<16xf32>, vector<16xf32>, vector<16xf32>)  : i32 {
        %broadcast_in_dim3A_478 = vector.broadcast %scan3A_464 : i32 to vector<16xi32>
        %gather3A = tpu.vector_load_idx %arg7[%broadcast_in_dim3A_350, %broadcast_in_dim3A_478] : memref<128x32xf32, #tpu.memory_space<vmem>>[vector<16xi32>, vector<16xi32>], vector<16xf32>,
        %add3A_479 = arith.constant 16 : i32
        %add3A_480 = vector.broadcast %add3A_479 : i32 to vector<16xi32>
        %add3A_481 = arith.addi %broadcast_in_dim3A_478, %add3A_480 : vector<16xi32>
        %gather3A_482 = tpu.vector_load_idx %arg7[%broadcast_in_dim3A_350, %add3A_481] : memref<128x32xf32, #tpu.memory_space<vmem>>[vector<16xi32>, vector<16xi32>], vector<16xf32>,
        %gather3A_483 = arith.constant 0 : i32
        %gather3A_484 = arith.constant 0 : i32
        %gather3A_485 = tpu.memref_slice %arg9[%scan3A_377, %gather3A_483, %gather3A_484] : memref<4x200x16xf32, #tpu.memory_space<vmem>> -> memref<1x200x16xf32, #tpu.memory_space<vmem>>
        %gather3A_486 = tpu.memref_squeeze %gather3A_485 : memref<1x200x16xf32, #tpu.memory_space<vmem>> -> memref<200x16xf32, #tpu.memory_space<vmem>>
        %gather3A_487 = tpu.vector_load_idx %gather3A_486[%add3A_5, %broadcast_in_dim3A_478] : memref<200x16xf32, #tpu.memory_space<vmem>>[vector<16xi32>, vector<16xi32>], vector<16xf32>,
        %bitcast3A = vector.bitcast %gather3A_487 : vector<16xf32> to vector<32xbf16>
        %unpack3A = tpu.unpack_subelements %bitcast3A, 0 {pack_format = #tpu.pack_format<interleaved>} : vector<32xbf16> -> vector<16xf32>
        %unpack3A_488 = tpu.unpack_subelements %bitcast3A, 1 {pack_format = #tpu.pack_format<interleaved>} : vector<32xbf16> -> vector<16xf32>
        %mul3A_489 = arith.mulf %gather3A, %unpack3A : vector<16xf32>
        %add3A_490 = arith.addf %scan3A_465, %mul3A_489 : vector<16xf32>
        %mul3A_491 = arith.mulf %gather3A_482, %unpack3A_488 : vector<16xf32>
        %add3A_492 = arith.addf %add3A_490, %mul3A_491 : vector<16xf32>
        %gather3A_493 = arith.constant 0 : i32
        %gather3A_494 = arith.constant 0 : i32
        %gather3A_495 = tpu.memref_slice %arg9[%scan3A_377, %gather3A_493, %gather3A_494] : memref<4x200x16xf32, #tpu.memory_space<vmem>> -> memref<1x200x16xf32, #tpu.memory_space<vmem>>
        %gather3A_496 = tpu.memref_squeeze %gather3A_495 : memref<1x200x16xf32, #tpu.memory_space<vmem>> -> memref<200x16xf32, #tpu.memory_space<vmem>>
        %gather3A_497 = tpu.vector_load_idx %gather3A_496[%add3A_8, %broadcast_in_dim3A_478] : memref<200x16xf32, #tpu.memory_space<vmem>>[vector<16xi32>, vector<16xi32>], vector<16xf32>,
        %bitcast3A_498 = vector.bitcast %gather3A_497 : vector<16xf32> to vector<32xbf16>
        %unpack3A_499 = tpu.unpack_subelements %bitcast3A_498, 0 {pack_format = #tpu.pack_format<interleaved>} : vector<32xbf16> -> vector<16xf32>
        %unpack3A_500 = tpu.unpack_subelements %bitcast3A_498, 1 {pack_format = #tpu.pack_format<interleaved>} : vector<32xbf16> -> vector<16xf32>
        %mul3A_501 = arith.mulf %gather3A, %unpack3A_499 : vector<16xf32>
        %add3A_502 = arith.addf %scan3A_466, %mul3A_501 : vector<16xf32>
        %mul3A_503 = arith.mulf %gather3A_482, %unpack3A_500 : vector<16xf32>
        %add3A_504 = arith.addf %add3A_502, %mul3A_503 : vector<16xf32>
        %gather3A_505 = arith.constant 0 : i32
        %gather3A_506 = arith.constant 0 : i32
        %gather3A_507 = tpu.memref_slice %arg9[%scan3A_377, %gather3A_505, %gather3A_506] : memref<4x200x16xf32, #tpu.memory_space<vmem>> -> memref<1x200x16xf32, #tpu.memory_space<vmem>>
        %gather3A_508 = tpu.memref_squeeze %gather3A_507 : memref<1x200x16xf32, #tpu.memory_space<vmem>> -> memref<200x16xf32, #tpu.memory_space<vmem>>
        %gather3A_509 = tpu.vector_load_idx %gather3A_508[%add3A_11, %broadcast_in_dim3A_478] : memref<200x16xf32, #tpu.memory_space<vmem>>[vector<16xi32>, vector<16xi32>], vector<16xf32>,
        %bitcast3A_510 = vector.bitcast %gather3A_509 : vector<16xf32> to vector<32xbf16>
        %unpack3A_511 = tpu.unpack_subelements %bitcast3A_510, 0 {pack_format = #tpu.pack_format<interleaved>} : vector<32xbf16> -> vector<16xf32>
        %unpack3A_512 = tpu.unpack_subelements %bitcast3A_510, 1 {pack_format = #tpu.pack_format<interleaved>} : vector<32xbf16> -> vector<16xf32>
        %mul3A_513 = arith.mulf %gather3A, %unpack3A_511 : vector<16xf32>
        %add3A_514 = arith.addf %scan3A_467, %mul3A_513 : vector<16xf32>
        %mul3A_515 = arith.mulf %gather3A_482, %unpack3A_512 : vector<16xf32>
        %add3A_516 = arith.addf %add3A_514, %mul3A_515 : vector<16xf32>
        %gather3A_517 = arith.constant 0 : i32
        %gather3A_518 = arith.constant 0 : i32
        %gather3A_519 = tpu.memref_slice %arg9[%scan3A_377, %gather3A_517, %gather3A_518] : memref<4x200x16xf32, #tpu.memory_space<vmem>> -> memref<1x200x16xf32, #tpu.memory_space<vmem>>
        %gather3A_520 = tpu.memref_squeeze %gather3A_519 : memref<1x200x16xf32, #tpu.memory_space<vmem>> -> memref<200x16xf32, #tpu.memory_space<vmem>>
        %gather3A_521 = tpu.vector_load_idx %gather3A_520[%add3A_14, %broadcast_in_dim3A_478] : memref<200x16xf32, #tpu.memory_space<vmem>>[vector<16xi32>, vector<16xi32>], vector<16xf32>,
        %bitcast3A_522 = vector.bitcast %gather3A_521 : vector<16xf32> to vector<32xbf16>
        %unpack3A_523 = tpu.unpack_subelements %bitcast3A_522, 0 {pack_format = #tpu.pack_format<interleaved>} : vector<32xbf16> -> vector<16xf32>
        %unpack3A_524 = tpu.unpack_subelements %bitcast3A_522, 1 {pack_format = #tpu.pack_format<interleaved>} : vector<32xbf16> -> vector<16xf32>
        %mul3A_525 = arith.mulf %gather3A, %unpack3A_523 : vector<16xf32>
        %add3A_526 = arith.addf %scan3A_468, %mul3A_525 : vector<16xf32>
        %mul3A_527 = arith.mulf %gather3A_482, %unpack3A_524 : vector<16xf32>
        %add3A_528 = arith.addf %add3A_526, %mul3A_527 : vector<16xf32>
        %gather3A_529 = arith.constant 0 : i32
        %gather3A_530 = arith.constant 0 : i32
        %gather3A_531 = tpu.memref_slice %arg9[%scan3A_377, %gather3A_529, %gather3A_530] : memref<4x200x16xf32, #tpu.memory_space<vmem>> -> memref<1x200x16xf32, #tpu.memory_space<vmem>>
        %gather3A_532 = tpu.memref_squeeze %gather3A_531 : memref<1x200x16xf32, #tpu.memory_space<vmem>> -> memref<200x16xf32, #tpu.memory_space<vmem>>
        %gather3A_533 = tpu.vector_load_idx %gather3A_532[%add3A_17, %broadcast_in_dim3A_478] : memref<200x16xf32, #tpu.memory_space<vmem>>[vector<16xi32>, vector<16xi32>], vector<16xf32>,
        %bitcast3A_534 = vector.bitcast %gather3A_533 : vector<16xf32> to vector<32xbf16>
        %unpack3A_535 = tpu.unpack_subelements %bitcast3A_534, 0 {pack_format = #tpu.pack_format<interleaved>} : vector<32xbf16> -> vector<16xf32>
        %unpack3A_536 = tpu.unpack_subelements %bitcast3A_534, 1 {pack_format = #tpu.pack_format<interleaved>} : vector<32xbf16> -> vector<16xf32>
        %mul3A_537 = arith.mulf %gather3A, %unpack3A_535 : vector<16xf32>
        %add3A_538 = arith.addf %scan3A_469, %mul3A_537 : vector<16xf32>
        %mul3A_539 = arith.mulf %gather3A_482, %unpack3A_536 : vector<16xf32>
        %add3A_540 = arith.addf %add3A_538, %mul3A_539 : vector<16xf32>
        %gather3A_541 = arith.constant 0 : i32
        %gather3A_542 = arith.constant 0 : i32
        %gather3A_543 = tpu.memref_slice %arg9[%scan3A_377, %gather3A_541, %gather3A_542] : memref<4x200x16xf32, #tpu.memory_space<vmem>> -> memref<1x200x16xf32, #tpu.memory_space<vmem>>
        %gather3A_544 = tpu.memref_squeeze %gather3A_543 : memref<1x200x16xf32, #tpu.memory_space<vmem>> -> memref<200x16xf32, #tpu.memory_space<vmem>>
        %gather3A_545 = tpu.vector_load_idx %gather3A_544[%add3A_20, %broadcast_in_dim3A_478] : memref<200x16xf32, #tpu.memory_space<vmem>>[vector<16xi32>, vector<16xi32>], vector<16xf32>,
        %bitcast3A_546 = vector.bitcast %gather3A_545 : vector<16xf32> to vector<32xbf16>
        %unpack3A_547 = tpu.unpack_subelements %bitcast3A_546, 0 {pack_format = #tpu.pack_format<interleaved>} : vector<32xbf16> -> vector<16xf32>
        %unpack3A_548 = tpu.unpack_subelements %bitcast3A_546, 1 {pack_format = #tpu.pack_format<interleaved>} : vector<32xbf16> -> vector<16xf32>
        %mul3A_549 = arith.mulf %gather3A, %unpack3A_547 : vector<16xf32>
        %add3A_550 = arith.addf %scan3A_470, %mul3A_549 : vector<16xf32>
        %mul3A_551 = arith.mulf %gather3A_482, %unpack3A_548 : vector<16xf32>
        %add3A_552 = arith.addf %add3A_550, %mul3A_551 : vector<16xf32>
        %gather3A_553 = arith.constant 0 : i32
        %gather3A_554 = arith.constant 0 : i32
        %gather3A_555 = tpu.memref_slice %arg9[%scan3A_377, %gather3A_553, %gather3A_554] : memref<4x200x16xf32, #tpu.memory_space<vmem>> -> memref<1x200x16xf32, #tpu.memory_space<vmem>>
        %gather3A_556 = tpu.memref_squeeze %gather3A_555 : memref<1x200x16xf32, #tpu.memory_space<vmem>> -> memref<200x16xf32, #tpu.memory_space<vmem>>
        %gather3A_557 = tpu.vector_load_idx %gather3A_556[%add3A_23, %broadcast_in_dim3A_478] : memref<200x16xf32, #tpu.memory_space<vmem>>[vector<16xi32>, vector<16xi32>], vector<16xf32>,
        %bitcast3A_558 = vector.bitcast %gather3A_557 : vector<16xf32> to vector<32xbf16>
        %unpack3A_559 = tpu.unpack_subelements %bitcast3A_558, 0 {pack_format = #tpu.pack_format<interleaved>} : vector<32xbf16> -> vector<16xf32>
        %unpack3A_560 = tpu.unpack_subelements %bitcast3A_558, 1 {pack_format = #tpu.pack_format<interleaved>} : vector<32xbf16> -> vector<16xf32>
        %mul3A_561 = arith.mulf %gather3A, %unpack3A_559 : vector<16xf32>
        %add3A_562 = arith.addf %scan3A_471, %mul3A_561 : vector<16xf32>
        %mul3A_563 = arith.mulf %gather3A_482, %unpack3A_560 : vector<16xf32>
        %add3A_564 = arith.addf %add3A_562, %mul3A_563 : vector<16xf32>
        %gather3A_565 = arith.constant 0 : i32
        %gather3A_566 = arith.constant 0 : i32
        %gather3A_567 = tpu.memref_slice %arg9[%scan3A_377, %gather3A_565, %gather3A_566] : memref<4x200x16xf32, #tpu.memory_space<vmem>> -> memref<1x200x16xf32, #tpu.memory_space<vmem>>
        %gather3A_568 = tpu.memref_squeeze %gather3A_567 : memref<1x200x16xf32, #tpu.memory_space<vmem>> -> memref<200x16xf32, #tpu.memory_space<vmem>>
        %gather3A_569 = tpu.vector_load_idx %gather3A_568[%add3A_26, %broadcast_in_dim3A_478] : memref<200x16xf32, #tpu.memory_space<vmem>>[vector<16xi32>, vector<16xi32>], vector<16xf32>,
        %bitcast3A_570 = vector.bitcast %gather3A_569 : vector<16xf32> to vector<32xbf16>
        %unpack3A_571 = tpu.unpack_subelements %bitcast3A_570, 0 {pack_format = #tpu.pack_format<interleaved>} : vector<32xbf16> -> vector<16xf32>
        %unpack3A_572 = tpu.unpack_subelements %bitcast3A_570, 1 {pack_format = #tpu.pack_format<interleaved>} : vector<32xbf16> -> vector<16xf32>
        %mul3A_573 = arith.mulf %gather3A, %unpack3A_571 : vector<16xf32>
        %add3A_574 = arith.addf %scan3A_472, %mul3A_573 : vector<16xf32>
        %mul3A_575 = arith.mulf %gather3A_482, %unpack3A_572 : vector<16xf32>
        %add3A_576 = arith.addf %add3A_574, %mul3A_575 : vector<16xf32>
        %gather3A_577 = arith.constant 0 : i32
        %gather3A_578 = arith.constant 0 : i32
        %gather3A_579 = tpu.memref_slice %arg9[%scan3A_377, %gather3A_577, %gather3A_578] : memref<4x200x16xf32, #tpu.memory_space<vmem>> -> memref<1x200x16xf32, #tpu.memory_space<vmem>>
        %gather3A_580 = tpu.memref_squeeze %gather3A_579 : memref<1x200x16xf32, #tpu.memory_space<vmem>> -> memref<200x16xf32, #tpu.memory_space<vmem>>
        %gather3A_581 = tpu.vector_load_idx %gather3A_580[%add3A_29, %broadcast_in_dim3A_478] : memref<200x16xf32, #tpu.memory_space<vmem>>[vector<16xi32>, vector<16xi32>], vector<16xf32>,
        %bitcast3A_582 = vector.bitcast %gather3A_581 : vector<16xf32> to vector<32xbf16>
        %unpack3A_583 = tpu.unpack_subelements %bitcast3A_582, 0 {pack_format = #tpu.pack_format<interleaved>} : vector<32xbf16> -> vector<16xf32>
        %unpack3A_584 = tpu.unpack_subelements %bitcast3A_582, 1 {pack_format = #tpu.pack_format<interleaved>} : vector<32xbf16> -> vector<16xf32>
        %mul3A_585 = arith.mulf %gather3A, %unpack3A_583 : vector<16xf32>
        %add3A_586 = arith.addf %scan3A_473, %mul3A_585 : vector<16xf32>
        %mul3A_587 = arith.mulf %gather3A_482, %unpack3A_584 : vector<16xf32>
        %add3A_588 = arith.addf %add3A_586, %mul3A_587 : vector<16xf32>
        %gather3A_589 = arith.constant 0 : i32
        %gather3A_590 = arith.constant 0 : i32
        %gather3A_591 = tpu.memref_slice %arg9[%scan3A_377, %gather3A_589, %gather3A_590] : memref<4x200x16xf32, #tpu.memory_space<vmem>> -> memref<1x200x16xf32, #tpu.memory_space<vmem>>
        %gather3A_592 = tpu.memref_squeeze %gather3A_591 : memref<1x200x16xf32, #tpu.memory_space<vmem>> -> memref<200x16xf32, #tpu.memory_space<vmem>>
        %gather3A_593 = tpu.vector_load_idx %gather3A_592[%add3A_32, %broadcast_in_dim3A_478] : memref<200x16xf32, #tpu.memory_space<vmem>>[vector<16xi32>, vector<16xi32>], vector<16xf32>,
        %bitcast3A_594 = vector.bitcast %gather3A_593 : vector<16xf32> to vector<32xbf16>
        %unpack3A_595 = tpu.unpack_subelements %bitcast3A_594, 0 {pack_format = #tpu.pack_format<interleaved>} : vector<32xbf16> -> vector<16xf32>
        %unpack3A_596 = tpu.unpack_subelements %bitcast3A_594, 1 {pack_format = #tpu.pack_format<interleaved>} : vector<32xbf16> -> vector<16xf32>
        %mul3A_597 = arith.mulf %gather3A, %unpack3A_595 : vector<16xf32>
        %add3A_598 = arith.addf %scan3A_474, %mul3A_597 : vector<16xf32>
        %mul3A_599 = arith.mulf %gather3A_482, %unpack3A_596 : vector<16xf32>
        %add3A_600 = arith.addf %add3A_598, %mul3A_599 : vector<16xf32>
        %gather3A_601 = arith.constant 0 : i32
        %gather3A_602 = arith.constant 0 : i32
        %gather3A_603 = tpu.memref_slice %arg9[%scan3A_377, %gather3A_601, %gather3A_602] : memref<4x200x16xf32, #tpu.memory_space<vmem>> -> memref<1x200x16xf32, #tpu.memory_space<vmem>>
        %gather3A_604 = tpu.memref_squeeze %gather3A_603 : memref<1x200x16xf32, #tpu.memory_space<vmem>> -> memref<200x16xf32, #tpu.memory_space<vmem>>
        %gather3A_605 = tpu.vector_load_idx %gather3A_604[%add3A_35, %broadcast_in_dim3A_478] : memref<200x16xf32, #tpu.memory_space<vmem>>[vector<16xi32>, vector<16xi32>], vector<16xf32>,
        %bitcast3A_606 = vector.bitcast %gather3A_605 : vector<16xf32> to vector<32xbf16>
        %unpack3A_607 = tpu.unpack_subelements %bitcast3A_606, 0 {pack_format = #tpu.pack_format<interleaved>} : vector<32xbf16> -> vector<16xf32>
        %unpack3A_608 = tpu.unpack_subelements %bitcast3A_606, 1 {pack_format = #tpu.pack_format<interleaved>} : vector<32xbf16> -> vector<16xf32>
        %mul3A_609 = arith.mulf %gather3A, %unpack3A_607 : vector<16xf32>
        %add3A_610 = arith.addf %scan3A_475, %mul3A_609 : vector<16xf32>
        %mul3A_611 = arith.mulf %gather3A_482, %unpack3A_608 : vector<16xf32>
        %add3A_612 = arith.addf %add3A_610, %mul3A_611 : vector<16xf32>
        %gather3A_613 = arith.constant 0 : i32
        %gather3A_614 = arith.constant 0 : i32
        %gather3A_615 = tpu.memref_slice %arg9[%scan3A_377, %gather3A_613, %gather3A_614] : memref<4x200x16xf32, #tpu.memory_space<vmem>> -> memref<1x200x16xf32, #tpu.memory_space<vmem>>
        %gather3A_616 = tpu.memref_squeeze %gather3A_615 : memref<1x200x16xf32, #tpu.memory_space<vmem>> -> memref<200x16xf32, #tpu.memory_space<vmem>>
        %gather3A_617 = tpu.vector_load_idx %gather3A_616[%add3A_38, %broadcast_in_dim3A_478] : memref<200x16xf32, #tpu.memory_space<vmem>>[vector<16xi32>, vector<16xi32>], vector<16xf32>,
        %bitcast3A_618 = vector.bitcast %gather3A_617 : vector<16xf32> to vector<32xbf16>
        %unpack3A_619 = tpu.unpack_subelements %bitcast3A_618, 0 {pack_format = #tpu.pack_format<interleaved>} : vector<32xbf16> -> vector<16xf32>
        %unpack3A_620 = tpu.unpack_subelements %bitcast3A_618, 1 {pack_format = #tpu.pack_format<interleaved>} : vector<32xbf16> -> vector<16xf32>
        %mul3A_621 = arith.mulf %gather3A, %unpack3A_619 : vector<16xf32>
        %add3A_622 = arith.addf %scan3A_476, %mul3A_621 : vector<16xf32>
        %mul3A_623 = arith.mulf %gather3A_482, %unpack3A_620 : vector<16xf32>
        %add3A_624 = arith.addf %add3A_622, %mul3A_623 : vector<16xf32>
        %gather3A_625 = arith.constant 0 : i32
        %gather3A_626 = arith.constant 0 : i32
        %gather3A_627 = tpu.memref_slice %arg9[%scan3A_377, %gather3A_625, %gather3A_626] : memref<4x200x16xf32, #tpu.memory_space<vmem>> -> memref<1x200x16xf32, #tpu.memory_space<vmem>>
        %gather3A_628 = tpu.memref_squeeze %gather3A_627 : memref<1x200x16xf32, #tpu.memory_space<vmem>> -> memref<200x16xf32, #tpu.memory_space<vmem>>
        %gather3A_629 = tpu.vector_load_idx %gather3A_628[%add3A_41, %broadcast_in_dim3A_478] : memref<200x16xf32, #tpu.memory_space<vmem>>[vector<16xi32>, vector<16xi32>], vector<16xf32>,
        %bitcast3A_630 = vector.bitcast %gather3A_629 : vector<16xf32> to vector<32xbf16>
        %unpack3A_631 = tpu.unpack_subelements %bitcast3A_630, 0 {pack_format = #tpu.pack_format<interleaved>} : vector<32xbf16> -> vector<16xf32>
        %unpack3A_632 = tpu.unpack_subelements %bitcast3A_630, 1 {pack_format = #tpu.pack_format<interleaved>} : vector<32xbf16> -> vector<16xf32>
        %mul3A_633 = arith.mulf %gather3A, %unpack3A_631 : vector<16xf32>
        %add3A_634 = arith.addf %scan3A_477, %mul3A_633 : vector<16xf32>
        %mul3A_635 = arith.mulf %gather3A_482, %unpack3A_632 : vector<16xf32>
        %add3A_636 = arith.addf %add3A_634, %mul3A_635 : vector<16xf32>
        scf.yield %add3A_492, %add3A_504, %add3A_516, %add3A_528, %add3A_540, %add3A_552, %add3A_564, %add3A_576, %add3A_588, %add3A_600, %add3A_612, %add3A_624, %add3A_636 : vector<16xf32>, vector<16xf32>, vector<16xf32>, vector<16xf32>, vector<16xf32>, vector<16xf32>, vector<16xf32>, vector<16xf32>, vector<16xf32>, vector<16xf32>, vector<16xf32>, vector<16xf32>, vector<16xf32>
      }
      %scan3A_383 = arith.constant 16 : i32
      tpu.vector_store_idx %arg8[%broadcast_in_dim3A_350, %add3A_5], %scan3A_382#0 : memref<128x200xf32, #tpu.memory_space<vmem>>[vector<16xi32>, vector<16xi32>], vector<16xf32>,
      tpu.vector_store_idx %arg8[%broadcast_in_dim3A_350, %add3A_8], %scan3A_382#1 : memref<128x200xf32, #tpu.memory_space<vmem>>[vector<16xi32>, vector<16xi32>], vector<16xf32>,
      tpu.vector_store_idx %arg8[%broadcast_in_dim3A_350, %add3A_11], %scan3A_382#2 : memref<128x200xf32, #tpu.memory_space<vmem>>[vector<16xi32>, vector<16xi32>], vector<16xf32>,
      tpu.vector_store_idx %arg8[%broadcast_in_dim3A_350, %add3A_14], %scan3A_382#3 : memref<128x200xf32, #tpu.memory_space<vmem>>[vector<16xi32>, vector<16xi32>], vector<16xf32>,
      tpu.vector_store_idx %arg8[%broadcast_in_dim3A_350, %add3A_17], %scan3A_382#4 : memref<128x200xf32, #tpu.memory_space<vmem>>[vector<16xi32>, vector<16xi32>], vector<16xf32>,
      tpu.vector_store_idx %arg8[%broadcast_in_dim3A_350, %add3A_20], %scan3A_382#5 : memref<128x200xf32, #tpu.memory_space<vmem>>[vector<16xi32>, vector<16xi32>], vector<16xf32>,
      tpu.vector_store_idx %arg8[%broadcast_in_dim3A_350, %add3A_23], %scan3A_382#6 : memref<128x200xf32, #tpu.memory_space<vmem>>[vector<16xi32>, vector<16xi32>], vector<16xf32>,
      tpu.vector_store_idx %arg8[%broadcast_in_dim3A_350, %add3A_26], %scan3A_382#7 : memref<128x200xf32, #tpu.memory_space<vmem>>[vector<16xi32>, vector<16xi32>], vector<16xf32>,
      tpu.vector_store_idx %arg8[%broadcast_in_dim3A_350, %add3A_29], %scan3A_382#8 : memref<128x200xf32, #tpu.memory_space<vmem>>[vector<16xi32>, vector<16xi32>], vector<16xf32>,
      tpu.vector_store_idx %arg8[%broadcast_in_dim3A_350, %add3A_32], %scan3A_382#9 : memref<128x200xf32, #tpu.memory_space<vmem>>[vector<16xi32>, vector<16xi32>], vector<16xf32>,
      tpu.vector_store_idx %arg8[%broadcast_in_dim3A_350, %add3A_35], %scan3A_382#10 : memref<128x200xf32, #tpu.memory_space<vmem>>[vector<16xi32>, vector<16xi32>], vector<16xf32>,
      tpu.vector_store_idx %arg8[%broadcast_in_dim3A_350, %add3A_38], %scan3A_382#11 : memref<128x200xf32, #tpu.memory_space<vmem>>[vector<16xi32>, vector<16xi32>], vector<16xf32>,
      tpu.vector_store_idx %arg8[%broadcast_in_dim3A_350, %add3A_41], %scan3A_382#12 : memref<128x200xf32, #tpu.memory_space<vmem>>[vector<16xi32>, vector<16xi32>], vector<16xf32>,
      %add3A_384 = arith.constant 4 : i32
      %add3A_385 = arith.addi %add3A_319, %add3A_384 : i32
      %lt3A_386 = arith.constant 128 : i32
      %lt3A_387 = arith.cmpi slt, %add3A_385, %lt3A_386 : i32
      %convert_element_type3A_388 = arith.extui %lt3A_387 : i1 to i32
      %cond3A_389 = arith.constant 0 : i32
      %cond3A_390 = arith.cmpi ne, %convert_element_type3A_388, %cond3A_389 : i32
      scf.if %cond3A_390 {
        %add3A_464 = arith.constant 4 : i32
        %add3A_465 = arith.addi %add3A_319, %add3A_464 : i32
        %dma_start3A_466 = arith.constant 0 : i32
        %dma_start3A_467 = arith.constant 2 : i32
        %dma_start3A_468 = arith.constant 0 : i32
        %dma_start3A_469 = arith.constant 0 : i32
        %dma_start3A_470 = tpu.memref_slice %arg9[%dma_start3A_467, %dma_start3A_468, %dma_start3A_469] : memref<4x200x16xf32, #tpu.memory_space<vmem>> -> memref<1x200x16xf32, #tpu.memory_space<vmem>>
        %dma_start3A_471 = tpu.memref_squeeze %dma_start3A_470 : memref<1x200x16xf32, #tpu.memory_space<vmem>> -> memref<200x16xf32, #tpu.memory_space<vmem>>
        %dma_start3A_472 = arith.constant 0 : i32
        %dma_start3A_473 = arith.constant 0 : i32
        %dma_start3A_474 = tpu.memref_slice %dma_start3A_471[%dma_start3A_472, %dma_start3A_473] : memref<200x16xf32, #tpu.memory_space<vmem>> -> memref<100x16xf32, #tpu.memory_space<vmem>>
        %dma_start3A_475 = arith.constant 0 : i32
        %dma_start3A_476 = tpu.memref_slice %arg6[%add3A_465, %dma_start3A_466, %dma_start3A_475] : memref<128x2x100xi32, #tpu.memory_space<vmem>> -> memref<1x1x100xi32, #tpu.memory_space<vmem>>
        %dma_start3A_477 = tpu.memref_squeeze %dma_start3A_476 : memref<1x1x100xi32, #tpu.memory_space<vmem>> -> memref<100xi32, #tpu.memory_space<vmem>>
        %dma_start3A_478 = arith.constant 0 : i32
        %dma_start3A_479 = arith.constant 0 : i32
        %dma_start3A_480 = tpu.memref_slice %arg4[%dma_start3A_478, %dma_start3A_479] : memref<1024000x16xf32, #tpu.memory_space<hbm>> -> memref<1024000x16xf32, #tpu.memory_space<hbm>>
        tpu.enqueue_indirect_dma source(%dma_start3A_480 : memref<1024000x16xf32, #tpu.memory_space<hbm>>) target(%dma_start3A_474 : memref<100x16xf32, #tpu.memory_space<vmem>>) offsets(%dma_start3A_477 : memref<100xi32, #tpu.memory_space<vmem>>) semaphore(%arg12 : memref<!tpu.dma_semaphore, #tpu.memory_space<semaphore_mem>>)
        %dma_start3A_481 = arith.constant 1 : i32
        %dma_start3A_482 = arith.constant 2 : i32
        %dma_start3A_483 = arith.constant 0 : i32
        %dma_start3A_484 = arith.constant 0 : i32
        %dma_start3A_485 = tpu.memref_slice %arg9[%dma_start3A_482, %dma_start3A_483, %dma_start3A_484] : memref<4x200x16xf32, #tpu.memory_space<vmem>> -> memref<1x200x16xf32, #tpu.memory_space<vmem>>
        %dma_start3A_486 = tpu.memref_squeeze %dma_start3A_485 : memref<1x200x16xf32, #tpu.memory_space<vmem>> -> memref<200x16xf32, #tpu.memory_space<vmem>>
        %dma_start3A_487 = arith.constant 100 : i32
        %dma_start3A_488 = arith.constant 0 : i32
        %dma_start3A_489 = tpu.memref_slice %dma_start3A_486[%dma_start3A_487, %dma_start3A_488] : memref<200x16xf32, #tpu.memory_space<vmem>> -> memref<100x16xf32, #tpu.memory_space<vmem>>
        %dma_start3A_490 = arith.constant 0 : i32
        %dma_start3A_491 = tpu.memref_slice %arg6[%add3A_465, %dma_start3A_481, %dma_start3A_490] : memref<128x2x100xi32, #tpu.memory_space<vmem>> -> memref<1x1x100xi32, #tpu.memory_space<vmem>>
        %dma_start3A_492 = tpu.memref_squeeze %dma_start3A_491 : memref<1x1x100xi32, #tpu.memory_space<vmem>> -> memref<100xi32, #tpu.memory_space<vmem>>
        %dma_start3A_493 = arith.constant 0 : i32
        %dma_start3A_494 = arith.constant 0 : i32
        %dma_start3A_495 = tpu.memref_slice %arg4[%dma_start3A_493, %dma_start3A_494] : memref<1024000x16xf32, #tpu.memory_space<hbm>> -> memref<1024000x16xf32, #tpu.memory_space<hbm>>
        tpu.enqueue_indirect_dma source(%dma_start3A_495 : memref<1024000x16xf32, #tpu.memory_space<hbm>>) target(%dma_start3A_489 : memref<100x16xf32, #tpu.memory_space<vmem>>) offsets(%dma_start3A_492 : memref<100xi32, #tpu.memory_space<vmem>>) semaphore(%arg12 : memref<!tpu.dma_semaphore, #tpu.memory_space<semaphore_mem>>)
      } else {
      }
      %add3A_391 = arith.constant 3 : i32
      %add3A_392 = arith.addi %mul3A_176, %add3A_391 : i32
      %dma_wait3A_393 = arith.constant 0 : i32
      %dma_wait3A_394 = arith.constant 3 : i32
      %dma_wait3A_395 = arith.constant 0 : i32
      %dma_wait3A_396 = arith.constant 0 : i32
      %dma_wait3A_397 = tpu.memref_slice %arg9[%dma_wait3A_394, %dma_wait3A_395, %dma_wait3A_396] : memref<4x200x16xf32, #tpu.memory_space<vmem>> -> memref<1x200x16xf32, #tpu.memory_space<vmem>>
      %dma_wait3A_398 = tpu.memref_squeeze %dma_wait3A_397 : memref<1x200x16xf32, #tpu.memory_space<vmem>> -> memref<200x16xf32, #tpu.memory_space<vmem>>
      %dma_wait3A_399 = arith.constant 0 : i32
      %dma_wait3A_400 = arith.constant 0 : i32
      %dma_wait3A_401 = tpu.memref_slice %dma_wait3A_398[%dma_wait3A_399, %dma_wait3A_400] : memref<200x16xf32, #tpu.memory_space<vmem>> -> memref<100x16xf32, #tpu.memory_space<vmem>>
      %dma_wait3A_402 = arith.constant 0 : i32
      %dma_wait3A_403 = tpu.memref_slice %arg6[%add3A_392, %dma_wait3A_393, %dma_wait3A_402] : memref<128x2x100xi32, #tpu.memory_space<vmem>> -> memref<1x1x100xi32, #tpu.memory_space<vmem>>
      %dma_wait3A_404 = tpu.memref_squeeze %dma_wait3A_403 : memref<1x1x100xi32, #tpu.memory_space<vmem>> -> memref<100xi32, #tpu.memory_space<vmem>>
      %dma_wait3A_405 = arith.constant 0 : i32
      %dma_wait3A_406 = arith.constant 0 : i32
      %dma_wait3A_407 = tpu.memref_slice %arg4[%dma_wait3A_405, %dma_wait3A_406] : memref<1024000x16xf32, #tpu.memory_space<hbm>> -> memref<1024000x16xf32, #tpu.memory_space<hbm>>
      tpu.wait_indirect_dma semaphore(%arg13 : memref<!tpu.dma_semaphore, #tpu.memory_space<semaphore_mem>>) src(%dma_wait3A_407 : memref<1024000x16xf32, #tpu.memory_space<hbm>>) dst(%dma_wait3A_401 : memref<100x16xf32, #tpu.memory_space<vmem>>)
      %dma_wait3A_408 = arith.constant 1 : i32
      %dma_wait3A_409 = arith.constant 3 : i32
      %dma_wait3A_410 = arith.constant 0 : i32
      %dma_wait3A_411 = arith.constant 0 : i32
      %dma_wait3A_412 = tpu.memref_slice %arg9[%dma_wait3A_409, %dma_wait3A_410, %dma_wait3A_411] : memref<4x200x16xf32, #tpu.memory_space<vmem>> -> memref<1x200x16xf32, #tpu.memory_space<vmem>>
      %dma_wait3A_413 = tpu.memref_squeeze %dma_wait3A_412 : memref<1x200x16xf32, #tpu.memory_space<vmem>> -> memref<200x16xf32, #tpu.memory_space<vmem>>
      %dma_wait3A_414 = arith.constant 100 : i32
      %dma_wait3A_415 = arith.constant 0 : i32
      %dma_wait3A_416 = tpu.memref_slice %dma_wait3A_413[%dma_wait3A_414, %dma_wait3A_415] : memref<200x16xf32, #tpu.memory_space<vmem>> -> memref<100x16xf32, #tpu.memory_space<vmem>>
      %dma_wait3A_417 = arith.constant 0 : i32
      %dma_wait3A_418 = tpu.memref_slice %arg6[%add3A_392, %dma_wait3A_408, %dma_wait3A_417] : memref<128x2x100xi32, #tpu.memory_space<vmem>> -> memref<1x1x100xi32, #tpu.memory_space<vmem>>
      %dma_wait3A_419 = tpu.memref_squeeze %dma_wait3A_418 : memref<1x1x100xi32, #tpu.memory_space<vmem>> -> memref<100xi32, #tpu.memory_space<vmem>>
      %dma_wait3A_420 = arith.constant 0 : i32
      %dma_wait3A_421 = arith.constant 0 : i32
      %dma_wait3A_422 = tpu.memref_slice %arg4[%dma_wait3A_420, %dma_wait3A_421] : memref<1024000x16xf32, #tpu.memory_space<hbm>> -> memref<1024000x16xf32, #tpu.memory_space<hbm>>
      tpu.wait_indirect_dma semaphore(%arg13 : memref<!tpu.dma_semaphore, #tpu.memory_space<semaphore_mem>>) src(%dma_wait3A_422 : memref<1024000x16xf32, #tpu.memory_space<hbm>>) dst(%dma_wait3A_416 : memref<100x16xf32, #tpu.memory_space<vmem>>)
      %broadcast_in_dim3A_423 = vector.broadcast %add3A_392 : i32 to vector<16xi32>
      %broadcast_in_dim3A_424 = arith.constant 0.000000e+00 : f32
      %broadcast_in_dim3A_425 = vector.broadcast %broadcast_in_dim3A_424 : f32 to vector<16xf32>
      %broadcast_in_dim3A_426 = arith.constant 0.000000e+00 : f32
      %broadcast_in_dim3A_427 = vector.broadcast %broadcast_in_dim3A_426 : f32 to vector<16xf32>
      %broadcast_in_dim3A_428 = arith.constant 0.000000e+00 : f32
      %broadcast_in_dim3A_429 = vector.broadcast %broadcast_in_dim3A_428 : f32 to vector<16xf32>
      %broadcast_in_dim3A_430 = arith.constant 0.000000e+00 : f32
      %broadcast_in_dim3A_431 = vector.broadcast %broadcast_in_dim3A_430 : f32 to vector<16xf32>
      %broadcast_in_dim3A_432 = arith.constant 0.000000e+00 : f32
      %broadcast_in_dim3A_433 = vector.broadcast %broadcast_in_dim3A_432 : f32 to vector<16xf32>
      %broadcast_in_dim3A_434 = arith.constant 0.000000e+00 : f32
      %broadcast_in_dim3A_435 = vector.broadcast %broadcast_in_dim3A_434 : f32 to vector<16xf32>
      %broadcast_in_dim3A_436 = arith.constant 0.000000e+00 : f32
      %broadcast_in_dim3A_437 = vector.broadcast %broadcast_in_dim3A_436 : f32 to vector<16xf32>
      %broadcast_in_dim3A_438 = arith.constant 0.000000e+00 : f32
      %broadcast_in_dim3A_439 = vector.broadcast %broadcast_in_dim3A_438 : f32 to vector<16xf32>
      %broadcast_in_dim3A_440 = arith.constant 0.000000e+00 : f32
      %broadcast_in_dim3A_441 = vector.broadcast %broadcast_in_dim3A_440 : f32 to vector<16xf32>
      %broadcast_in_dim3A_442 = arith.constant 0.000000e+00 : f32
      %broadcast_in_dim3A_443 = vector.broadcast %broadcast_in_dim3A_442 : f32 to vector<16xf32>
      %broadcast_in_dim3A_444 = arith.constant 0.000000e+00 : f32
      %broadcast_in_dim3A_445 = vector.broadcast %broadcast_in_dim3A_444 : f32 to vector<16xf32>
      %broadcast_in_dim3A_446 = arith.constant 0.000000e+00 : f32
      %broadcast_in_dim3A_447 = vector.broadcast %broadcast_in_dim3A_446 : f32 to vector<16xf32>
      %broadcast_in_dim3A_448 = arith.constant 0.000000e+00 : f32
      %broadcast_in_dim3A_449 = vector.broadcast %broadcast_in_dim3A_448 : f32 to vector<16xf32>
      %scan3A_450 = arith.constant 3 : i32
      %scan3A_451 = arith.constant 0 : i32
      %scan3A_452 = arith.constant 16 : i32
      %scan3A_453 = arith.addi %scan3A_451, %scan3A_452 : i32
      %scan3A_454 = arith.constant 1 : i32
      %scan3A_455:13 = scf.for %scan3A_464 = %scan3A_451 to %scan3A_453 step %scan3A_454 iter_args(%scan3A_465 = %broadcast_in_dim3A_425, %scan3A_466 = %broadcast_in_dim3A_427, %scan3A_467 = %broadcast_in_dim3A_429, %scan3A_468 = %broadcast_in_dim3A_431, %scan3A_469 = %broadcast_in_dim3A_433, %scan3A_470 = %broadcast_in_dim3A_435, %scan3A_471 = %broadcast_in_dim3A_437, %scan3A_472 = %broadcast_in_dim3A_439, %scan3A_473 = %broadcast_in_dim3A_441, %scan3A_474 = %broadcast_in_dim3A_443, %scan3A_475 = %broadcast_in_dim3A_445, %scan3A_476 = %broadcast_in_dim3A_447, %scan3A_477 = %broadcast_in_dim3A_449) -> (vector<16xf32>, vector<16xf32>, vector<16xf32>, vector<16xf32>, vector<16xf32>, vector<16xf32>, vector<16xf32>, vector<16xf32>, vector<16xf32>, vector<16xf32>, vector<16xf32>, vector<16xf32>, vector<16xf32>)  : i32 {
        %broadcast_in_dim3A_478 = vector.broadcast %scan3A_464 : i32 to vector<16xi32>
        %gather3A = tpu.vector_load_idx %arg7[%broadcast_in_dim3A_423, %broadcast_in_dim3A_478] : memref<128x32xf32, #tpu.memory_space<vmem>>[vector<16xi32>, vector<16xi32>], vector<16xf32>,
        %add3A_479 = arith.constant 16 : i32
        %add3A_480 = vector.broadcast %add3A_479 : i32 to vector<16xi32>
        %add3A_481 = arith.addi %broadcast_in_dim3A_478, %add3A_480 : vector<16xi32>
        %gather3A_482 = tpu.vector_load_idx %arg7[%broadcast_in_dim3A_423, %add3A_481] : memref<128x32xf32, #tpu.memory_space<vmem>>[vector<16xi32>, vector<16xi32>], vector<16xf32>,
        %gather3A_483 = arith.constant 0 : i32
        %gather3A_484 = arith.constant 0 : i32
        %gather3A_485 = tpu.memref_slice %arg9[%scan3A_450, %gather3A_483, %gather3A_484] : memref<4x200x16xf32, #tpu.memory_space<vmem>> -> memref<1x200x16xf32, #tpu.memory_space<vmem>>
        %gather3A_486 = tpu.memref_squeeze %gather3A_485 : memref<1x200x16xf32, #tpu.memory_space<vmem>> -> memref<200x16xf32, #tpu.memory_space<vmem>>
        %gather3A_487 = tpu.vector_load_idx %gather3A_486[%add3A_5, %broadcast_in_dim3A_478] : memref<200x16xf32, #tpu.memory_space<vmem>>[vector<16xi32>, vector<16xi32>], vector<16xf32>,
        %bitcast3A = vector.bitcast %gather3A_487 : vector<16xf32> to vector<32xbf16>
        %unpack3A = tpu.unpack_subelements %bitcast3A, 0 {pack_format = #tpu.pack_format<interleaved>} : vector<32xbf16> -> vector<16xf32>
        %unpack3A_488 = tpu.unpack_subelements %bitcast3A, 1 {pack_format = #tpu.pack_format<interleaved>} : vector<32xbf16> -> vector<16xf32>
        %mul3A_489 = arith.mulf %gather3A, %unpack3A : vector<16xf32>
        %add3A_490 = arith.addf %scan3A_465, %mul3A_489 : vector<16xf32>
        %mul3A_491 = arith.mulf %gather3A_482, %unpack3A_488 : vector<16xf32>
        %add3A_492 = arith.addf %add3A_490, %mul3A_491 : vector<16xf32>
        %gather3A_493 = arith.constant 0 : i32
        %gather3A_494 = arith.constant 0 : i32
        %gather3A_495 = tpu.memref_slice %arg9[%scan3A_450, %gather3A_493, %gather3A_494] : memref<4x200x16xf32, #tpu.memory_space<vmem>> -> memref<1x200x16xf32, #tpu.memory_space<vmem>>
        %gather3A_496 = tpu.memref_squeeze %gather3A_495 : memref<1x200x16xf32, #tpu.memory_space<vmem>> -> memref<200x16xf32, #tpu.memory_space<vmem>>
        %gather3A_497 = tpu.vector_load_idx %gather3A_496[%add3A_8, %broadcast_in_dim3A_478] : memref<200x16xf32, #tpu.memory_space<vmem>>[vector<16xi32>, vector<16xi32>], vector<16xf32>,
        %bitcast3A_498 = vector.bitcast %gather3A_497 : vector<16xf32> to vector<32xbf16>
        %unpack3A_499 = tpu.unpack_subelements %bitcast3A_498, 0 {pack_format = #tpu.pack_format<interleaved>} : vector<32xbf16> -> vector<16xf32>
        %unpack3A_500 = tpu.unpack_subelements %bitcast3A_498, 1 {pack_format = #tpu.pack_format<interleaved>} : vector<32xbf16> -> vector<16xf32>
        %mul3A_501 = arith.mulf %gather3A, %unpack3A_499 : vector<16xf32>
        %add3A_502 = arith.addf %scan3A_466, %mul3A_501 : vector<16xf32>
        %mul3A_503 = arith.mulf %gather3A_482, %unpack3A_500 : vector<16xf32>
        %add3A_504 = arith.addf %add3A_502, %mul3A_503 : vector<16xf32>
        %gather3A_505 = arith.constant 0 : i32
        %gather3A_506 = arith.constant 0 : i32
        %gather3A_507 = tpu.memref_slice %arg9[%scan3A_450, %gather3A_505, %gather3A_506] : memref<4x200x16xf32, #tpu.memory_space<vmem>> -> memref<1x200x16xf32, #tpu.memory_space<vmem>>
        %gather3A_508 = tpu.memref_squeeze %gather3A_507 : memref<1x200x16xf32, #tpu.memory_space<vmem>> -> memref<200x16xf32, #tpu.memory_space<vmem>>
        %gather3A_509 = tpu.vector_load_idx %gather3A_508[%add3A_11, %broadcast_in_dim3A_478] : memref<200x16xf32, #tpu.memory_space<vmem>>[vector<16xi32>, vector<16xi32>], vector<16xf32>,
        %bitcast3A_510 = vector.bitcast %gather3A_509 : vector<16xf32> to vector<32xbf16>
        %unpack3A_511 = tpu.unpack_subelements %bitcast3A_510, 0 {pack_format = #tpu.pack_format<interleaved>} : vector<32xbf16> -> vector<16xf32>
        %unpack3A_512 = tpu.unpack_subelements %bitcast3A_510, 1 {pack_format = #tpu.pack_format<interleaved>} : vector<32xbf16> -> vector<16xf32>
        %mul3A_513 = arith.mulf %gather3A, %unpack3A_511 : vector<16xf32>
        %add3A_514 = arith.addf %scan3A_467, %mul3A_513 : vector<16xf32>
        %mul3A_515 = arith.mulf %gather3A_482, %unpack3A_512 : vector<16xf32>
        %add3A_516 = arith.addf %add3A_514, %mul3A_515 : vector<16xf32>
        %gather3A_517 = arith.constant 0 : i32
        %gather3A_518 = arith.constant 0 : i32
        %gather3A_519 = tpu.memref_slice %arg9[%scan3A_450, %gather3A_517, %gather3A_518] : memref<4x200x16xf32, #tpu.memory_space<vmem>> -> memref<1x200x16xf32, #tpu.memory_space<vmem>>
        %gather3A_520 = tpu.memref_squeeze %gather3A_519 : memref<1x200x16xf32, #tpu.memory_space<vmem>> -> memref<200x16xf32, #tpu.memory_space<vmem>>
        %gather3A_521 = tpu.vector_load_idx %gather3A_520[%add3A_14, %broadcast_in_dim3A_478] : memref<200x16xf32, #tpu.memory_space<vmem>>[vector<16xi32>, vector<16xi32>], vector<16xf32>,
        %bitcast3A_522 = vector.bitcast %gather3A_521 : vector<16xf32> to vector<32xbf16>
        %unpack3A_523 = tpu.unpack_subelements %bitcast3A_522, 0 {pack_format = #tpu.pack_format<interleaved>} : vector<32xbf16> -> vector<16xf32>
        %unpack3A_524 = tpu.unpack_subelements %bitcast3A_522, 1 {pack_format = #tpu.pack_format<interleaved>} : vector<32xbf16> -> vector<16xf32>
        %mul3A_525 = arith.mulf %gather3A, %unpack3A_523 : vector<16xf32>
        %add3A_526 = arith.addf %scan3A_468, %mul3A_525 : vector<16xf32>
        %mul3A_527 = arith.mulf %gather3A_482, %unpack3A_524 : vector<16xf32>
        %add3A_528 = arith.addf %add3A_526, %mul3A_527 : vector<16xf32>
        %gather3A_529 = arith.constant 0 : i32
        %gather3A_530 = arith.constant 0 : i32
        %gather3A_531 = tpu.memref_slice %arg9[%scan3A_450, %gather3A_529, %gather3A_530] : memref<4x200x16xf32, #tpu.memory_space<vmem>> -> memref<1x200x16xf32, #tpu.memory_space<vmem>>
        %gather3A_532 = tpu.memref_squeeze %gather3A_531 : memref<1x200x16xf32, #tpu.memory_space<vmem>> -> memref<200x16xf32, #tpu.memory_space<vmem>>
        %gather3A_533 = tpu.vector_load_idx %gather3A_532[%add3A_17, %broadcast_in_dim3A_478] : memref<200x16xf32, #tpu.memory_space<vmem>>[vector<16xi32>, vector<16xi32>], vector<16xf32>,
        %bitcast3A_534 = vector.bitcast %gather3A_533 : vector<16xf32> to vector<32xbf16>
        %unpack3A_535 = tpu.unpack_subelements %bitcast3A_534, 0 {pack_format = #tpu.pack_format<interleaved>} : vector<32xbf16> -> vector<16xf32>
        %unpack3A_536 = tpu.unpack_subelements %bitcast3A_534, 1 {pack_format = #tpu.pack_format<interleaved>} : vector<32xbf16> -> vector<16xf32>
        %mul3A_537 = arith.mulf %gather3A, %unpack3A_535 : vector<16xf32>
        %add3A_538 = arith.addf %scan3A_469, %mul3A_537 : vector<16xf32>
        %mul3A_539 = arith.mulf %gather3A_482, %unpack3A_536 : vector<16xf32>
        %add3A_540 = arith.addf %add3A_538, %mul3A_539 : vector<16xf32>
        %gather3A_541 = arith.constant 0 : i32
        %gather3A_542 = arith.constant 0 : i32
        %gather3A_543 = tpu.memref_slice %arg9[%scan3A_450, %gather3A_541, %gather3A_542] : memref<4x200x16xf32, #tpu.memory_space<vmem>> -> memref<1x200x16xf32, #tpu.memory_space<vmem>>
        %gather3A_544 = tpu.memref_squeeze %gather3A_543 : memref<1x200x16xf32, #tpu.memory_space<vmem>> -> memref<200x16xf32, #tpu.memory_space<vmem>>
        %gather3A_545 = tpu.vector_load_idx %gather3A_544[%add3A_20, %broadcast_in_dim3A_478] : memref<200x16xf32, #tpu.memory_space<vmem>>[vector<16xi32>, vector<16xi32>], vector<16xf32>,
        %bitcast3A_546 = vector.bitcast %gather3A_545 : vector<16xf32> to vector<32xbf16>
        %unpack3A_547 = tpu.unpack_subelements %bitcast3A_546, 0 {pack_format = #tpu.pack_format<interleaved>} : vector<32xbf16> -> vector<16xf32>
        %unpack3A_548 = tpu.unpack_subelements %bitcast3A_546, 1 {pack_format = #tpu.pack_format<interleaved>} : vector<32xbf16> -> vector<16xf32>
        %mul3A_549 = arith.mulf %gather3A, %unpack3A_547 : vector<16xf32>
        %add3A_550 = arith.addf %scan3A_470, %mul3A_549 : vector<16xf32>
        %mul3A_551 = arith.mulf %gather3A_482, %unpack3A_548 : vector<16xf32>
        %add3A_552 = arith.addf %add3A_550, %mul3A_551 : vector<16xf32>
        %gather3A_553 = arith.constant 0 : i32
        %gather3A_554 = arith.constant 0 : i32
        %gather3A_555 = tpu.memref_slice %arg9[%scan3A_450, %gather3A_553, %gather3A_554] : memref<4x200x16xf32, #tpu.memory_space<vmem>> -> memref<1x200x16xf32, #tpu.memory_space<vmem>>
        %gather3A_556 = tpu.memref_squeeze %gather3A_555 : memref<1x200x16xf32, #tpu.memory_space<vmem>> -> memref<200x16xf32, #tpu.memory_space<vmem>>
        %gather3A_557 = tpu.vector_load_idx %gather3A_556[%add3A_23, %broadcast_in_dim3A_478] : memref<200x16xf32, #tpu.memory_space<vmem>>[vector<16xi32>, vector<16xi32>], vector<16xf32>,
        %bitcast3A_558 = vector.bitcast %gather3A_557 : vector<16xf32> to vector<32xbf16>
        %unpack3A_559 = tpu.unpack_subelements %bitcast3A_558, 0 {pack_format = #tpu.pack_format<interleaved>} : vector<32xbf16> -> vector<16xf32>
        %unpack3A_560 = tpu.unpack_subelements %bitcast3A_558, 1 {pack_format = #tpu.pack_format<interleaved>} : vector<32xbf16> -> vector<16xf32>
        %mul3A_561 = arith.mulf %gather3A, %unpack3A_559 : vector<16xf32>
        %add3A_562 = arith.addf %scan3A_471, %mul3A_561 : vector<16xf32>
        %mul3A_563 = arith.mulf %gather3A_482, %unpack3A_560 : vector<16xf32>
        %add3A_564 = arith.addf %add3A_562, %mul3A_563 : vector<16xf32>
        %gather3A_565 = arith.constant 0 : i32
        %gather3A_566 = arith.constant 0 : i32
        %gather3A_567 = tpu.memref_slice %arg9[%scan3A_450, %gather3A_565, %gather3A_566] : memref<4x200x16xf32, #tpu.memory_space<vmem>> -> memref<1x200x16xf32, #tpu.memory_space<vmem>>
        %gather3A_568 = tpu.memref_squeeze %gather3A_567 : memref<1x200x16xf32, #tpu.memory_space<vmem>> -> memref<200x16xf32, #tpu.memory_space<vmem>>
        %gather3A_569 = tpu.vector_load_idx %gather3A_568[%add3A_26, %broadcast_in_dim3A_478] : memref<200x16xf32, #tpu.memory_space<vmem>>[vector<16xi32>, vector<16xi32>], vector<16xf32>,
        %bitcast3A_570 = vector.bitcast %gather3A_569 : vector<16xf32> to vector<32xbf16>
        %unpack3A_571 = tpu.unpack_subelements %bitcast3A_570, 0 {pack_format = #tpu.pack_format<interleaved>} : vector<32xbf16> -> vector<16xf32>
        %unpack3A_572 = tpu.unpack_subelements %bitcast3A_570, 1 {pack_format = #tpu.pack_format<interleaved>} : vector<32xbf16> -> vector<16xf32>
        %mul3A_573 = arith.mulf %gather3A, %unpack3A_571 : vector<16xf32>
        %add3A_574 = arith.addf %scan3A_472, %mul3A_573 : vector<16xf32>
        %mul3A_575 = arith.mulf %gather3A_482, %unpack3A_572 : vector<16xf32>
        %add3A_576 = arith.addf %add3A_574, %mul3A_575 : vector<16xf32>
        %gather3A_577 = arith.constant 0 : i32
        %gather3A_578 = arith.constant 0 : i32
        %gather3A_579 = tpu.memref_slice %arg9[%scan3A_450, %gather3A_577, %gather3A_578] : memref<4x200x16xf32, #tpu.memory_space<vmem>> -> memref<1x200x16xf32, #tpu.memory_space<vmem>>
        %gather3A_580 = tpu.memref_squeeze %gather3A_579 : memref<1x200x16xf32, #tpu.memory_space<vmem>> -> memref<200x16xf32, #tpu.memory_space<vmem>>
        %gather3A_581 = tpu.vector_load_idx %gather3A_580[%add3A_29, %broadcast_in_dim3A_478] : memref<200x16xf32, #tpu.memory_space<vmem>>[vector<16xi32>, vector<16xi32>], vector<16xf32>,
        %bitcast3A_582 = vector.bitcast %gather3A_581 : vector<16xf32> to vector<32xbf16>
        %unpack3A_583 = tpu.unpack_subelements %bitcast3A_582, 0 {pack_format = #tpu.pack_format<interleaved>} : vector<32xbf16> -> vector<16xf32>
        %unpack3A_584 = tpu.unpack_subelements %bitcast3A_582, 1 {pack_format = #tpu.pack_format<interleaved>} : vector<32xbf16> -> vector<16xf32>
        %mul3A_585 = arith.mulf %gather3A, %unpack3A_583 : vector<16xf32>
        %add3A_586 = arith.addf %scan3A_473, %mul3A_585 : vector<16xf32>
        %mul3A_587 = arith.mulf %gather3A_482, %unpack3A_584 : vector<16xf32>
        %add3A_588 = arith.addf %add3A_586, %mul3A_587 : vector<16xf32>
        %gather3A_589 = arith.constant 0 : i32
        %gather3A_590 = arith.constant 0 : i32
        %gather3A_591 = tpu.memref_slice %arg9[%scan3A_450, %gather3A_589, %gather3A_590] : memref<4x200x16xf32, #tpu.memory_space<vmem>> -> memref<1x200x16xf32, #tpu.memory_space<vmem>>
        %gather3A_592 = tpu.memref_squeeze %gather3A_591 : memref<1x200x16xf32, #tpu.memory_space<vmem>> -> memref<200x16xf32, #tpu.memory_space<vmem>>
        %gather3A_593 = tpu.vector_load_idx %gather3A_592[%add3A_32, %broadcast_in_dim3A_478] : memref<200x16xf32, #tpu.memory_space<vmem>>[vector<16xi32>, vector<16xi32>], vector<16xf32>,
        %bitcast3A_594 = vector.bitcast %gather3A_593 : vector<16xf32> to vector<32xbf16>
        %unpack3A_595 = tpu.unpack_subelements %bitcast3A_594, 0 {pack_format = #tpu.pack_format<interleaved>} : vector<32xbf16> -> vector<16xf32>
        %unpack3A_596 = tpu.unpack_subelements %bitcast3A_594, 1 {pack_format = #tpu.pack_format<interleaved>} : vector<32xbf16> -> vector<16xf32>
        %mul3A_597 = arith.mulf %gather3A, %unpack3A_595 : vector<16xf32>
        %add3A_598 = arith.addf %scan3A_474, %mul3A_597 : vector<16xf32>
        %mul3A_599 = arith.mulf %gather3A_482, %unpack3A_596 : vector<16xf32>
        %add3A_600 = arith.addf %add3A_598, %mul3A_599 : vector<16xf32>
        %gather3A_601 = arith.constant 0 : i32
        %gather3A_602 = arith.constant 0 : i32
        %gather3A_603 = tpu.memref_slice %arg9[%scan3A_450, %gather3A_601, %gather3A_602] : memref<4x200x16xf32, #tpu.memory_space<vmem>> -> memref<1x200x16xf32, #tpu.memory_space<vmem>>
        %gather3A_604 = tpu.memref_squeeze %gather3A_603 : memref<1x200x16xf32, #tpu.memory_space<vmem>> -> memref<200x16xf32, #tpu.memory_space<vmem>>
        %gather3A_605 = tpu.vector_load_idx %gather3A_604[%add3A_35, %broadcast_in_dim3A_478] : memref<200x16xf32, #tpu.memory_space<vmem>>[vector<16xi32>, vector<16xi32>], vector<16xf32>,
        %bitcast3A_606 = vector.bitcast %gather3A_605 : vector<16xf32> to vector<32xbf16>
        %unpack3A_607 = tpu.unpack_subelements %bitcast3A_606, 0 {pack_format = #tpu.pack_format<interleaved>} : vector<32xbf16> -> vector<16xf32>
        %unpack3A_608 = tpu.unpack_subelements %bitcast3A_606, 1 {pack_format = #tpu.pack_format<interleaved>} : vector<32xbf16> -> vector<16xf32>
        %mul3A_609 = arith.mulf %gather3A, %unpack3A_607 : vector<16xf32>
        %add3A_610 = arith.addf %scan3A_475, %mul3A_609 : vector<16xf32>
        %mul3A_611 = arith.mulf %gather3A_482, %unpack3A_608 : vector<16xf32>
        %add3A_612 = arith.addf %add3A_610, %mul3A_611 : vector<16xf32>
        %gather3A_613 = arith.constant 0 : i32
        %gather3A_614 = arith.constant 0 : i32
        %gather3A_615 = tpu.memref_slice %arg9[%scan3A_450, %gather3A_613, %gather3A_614] : memref<4x200x16xf32, #tpu.memory_space<vmem>> -> memref<1x200x16xf32, #tpu.memory_space<vmem>>
        %gather3A_616 = tpu.memref_squeeze %gather3A_615 : memref<1x200x16xf32, #tpu.memory_space<vmem>> -> memref<200x16xf32, #tpu.memory_space<vmem>>
        %gather3A_617 = tpu.vector_load_idx %gather3A_616[%add3A_38, %broadcast_in_dim3A_478] : memref<200x16xf32, #tpu.memory_space<vmem>>[vector<16xi32>, vector<16xi32>], vector<16xf32>,
        %bitcast3A_618 = vector.bitcast %gather3A_617 : vector<16xf32> to vector<32xbf16>
        %unpack3A_619 = tpu.unpack_subelements %bitcast3A_618, 0 {pack_format = #tpu.pack_format<interleaved>} : vector<32xbf16> -> vector<16xf32>
        %unpack3A_620 = tpu.unpack_subelements %bitcast3A_618, 1 {pack_format = #tpu.pack_format<interleaved>} : vector<32xbf16> -> vector<16xf32>
        %mul3A_621 = arith.mulf %gather3A, %unpack3A_619 : vector<16xf32>
        %add3A_622 = arith.addf %scan3A_476, %mul3A_621 : vector<16xf32>
        %mul3A_623 = arith.mulf %gather3A_482, %unpack3A_620 : vector<16xf32>
        %add3A_624 = arith.addf %add3A_622, %mul3A_623 : vector<16xf32>
        %gather3A_625 = arith.constant 0 : i32
        %gather3A_626 = arith.constant 0 : i32
        %gather3A_627 = tpu.memref_slice %arg9[%scan3A_450, %gather3A_625, %gather3A_626] : memref<4x200x16xf32, #tpu.memory_space<vmem>> -> memref<1x200x16xf32, #tpu.memory_space<vmem>>
        %gather3A_628 = tpu.memref_squeeze %gather3A_627 : memref<1x200x16xf32, #tpu.memory_space<vmem>> -> memref<200x16xf32, #tpu.memory_space<vmem>>
        %gather3A_629 = tpu.vector_load_idx %gather3A_628[%add3A_41, %broadcast_in_dim3A_478] : memref<200x16xf32, #tpu.memory_space<vmem>>[vector<16xi32>, vector<16xi32>], vector<16xf32>,
        %bitcast3A_630 = vector.bitcast %gather3A_629 : vector<16xf32> to vector<32xbf16>
        %unpack3A_631 = tpu.unpack_subelements %bitcast3A_630, 0 {pack_format = #tpu.pack_format<interleaved>} : vector<32xbf16> -> vector<16xf32>
        %unpack3A_632 = tpu.unpack_subelements %bitcast3A_630, 1 {pack_format = #tpu.pack_format<interleaved>} : vector<32xbf16> -> vector<16xf32>
        %mul3A_633 = arith.mulf %gather3A, %unpack3A_631 : vector<16xf32>
        %add3A_634 = arith.addf %scan3A_477, %mul3A_633 : vector<16xf32>
        %mul3A_635 = arith.mulf %gather3A_482, %unpack3A_632 : vector<16xf32>
        %add3A_636 = arith.addf %add3A_634, %mul3A_635 : vector<16xf32>
        scf.yield %add3A_492, %add3A_504, %add3A_516, %add3A_528, %add3A_540, %add3A_552, %add3A_564, %add3A_576, %add3A_588, %add3A_600, %add3A_612, %add3A_624, %add3A_636 : vector<16xf32>, vector<16xf32>, vector<16xf32>, vector<16xf32>, vector<16xf32>, vector<16xf32>, vector<16xf32>, vector<16xf32>, vector<16xf32>, vector<16xf32>, vector<16xf32>, vector<16xf32>, vector<16xf32>
      }
      %scan3A_456 = arith.constant 16 : i32
      tpu.vector_store_idx %arg8[%broadcast_in_dim3A_423, %add3A_5], %scan3A_455#0 : memref<128x200xf32, #tpu.memory_space<vmem>>[vector<16xi32>, vector<16xi32>], vector<16xf32>,
      tpu.vector_store_idx %arg8[%broadcast_in_dim3A_423, %add3A_8], %scan3A_455#1 : memref<128x200xf32, #tpu.memory_space<vmem>>[vector<16xi32>, vector<16xi32>], vector<16xf32>,
      tpu.vector_store_idx %arg8[%broadcast_in_dim3A_423, %add3A_11], %scan3A_455#2 : memref<128x200xf32, #tpu.memory_space<vmem>>[vector<16xi32>, vector<16xi32>], vector<16xf32>,
      tpu.vector_store_idx %arg8[%broadcast_in_dim3A_423, %add3A_14], %scan3A_455#3 : memref<128x200xf32, #tpu.memory_space<vmem>>[vector<16xi32>, vector<16xi32>], vector<16xf32>,
      tpu.vector_store_idx %arg8[%broadcast_in_dim3A_423, %add3A_17], %scan3A_455#4 : memref<128x200xf32, #tpu.memory_space<vmem>>[vector<16xi32>, vector<16xi32>], vector<16xf32>,
      tpu.vector_store_idx %arg8[%broadcast_in_dim3A_423, %add3A_20], %scan3A_455#5 : memref<128x200xf32, #tpu.memory_space<vmem>>[vector<16xi32>, vector<16xi32>], vector<16xf32>,
      tpu.vector_store_idx %arg8[%broadcast_in_dim3A_423, %add3A_23], %scan3A_455#6 : memref<128x200xf32, #tpu.memory_space<vmem>>[vector<16xi32>, vector<16xi32>], vector<16xf32>,
      tpu.vector_store_idx %arg8[%broadcast_in_dim3A_423, %add3A_26], %scan3A_455#7 : memref<128x200xf32, #tpu.memory_space<vmem>>[vector<16xi32>, vector<16xi32>], vector<16xf32>,
      tpu.vector_store_idx %arg8[%broadcast_in_dim3A_423, %add3A_29], %scan3A_455#8 : memref<128x200xf32, #tpu.memory_space<vmem>>[vector<16xi32>, vector<16xi32>], vector<16xf32>,
      tpu.vector_store_idx %arg8[%broadcast_in_dim3A_423, %add3A_32], %scan3A_455#9 : memref<128x200xf32, #tpu.memory_space<vmem>>[vector<16xi32>, vector<16xi32>], vector<16xf32>,
      tpu.vector_store_idx %arg8[%broadcast_in_dim3A_423, %add3A_35], %scan3A_455#10 : memref<128x200xf32, #tpu.memory_space<vmem>>[vector<16xi32>, vector<16xi32>], vector<16xf32>,
      tpu.vector_store_idx %arg8[%broadcast_in_dim3A_423, %add3A_38], %scan3A_455#11 : memref<128x200xf32, #tpu.memory_space<vmem>>[vector<16xi32>, vector<16xi32>], vector<16xf32>,
      tpu.vector_store_idx %arg8[%broadcast_in_dim3A_423, %add3A_41], %scan3A_455#12 : memref<128x200xf32, #tpu.memory_space<vmem>>[vector<16xi32>, vector<16xi32>], vector<16xf32>,
      %add3A_457 = arith.constant 4 : i32
      %add3A_458 = arith.addi %add3A_392, %add3A_457 : i32
      %lt3A_459 = arith.constant 128 : i32
      %lt3A_460 = arith.cmpi slt, %add3A_458, %lt3A_459 : i32
      %convert_element_type3A_461 = arith.extui %lt3A_460 : i1 to i32
      %cond3A_462 = arith.constant 0 : i32
      %cond3A_463 = arith.cmpi ne, %convert_element_type3A_461, %cond3A_462 : i32
      scf.if %cond3A_463 {
        %add3A_464 = arith.constant 4 : i32
        %add3A_465 = arith.addi %add3A_392, %add3A_464 : i32
        %dma_start3A_466 = arith.constant 0 : i32
        %dma_start3A_467 = arith.constant 3 : i32
        %dma_start3A_468 = arith.constant 0 : i32
        %dma_start3A_469 = arith.constant 0 : i32
        %dma_start3A_470 = tpu.memref_slice %arg9[%dma_start3A_467, %dma_start3A_468, %dma_start3A_469] : memref<4x200x16xf32, #tpu.memory_space<vmem>> -> memref<1x200x16xf32, #tpu.memory_space<vmem>>
        %dma_start3A_471 = tpu.memref_squeeze %dma_start3A_470 : memref<1x200x16xf32, #tpu.memory_space<vmem>> -> memref<200x16xf32, #tpu.memory_space<vmem>>
        %dma_start3A_472 = arith.constant 0 : i32
        %dma_start3A_473 = arith.constant 0 : i32
        %dma_start3A_474 = tpu.memref_slice %dma_start3A_471[%dma_start3A_472, %dma_start3A_473] : memref<200x16xf32, #tpu.memory_space<vmem>> -> memref<100x16xf32, #tpu.memory_space<vmem>>
        %dma_start3A_475 = arith.constant 0 : i32
        %dma_start3A_476 = tpu.memref_slice %arg6[%add3A_465, %dma_start3A_466, %dma_start3A_475] : memref<128x2x100xi32, #tpu.memory_space<vmem>> -> memref<1x1x100xi32, #tpu.memory_space<vmem>>
        %dma_start3A_477 = tpu.memref_squeeze %dma_start3A_476 : memref<1x1x100xi32, #tpu.memory_space<vmem>> -> memref<100xi32, #tpu.memory_space<vmem>>
        %dma_start3A_478 = arith.constant 0 : i32
        %dma_start3A_479 = arith.constant 0 : i32
        %dma_start3A_480 = tpu.memref_slice %arg4[%dma_start3A_478, %dma_start3A_479] : memref<1024000x16xf32, #tpu.memory_space<hbm>> -> memref<1024000x16xf32, #tpu.memory_space<hbm>>
        tpu.enqueue_indirect_dma source(%dma_start3A_480 : memref<1024000x16xf32, #tpu.memory_space<hbm>>) target(%dma_start3A_474 : memref<100x16xf32, #tpu.memory_space<vmem>>) offsets(%dma_start3A_477 : memref<100xi32, #tpu.memory_space<vmem>>) semaphore(%arg13 : memref<!tpu.dma_semaphore, #tpu.memory_space<semaphore_mem>>)
        %dma_start3A_481 = arith.constant 1 : i32
        %dma_start3A_482 = arith.constant 3 : i32
        %dma_start3A_483 = arith.constant 0 : i32
        %dma_start3A_484 = arith.constant 0 : i32
        %dma_start3A_485 = tpu.memref_slice %arg9[%dma_start3A_482, %dma_start3A_483, %dma_start3A_484] : memref<4x200x16xf32, #tpu.memory_space<vmem>> -> memref<1x200x16xf32, #tpu.memory_space<vmem>>
        %dma_start3A_486 = tpu.memref_squeeze %dma_start3A_485 : memref<1x200x16xf32, #tpu.memory_space<vmem>> -> memref<200x16xf32, #tpu.memory_space<vmem>>
        %dma_start3A_487 = arith.constant 100 : i32
        %dma_start3A_488 = arith.constant 0 : i32
        %dma_start3A_489 = tpu.memref_slice %dma_start3A_486[%dma_start3A_487, %dma_start3A_488] : memref<200x16xf32, #tpu.memory_space<vmem>> -> memref<100x16xf32, #tpu.memory_space<vmem>>
        %dma_start3A_490 = arith.constant 0 : i32
        %dma_start3A_491 = tpu.memref_slice %arg6[%add3A_465, %dma_start3A_481, %dma_start3A_490] : memref<128x2x100xi32, #tpu.memory_space<vmem>> -> memref<1x1x100xi32, #tpu.memory_space<vmem>>
        %dma_start3A_492 = tpu.memref_squeeze %dma_start3A_491 : memref<1x1x100xi32, #tpu.memory_space<vmem>> -> memref<100xi32, #tpu.memory_space<vmem>>
        %dma_start3A_493 = arith.constant 0 : i32
        %dma_start3A_494 = arith.constant 0 : i32
        %dma_start3A_495 = tpu.memref_slice %arg4[%dma_start3A_493, %dma_start3A_494] : memref<1024000x16xf32, #tpu.memory_space<hbm>> -> memref<1024000x16xf32, #tpu.memory_space<hbm>>
        tpu.enqueue_indirect_dma source(%dma_start3A_495 : memref<1024000x16xf32, #tpu.memory_space<hbm>>) target(%dma_start3A_489 : memref<100x16xf32, #tpu.memory_space<vmem>>) offsets(%dma_start3A_492 : memref<100xi32, #tpu.memory_space<vmem>>) semaphore(%arg13 : memref<!tpu.dma_semaphore, #tpu.memory_space<semaphore_mem>>)
      } else {
      }
    }
    %scan3A_173 = arith.constant 32 : i32
    "tpu.region"() ({
      %run_scoped3A = tpu.sem_alloc : memref<!tpu.dma_semaphore, #tpu.memory_space<semaphore_mem>>
      %dma_start3A_174 = arith.constant 0 : i32
      %dma_start3A_175 = tpu.memref_slice %arg5[%mul3A_2, %dma_start3A_174] : memref<4096x200xf32, #tpu.memory_space<hbm>> -> memref<128x200xf32, #tpu.memory_space<hbm>>
      %dma_start3A_176 = arith.constant 0 : i32
      %dma_start3A_177 = tpu.memref_slice %arg5[%mul3A_2, %dma_start3A_176] : memref<4096x200xf32, #tpu.memory_space<hbm>> -> memref<128x200xf32, #tpu.memory_space<hbm>>
      tpu.enqueue_dma source(%arg8 : memref<128x200xf32, #tpu.memory_space<vmem>>) target(%dma_start3A_177 : memref<128x200xf32, #tpu.memory_space<hbm>>) target_semaphore(%run_scoped3A : memref<!tpu.dma_semaphore, #tpu.memory_space<semaphore_mem>>)
      %dma_wait3A = arith.constant 0 : i32
      %dma_wait3A_178 = tpu.memref_slice %arg5[%mul3A_2, %dma_wait3A] : memref<4096x200xf32, #tpu.memory_space<hbm>> -> memref<128x200xf32, #tpu.memory_space<hbm>>
      %dma_wait3A_179 = arith.constant 0 : i32
      %dma_wait3A_180 = tpu.memref_slice %arg5[%mul3A_2, %dma_wait3A_179] : memref<4096x200xf32, #tpu.memory_space<hbm>> -> memref<128x200xf32, #tpu.memory_space<hbm>>
      tpu.wait_dma2 semaphore(%run_scoped3A : memref<!tpu.dma_semaphore, #tpu.memory_space<semaphore_mem>>) src(%arg8 : memref<128x200xf32, #tpu.memory_space<vmem>>) dst(%dma_wait3A_180 : memref<128x200xf32, #tpu.memory_space<hbm>>)
      tpu.yield
    }) : () -> ()
    return
  }
}

module attributes {stable_mosaic.version = 14 : i64} {
  func.func @_user_proj_body(%arg0: i32, %arg1: memref<6x1024xi32, #tpu.memory_space<vmem>>, %arg2: memref<768x8xf32, #tpu.memory_space<vmem>>, %arg3: memref<48x32xf32, #tpu.memory_space<vmem>>, %arg4: memref<1x32xf32, #tpu.memory_space<vmem>>, %arg5: memref<1024x32xf32, #tpu.memory_space<vmem>>) attributes {dimension_semantics = [#tpu.dimension_semantics<arbitrary>], iteration_bounds = array<i64: 4>, scalar_prefetch = 0 : i64, scratch_operands = 0 : i64, tpu.core_type = #tpu.core_type<tc>, window_params = [{transform_indices = @transform_0, window_bounds = array<i64: 6, 1024>}, {pipeline_mode = #tpu.pipeline_mode<synchronous>, transform_indices = @transform_1, window_bounds = array<i64: 768, 8>}, {pipeline_mode = #tpu.pipeline_mode<synchronous>, transform_indices = @transform_2, window_bounds = array<i64: 48, 32>}, {pipeline_mode = #tpu.pipeline_mode<synchronous>, transform_indices = @transform_3, window_bounds = array<i64: 1, 32>}, {transform_indices = @transform_4, window_bounds = array<i64: 1024, 32>}]} {
    %broadcast_in_dim3A = arith.constant 0.000000e+00 : f32
    %broadcast_in_dim3A_0 = vector.broadcast %broadcast_in_dim3A : f32 to vector<1024x32xf32>
    %get3A = arith.constant 0 : index
    %get3A_1 = arith.constant 0 : index
    %get3A_2 = vector.load %arg4[%get3A, %get3A_1] : memref<1x32xf32, #tpu.memory_space<vmem>>, vector<1x32xf32>
    %add3A = vector.broadcast %get3A_2 : vector<1x32xf32> to vector<1024x32xf32>
    %add3A_3 = arith.addf %broadcast_in_dim3A_0, %add3A : vector<1024x32xf32>
    %iota3A = tpu.iota {dimensions = array<i32: 1>} : vector<1024x128xi32>
    %get3A_4 = arith.constant 0 : index
    %get3A_5 = arith.constant 0 : index
    %get3A_6 = vector.load %arg1[%get3A_4, %get3A_5] : memref<6x1024xi32, #tpu.memory_space<vmem>>, vector<1x1024xi32>
    %get3A_7 = vector.shape_cast %get3A_6 : vector<1x1024xi32> to vector<1024xi32>
    %broadcast_in_dim3A_8 = vector.shape_cast %get3A_7 : vector<1024xi32> to vector<1024x1xi32>
    %eq3A = vector.broadcast %broadcast_in_dim3A_8 : vector<1024x1xi32> to vector<1024x128xi32>
    %eq3A_9 = arith.cmpi eq, %iota3A, %eq3A : vector<1024x128xi32>
    %convert_element_type3A = arith.extui %eq3A_9 : vector<1024x128xi1> to vector<1024x128xi32>
    %convert_element_type3A_10 = arith.sitofp %convert_element_type3A : vector<1024x128xi32> to vector<1024x128xf32>
    %get3A_11 = arith.constant 0 : index
    %get3A_12 = arith.constant 0 : index
    %get3A_13 = vector.load %arg2[%get3A_11, %get3A_12] : memref<768x8xf32, #tpu.memory_space<vmem>>, vector<128x8xf32>
    %dot_general3A = arith.constant dense<0.000000e+00> : vector<1024x8xf32>
    %dot_general3A_14 = tpu.matmul %convert_element_type3A_10, %get3A_13, %dot_general3A {dimension_numbers = #tpu.dot_dimension_numbers<[1], [0], [0], [1], [0, 0, 1, 1], [], []>, transpose_lhs_hint = false} : vector<1024x128xf32>, vector<128x8xf32>, vector<1024x8xf32> -> vector<1024x8xf32>
    %get3A_15 = arith.constant 0 : index
    %get3A_16 = arith.constant 0 : index
    %get3A_17 = vector.load %arg3[%get3A_15, %get3A_16] : memref<48x32xf32, #tpu.memory_space<vmem>>, vector<8x32xf32>
    %dot_general3A_18 = arith.constant dense<0.000000e+00> : vector<1024x32xf32>
    %dot_general3A_19 = tpu.matmul %dot_general3A_14, %get3A_17, %dot_general3A_18 {dimension_numbers = #tpu.dot_dimension_numbers<[1], [0], [0], [1], [0, 0, 1, 1], [], []>, transpose_lhs_hint = false} : vector<1024x8xf32>, vector<8x32xf32>, vector<1024x32xf32> -> vector<1024x32xf32>
    %add3A_20 = arith.addf %add3A_3, %dot_general3A_19 : vector<1024x32xf32>
    %get3A_21 = arith.constant 1 : index
    %get3A_22 = arith.constant 0 : index
    %get3A_23 = vector.load %arg1[%get3A_21, %get3A_22] : memref<6x1024xi32, #tpu.memory_space<vmem>>, vector<1x1024xi32>
    %get3A_24 = vector.shape_cast %get3A_23 : vector<1x1024xi32> to vector<1024xi32>
    %broadcast_in_dim3A_25 = vector.shape_cast %get3A_24 : vector<1024xi32> to vector<1024x1xi32>
    %eq3A_26 = vector.broadcast %broadcast_in_dim3A_25 : vector<1024x1xi32> to vector<1024x128xi32>
    %eq3A_27 = arith.cmpi eq, %iota3A, %eq3A_26 : vector<1024x128xi32>
    %convert_element_type3A_28 = arith.extui %eq3A_27 : vector<1024x128xi1> to vector<1024x128xi32>
    %convert_element_type3A_29 = arith.sitofp %convert_element_type3A_28 : vector<1024x128xi32> to vector<1024x128xf32>
    %get3A_30 = arith.constant 128 : index
    %get3A_31 = arith.constant 0 : index
    %get3A_32 = vector.load %arg2[%get3A_30, %get3A_31] : memref<768x8xf32, #tpu.memory_space<vmem>>, vector<128x8xf32>
    %dot_general3A_33 = arith.constant dense<0.000000e+00> : vector<1024x8xf32>
    %dot_general3A_34 = tpu.matmul %convert_element_type3A_29, %get3A_32, %dot_general3A_33 {dimension_numbers = #tpu.dot_dimension_numbers<[1], [0], [0], [1], [0, 0, 1, 1], [], []>, transpose_lhs_hint = false} : vector<1024x128xf32>, vector<128x8xf32>, vector<1024x8xf32> -> vector<1024x8xf32>
    %get3A_35 = arith.constant 8 : index
    %get3A_36 = arith.constant 0 : index
    %get3A_37 = vector.load %arg3[%get3A_35, %get3A_36] : memref<48x32xf32, #tpu.memory_space<vmem>>, vector<8x32xf32>
    %dot_general3A_38 = arith.constant dense<0.000000e+00> : vector<1024x32xf32>
    %dot_general3A_39 = tpu.matmul %dot_general3A_34, %get3A_37, %dot_general3A_38 {dimension_numbers = #tpu.dot_dimension_numbers<[1], [0], [0], [1], [0, 0, 1, 1], [], []>, transpose_lhs_hint = false} : vector<1024x8xf32>, vector<8x32xf32>, vector<1024x32xf32> -> vector<1024x32xf32>
    %add3A_40 = arith.addf %add3A_20, %dot_general3A_39 : vector<1024x32xf32>
    %get3A_41 = arith.constant 2 : index
    %get3A_42 = arith.constant 0 : index
    %get3A_43 = vector.load %arg1[%get3A_41, %get3A_42] : memref<6x1024xi32, #tpu.memory_space<vmem>>, vector<1x1024xi32>
    %get3A_44 = vector.shape_cast %get3A_43 : vector<1x1024xi32> to vector<1024xi32>
    %broadcast_in_dim3A_45 = vector.shape_cast %get3A_44 : vector<1024xi32> to vector<1024x1xi32>
    %eq3A_46 = vector.broadcast %broadcast_in_dim3A_45 : vector<1024x1xi32> to vector<1024x128xi32>
    %eq3A_47 = arith.cmpi eq, %iota3A, %eq3A_46 : vector<1024x128xi32>
    %convert_element_type3A_48 = arith.extui %eq3A_47 : vector<1024x128xi1> to vector<1024x128xi32>
    %convert_element_type3A_49 = arith.sitofp %convert_element_type3A_48 : vector<1024x128xi32> to vector<1024x128xf32>
    %get3A_50 = arith.constant 256 : index
    %get3A_51 = arith.constant 0 : index
    %get3A_52 = vector.load %arg2[%get3A_50, %get3A_51] : memref<768x8xf32, #tpu.memory_space<vmem>>, vector<128x8xf32>
    %dot_general3A_53 = arith.constant dense<0.000000e+00> : vector<1024x8xf32>
    %dot_general3A_54 = tpu.matmul %convert_element_type3A_49, %get3A_52, %dot_general3A_53 {dimension_numbers = #tpu.dot_dimension_numbers<[1], [0], [0], [1], [0, 0, 1, 1], [], []>, transpose_lhs_hint = false} : vector<1024x128xf32>, vector<128x8xf32>, vector<1024x8xf32> -> vector<1024x8xf32>
    %get3A_55 = arith.constant 16 : index
    %get3A_56 = arith.constant 0 : index
    %get3A_57 = vector.load %arg3[%get3A_55, %get3A_56] : memref<48x32xf32, #tpu.memory_space<vmem>>, vector<8x32xf32>
    %dot_general3A_58 = arith.constant dense<0.000000e+00> : vector<1024x32xf32>
    %dot_general3A_59 = tpu.matmul %dot_general3A_54, %get3A_57, %dot_general3A_58 {dimension_numbers = #tpu.dot_dimension_numbers<[1], [0], [0], [1], [0, 0, 1, 1], [], []>, transpose_lhs_hint = false} : vector<1024x8xf32>, vector<8x32xf32>, vector<1024x32xf32> -> vector<1024x32xf32>
    %add3A_60 = arith.addf %add3A_40, %dot_general3A_59 : vector<1024x32xf32>
    %get3A_61 = arith.constant 3 : index
    %get3A_62 = arith.constant 0 : index
    %get3A_63 = vector.load %arg1[%get3A_61, %get3A_62] : memref<6x1024xi32, #tpu.memory_space<vmem>>, vector<1x1024xi32>
    %get3A_64 = vector.shape_cast %get3A_63 : vector<1x1024xi32> to vector<1024xi32>
    %broadcast_in_dim3A_65 = vector.shape_cast %get3A_64 : vector<1024xi32> to vector<1024x1xi32>
    %eq3A_66 = vector.broadcast %broadcast_in_dim3A_65 : vector<1024x1xi32> to vector<1024x128xi32>
    %eq3A_67 = arith.cmpi eq, %iota3A, %eq3A_66 : vector<1024x128xi32>
    %convert_element_type3A_68 = arith.extui %eq3A_67 : vector<1024x128xi1> to vector<1024x128xi32>
    %convert_element_type3A_69 = arith.sitofp %convert_element_type3A_68 : vector<1024x128xi32> to vector<1024x128xf32>
    %get3A_70 = arith.constant 384 : index
    %get3A_71 = arith.constant 0 : index
    %get3A_72 = vector.load %arg2[%get3A_70, %get3A_71] : memref<768x8xf32, #tpu.memory_space<vmem>>, vector<128x8xf32>
    %dot_general3A_73 = arith.constant dense<0.000000e+00> : vector<1024x8xf32>
    %dot_general3A_74 = tpu.matmul %convert_element_type3A_69, %get3A_72, %dot_general3A_73 {dimension_numbers = #tpu.dot_dimension_numbers<[1], [0], [0], [1], [0, 0, 1, 1], [], []>, transpose_lhs_hint = false} : vector<1024x128xf32>, vector<128x8xf32>, vector<1024x8xf32> -> vector<1024x8xf32>
    %get3A_75 = arith.constant 24 : index
    %get3A_76 = arith.constant 0 : index
    %get3A_77 = vector.load %arg3[%get3A_75, %get3A_76] : memref<48x32xf32, #tpu.memory_space<vmem>>, vector<8x32xf32>
    %dot_general3A_78 = arith.constant dense<0.000000e+00> : vector<1024x32xf32>
    %dot_general3A_79 = tpu.matmul %dot_general3A_74, %get3A_77, %dot_general3A_78 {dimension_numbers = #tpu.dot_dimension_numbers<[1], [0], [0], [1], [0, 0, 1, 1], [], []>, transpose_lhs_hint = false} : vector<1024x8xf32>, vector<8x32xf32>, vector<1024x32xf32> -> vector<1024x32xf32>
    %add3A_80 = arith.addf %add3A_60, %dot_general3A_79 : vector<1024x32xf32>
    %get3A_81 = arith.constant 4 : index
    %get3A_82 = arith.constant 0 : index
    %get3A_83 = vector.load %arg1[%get3A_81, %get3A_82] : memref<6x1024xi32, #tpu.memory_space<vmem>>, vector<1x1024xi32>
    %get3A_84 = vector.shape_cast %get3A_83 : vector<1x1024xi32> to vector<1024xi32>
    %broadcast_in_dim3A_85 = vector.shape_cast %get3A_84 : vector<1024xi32> to vector<1024x1xi32>
    %eq3A_86 = vector.broadcast %broadcast_in_dim3A_85 : vector<1024x1xi32> to vector<1024x128xi32>
    %eq3A_87 = arith.cmpi eq, %iota3A, %eq3A_86 : vector<1024x128xi32>
    %convert_element_type3A_88 = arith.extui %eq3A_87 : vector<1024x128xi1> to vector<1024x128xi32>
    %convert_element_type3A_89 = arith.sitofp %convert_element_type3A_88 : vector<1024x128xi32> to vector<1024x128xf32>
    %get3A_90 = arith.constant 512 : index
    %get3A_91 = arith.constant 0 : index
    %get3A_92 = vector.load %arg2[%get3A_90, %get3A_91] : memref<768x8xf32, #tpu.memory_space<vmem>>, vector<128x8xf32>
    %dot_general3A_93 = arith.constant dense<0.000000e+00> : vector<1024x8xf32>
    %dot_general3A_94 = tpu.matmul %convert_element_type3A_89, %get3A_92, %dot_general3A_93 {dimension_numbers = #tpu.dot_dimension_numbers<[1], [0], [0], [1], [0, 0, 1, 1], [], []>, transpose_lhs_hint = false} : vector<1024x128xf32>, vector<128x8xf32>, vector<1024x8xf32> -> vector<1024x8xf32>
    %get3A_95 = arith.constant 32 : index
    %get3A_96 = arith.constant 0 : index
    %get3A_97 = vector.load %arg3[%get3A_95, %get3A_96] : memref<48x32xf32, #tpu.memory_space<vmem>>, vector<8x32xf32>
    %dot_general3A_98 = arith.constant dense<0.000000e+00> : vector<1024x32xf32>
    %dot_general3A_99 = tpu.matmul %dot_general3A_94, %get3A_97, %dot_general3A_98 {dimension_numbers = #tpu.dot_dimension_numbers<[1], [0], [0], [1], [0, 0, 1, 1], [], []>, transpose_lhs_hint = false} : vector<1024x8xf32>, vector<8x32xf32>, vector<1024x32xf32> -> vector<1024x32xf32>
    %add3A_100 = arith.addf %add3A_80, %dot_general3A_99 : vector<1024x32xf32>
    %get3A_101 = arith.constant 5 : index
    %get3A_102 = arith.constant 0 : index
    %get3A_103 = vector.load %arg1[%get3A_101, %get3A_102] : memref<6x1024xi32, #tpu.memory_space<vmem>>, vector<1x1024xi32>
    %get3A_104 = vector.shape_cast %get3A_103 : vector<1x1024xi32> to vector<1024xi32>
    %broadcast_in_dim3A_105 = vector.shape_cast %get3A_104 : vector<1024xi32> to vector<1024x1xi32>
    %eq3A_106 = vector.broadcast %broadcast_in_dim3A_105 : vector<1024x1xi32> to vector<1024x128xi32>
    %eq3A_107 = arith.cmpi eq, %iota3A, %eq3A_106 : vector<1024x128xi32>
    %convert_element_type3A_108 = arith.extui %eq3A_107 : vector<1024x128xi1> to vector<1024x128xi32>
    %convert_element_type3A_109 = arith.sitofp %convert_element_type3A_108 : vector<1024x128xi32> to vector<1024x128xf32>
    %get3A_110 = arith.constant 640 : index
    %get3A_111 = arith.constant 0 : index
    %get3A_112 = vector.load %arg2[%get3A_110, %get3A_111] : memref<768x8xf32, #tpu.memory_space<vmem>>, vector<128x8xf32>
    %dot_general3A_113 = arith.constant dense<0.000000e+00> : vector<1024x8xf32>
    %dot_general3A_114 = tpu.matmul %convert_element_type3A_109, %get3A_112, %dot_general3A_113 {dimension_numbers = #tpu.dot_dimension_numbers<[1], [0], [0], [1], [0, 0, 1, 1], [], []>, transpose_lhs_hint = false} : vector<1024x128xf32>, vector<128x8xf32>, vector<1024x8xf32> -> vector<1024x8xf32>
    %get3A_115 = arith.constant 40 : index
    %get3A_116 = arith.constant 0 : index
    %get3A_117 = vector.load %arg3[%get3A_115, %get3A_116] : memref<48x32xf32, #tpu.memory_space<vmem>>, vector<8x32xf32>
    %dot_general3A_118 = arith.constant dense<0.000000e+00> : vector<1024x32xf32>
    %dot_general3A_119 = tpu.matmul %dot_general3A_114, %get3A_117, %dot_general3A_118 {dimension_numbers = #tpu.dot_dimension_numbers<[1], [0], [0], [1], [0, 0, 1, 1], [], []>, transpose_lhs_hint = false} : vector<1024x8xf32>, vector<8x32xf32>, vector<1024x32xf32> -> vector<1024x32xf32>
    %add3A_120 = arith.addf %add3A_100, %dot_general3A_119 : vector<1024x32xf32>
    %swap3A = arith.constant 0 : index
    %swap3A_121 = arith.constant 0 : index
    %swap3A_122 = vector.load %arg5[%swap3A, %swap3A_121] : memref<1024x32xf32, #tpu.memory_space<vmem>>, vector<1024x32xf32>
    tpu.vector_store %arg5[%swap3A, %swap3A_121], %add3A_120 {strides = array<i32>} : memref<1024x32xf32, #tpu.memory_space<vmem>>, vector<1024x32xf32>,
    return
  }
  func.func @transform_0(%arg0: i32) -> (i32, i32) {
    %c0_i32 = arith.constant 0 : i32
    %c0_i32_0 = arith.constant 0 : i32
    return %c0_i32, %arg0 : i32, i32
  }
  func.func @transform_1(%arg0: i32) -> (i32, i32) {
    %c0_i32 = arith.constant 0 : i32
    %c0_i32_0 = arith.constant 0 : i32
    %c0_i32_1 = arith.constant 0 : i32
    return %c0_i32, %c0_i32_0 : i32, i32
  }
  func.func @transform_2(%arg0: i32) -> (i32, i32) {
    %c0_i32 = arith.constant 0 : i32
    %c0_i32_0 = arith.constant 0 : i32
    %c0_i32_1 = arith.constant 0 : i32
    return %c0_i32, %c0_i32_0 : i32, i32
  }
  func.func @transform_3(%arg0: i32) -> (i32, i32) {
    %c0_i32 = arith.constant 0 : i32
    %c0_i32_0 = arith.constant 0 : i32
    %c0_i32_1 = arith.constant 0 : i32
    return %c0_i32, %c0_i32_0 : i32, i32
  }
  func.func @transform_4(%arg0: i32) -> (i32, i32) {
    %c0_i32 = arith.constant 0 : i32
    %c0_i32_0 = arith.constant 0 : i32
    return %arg0, %c0_i32 : i32, i32
  }
}

module attributes {stable_mosaic.version = 14 : i64} {
  func.func @_pack_body(%arg0: i32, %arg1: memref<32x32000xf32, #tpu.memory_space<vmem>>, %arg2: memref<4000x128xf32, #tpu.memory_space<vmem>>) attributes {dimension_semantics = [#tpu.dimension_semantics<arbitrary>], iteration_bounds = array<i64: 32>, scalar_prefetch = 0 : i64, scratch_operands = 0 : i64, tpu.core_type = #tpu.core_type<tc>, window_params = [{transform_indices = @transform_0, window_bounds = array<i64: 32, 32000>}, {transform_indices = @transform_1, window_bounds = array<i64: 4000, 128>}]} {
    %get3A = arith.constant 0 : index
    %get3A_0 = arith.constant 0 : index
    %get3A_1 = vector.load %arg1[%get3A, %get3A_0] : memref<32x32000xf32, #tpu.memory_space<vmem>>, vector<32x32000xf32>
    %bitcast_convert_type3A = tpu.bitcast %get3A_1 : vector<32x32000xf32> -> vector<32x32000xi32>
    %add3A = arith.constant 32768 : i32
    %add3A_2 = vector.broadcast %add3A : i32 to vector<32x32000xi32>
    %add3A_3 = arith.addi %bitcast_convert_type3A, %add3A_2 : vector<32x32000xi32>
    %shift_right_logical3A = arith.constant 16 : i32
    %shift_right_logical3A_4 = vector.broadcast %shift_right_logical3A : i32 to vector<32x32000xi32>
    %shift_right_logical3A_5 = arith.shrui %add3A_3, %shift_right_logical3A_4 : vector<32x32000xi32>
    %slice3A = vector.extract_strided_slice %shift_right_logical3A_5 {offsets = [0, 0], sizes = [16, 32000], strides = [1, 1]} : vector<32x32000xi32> to vector<16x32000xi32>
    %slice3A_6 = vector.extract_strided_slice %shift_right_logical3A_5 {offsets = [16, 0], sizes = [16, 32000], strides = [1, 1]} : vector<32x32000xi32> to vector<16x32000xi32>
    %shift_left3A = arith.constant 16 : i32
    %shift_left3A_7 = vector.broadcast %shift_left3A : i32 to vector<16x32000xi32>
    %shift_left3A_8 = arith.shli %slice3A_6, %shift_left3A_7 : vector<16x32000xi32>
    %or3A = arith.ori %slice3A, %shift_left3A_8 : vector<16x32000xi32>
    %transpose3A = tpu.transpose %or3A, [1, 0] : vector<16x32000xi32> -> vector<32000x16xi32>
    %slice3A_9 = vector.extract_strided_slice %transpose3A {offsets = [0, 0], sizes = [4000, 16], strides = [1, 1]} : vector<32000x16xi32> to vector<4000x16xi32>
    %slice3A_10 = vector.extract_strided_slice %transpose3A {offsets = [4000, 0], sizes = [4000, 16], strides = [1, 1]} : vector<32000x16xi32> to vector<4000x16xi32>
    %slice3A_11 = vector.extract_strided_slice %transpose3A {offsets = [8000, 0], sizes = [4000, 16], strides = [1, 1]} : vector<32000x16xi32> to vector<4000x16xi32>
    %slice3A_12 = vector.extract_strided_slice %transpose3A {offsets = [12000, 0], sizes = [4000, 16], strides = [1, 1]} : vector<32000x16xi32> to vector<4000x16xi32>
    %slice3A_13 = vector.extract_strided_slice %transpose3A {offsets = [16000, 0], sizes = [4000, 16], strides = [1, 1]} : vector<32000x16xi32> to vector<4000x16xi32>
    %slice3A_14 = vector.extract_strided_slice %transpose3A {offsets = [20000, 0], sizes = [4000, 16], strides = [1, 1]} : vector<32000x16xi32> to vector<4000x16xi32>
    %slice3A_15 = vector.extract_strided_slice %transpose3A {offsets = [24000, 0], sizes = [4000, 16], strides = [1, 1]} : vector<32000x16xi32> to vector<4000x16xi32>
    %slice3A_16 = vector.extract_strided_slice %transpose3A {offsets = [28000, 0], sizes = [4000, 16], strides = [1, 1]} : vector<32000x16xi32> to vector<4000x16xi32>
    %concatenate3A = tpu.concatenate %slice3A_9, %slice3A_10, %slice3A_11, %slice3A_12, %slice3A_13, %slice3A_14, %slice3A_15, %slice3A_16 in 1 : vector<4000x16xi32>, vector<4000x16xi32>, vector<4000x16xi32>, vector<4000x16xi32>, vector<4000x16xi32>, vector<4000x16xi32>, vector<4000x16xi32>, vector<4000x16xi32> -> vector<4000x128xi32>
    %bitcast_convert_type3A_17 = tpu.bitcast %concatenate3A : vector<4000x128xi32> -> vector<4000x128xf32>
    %swap3A = arith.constant 0 : index
    %swap3A_18 = arith.constant 0 : index
    %swap3A_19 = vector.load %arg2[%swap3A, %swap3A_18] : memref<4000x128xf32, #tpu.memory_space<vmem>>, vector<4000x128xf32>
    tpu.vector_store %arg2[%swap3A, %swap3A_18], %bitcast_convert_type3A_17 {strides = array<i32>} : memref<4000x128xf32, #tpu.memory_space<vmem>>, vector<4000x128xf32>,
    return
  }
  func.func @transform_0(%arg0: i32) -> (i32, i32) {
    %c0_i32 = arith.constant 0 : i32
    %c0_i32_0 = arith.constant 0 : i32
    return %c0_i32, %arg0 : i32, i32
  }
  func.func @transform_1(%arg0: i32) -> (i32, i32) {
    %c0_i32 = arith.constant 0 : i32
    %c0_i32_0 = arith.constant 0 : i32
    return %arg0, %c0_i32 : i32, i32
  }
}

</mosaic_0001>

<sc_bundles>
// kernel: kernel.5.cloned.1.call-start
scs
__scs_entry_jumppad:
0x0: {  	(pc) =	sbr.rel $0x88, $3  }
0x1: {  	(tag) =	ssettag $0x0;
	lr =	simm.s32 $0x1  }
0x2: {  	[smem:$0x3F96] =	sst lr;
	_ =	strace $0xD0000000  }
0x3: {  	_ = 	snop  }
0x4: {  	_ = 	snop  }
0x5: {  	_ = 	snop  }
0x6: {  	_ = 	snop  }
0x7: {  	_ = 	snop  }
__scs_overlays_trampoline_lowered:
0x8: {  	[smem:$0x3FA5] =	sst s0  }
0x9: {  	[smem:$0x3FA6] =	sst s1  }
0xa: {  	[smem:$0x3FA7] =	sst s2  }
0xb: {  	[smem:$0x3FA8] =	sst s3  }
0xc: {  	[smem:$0x3FA9] =	sst s4  }
0xd: {  	[smem:$0x3FAA] =	sst s5  }
0xe: {  	[smem:$0x3FAB] =	sst s6  }
0xf: {  	[smem:$0x3FAC] =	sst s7  }
0x10: {  	[smem:$0x3FAD] =	sst s8  }
0x11: {  	[smem:$0x3FAE] =	sst s9;
	s0 =	simm.s32 @!p0 $0x0  }
0x12: {  	s1 =	sld [smem:$0x3F94];
	s0 =	simm.s32 @p0 $0x1  }
0x13: {  	[smem:$0x3FAF] =	sst s0;
	s0 =	simm.s32 @!p1 $0x0  }
0x14: {  	s2 =	sld [smem:$0x3F93];
	s0 =	simm.s32 @p1 $0x1  }
0x15: {  	[smem:$0x3FB0] =	sst s0;
	s0 =	simm.s32 @!p2 $0x0  }
0x16: {  	s3 =	sld [smem:$0x3FDB];
	s0 =	simm.s32 @p2 $0x1  }
0x17: {  	s4 =	simm.s32 $0x1BF5;
	[smem:$0x3FB2] =	sst s0  }
0x18: {  	s0 =	sld [smem:$0x3F95];
	_ =	swait.ge [sflag:s4], $0x0  }
0x19: {  	s7 =	sld [smem:$0x3F96]  }
0x1a: {  	s8 =	sadd.s32 $0xFFFFE003, lr  }
0x1b: {  	s9 =	sadd.s32 $0xFFFFFEF7, lr;
	s5 =	simm.s32 $0xFFFFFFFF;
	p2 =	slt.u32 s8, $0xFFFFF086  }
0x1c: {  	p1 =	slt.u32 s9, $0xF7A;
	s5 =	simm.s32 @!p2 $0x0  }
0x1d: {  	s5 =	simm.s32 @p1 $0x1;
	p0 =	seq.s32 s7, s2  }
0x1e: {  	s7 =	smul.u32 @!p0 $0xF7A, s2;
	p2 =	seq.s32 @!p0 s5, $0x0  }
0x1f: {  	s9 =	smul.u32 $0xF7A, s1;
	s8 =	simm.s32 @!p0 $0x1BF5;
	p2 =	por !p2, p0  }
0x20: {  	[sflag:s8] =	ssyncset.s32 @!p0 $0xFFFFF086;
	s6 =	sadd.s32 @!p0 s3, s7;
	s7 =	simm.s32 @!p0 $0x108  }
0x21: {  	s3 =	sadd.s32 s3, s9;
	s6 =	sadd.s32 @!p0 $0x88, s6;
	s7 =	simm.s32 @p2 $0x1082  }
0x22: {  	[simem:s7], [sflag:s8] =	dma.local @!p0 [hbm:s6], $0xF7A  }
0x23: {  	s9 =	sor.u32 $0xD0000000, s2;
	s6 =	simm.s32 $0x108;
	_ =	swait.ge @!p0 [sflag:s8], $0x0  }
0x24: {  	s3 =	sadd.s32 $0x88, s3;
	s6 =	simm.s32 @!p1 $0x1082;
	[sflag:s4] =	ssyncset.s32 $0xFFFFF086  }
0x25: {  	[simem:s6], [sflag:s4] =	dma.local [hbm:s3], $0xF7A  }
0x26: {  	[smem:$0x3F96] =	sst s1;
	(tag) =	ssettag s2;
	_ =	strace s9  }
0x27: {  	s1 =	sld [smem:$0x3FA6]  }
0x28: {  	s2 =	sld [smem:$0x3FA7]  }
0x29: {  	s4 =	sld [smem:$0x3FA9]  }
0x2a: {  	p0 =	seq.s32 s5, $0x0;
	s5 =	sld [smem:$0x3FAA]  }
0x2b: {  	s6 =	sld [smem:$0x3FAB]  }
0x2c: {  	s7 =	sld [smem:$0x3FAC]  }
0x2d: {  	s3 =	simm.s32 $0x108;
	s8 =	sld [smem:$0x3FAD]  }
0x2e: {  	s3 =	simm.s32 @!p0 $0x1082;
	s9 =	sld [smem:$0x3FAE]  }
0x2f: {  	lr =	sadd.s32 s0, s3;
	s0 =	sld [smem:$0x3FA5]  }
0x30: {  	s3 =	sld [smem:$0x3FA8]  }
0x31: {  	[smem:$0x3FB1] =	sst s10  }
0x32: {  	s10 =	sld [smem:$0x3FAF];
	_ =	sdelay $0x3  }
0x33: {  	p0 =	seq.s32 s10, $0x1;
	s10 =	sld [smem:$0x3FB1];
	_ =	sdelay $0x3  }
0x34: {  	[smem:$0x3FB1] =	sst s10  }
0x35: {  	s10 =	sld [smem:$0x3FB0];
	_ =	sdelay $0x3  }
0x36: {  	p1 =	seq.s32 s10, $0x1;
	s10 =	sld [smem:$0x3FB1];
	_ =	sdelay $0x3  }
0x37: {  	[smem:$0x3FB1] =	sst s10  }
0x38: {  	s10 =	sld [smem:$0x3FB2]  }
0x39: {  	_ = 	snop;
	(pc) =	sbr.ind lr, $3  }
0x3a: {  	_ = 	snop  }
0x3b: {  	_ = 	snop  }
0x3c: {  	p2 =	seq.s32 s10, $0x1;
	s10 =	sld [smem:$0x3FB1]  }
0x3d: {  	_ =	shalt  }
0x3e: {  	_ =	shalt  }
0x3f: {  	_ =	shalt  }
0x40: {  	_ =	shalt  }
0x41: {  	_ =	shalt  }
0x42: {  	_ =	shalt  }
0x43: {  	_ =	shalt  }
0x44: {  	_ =	shalt  }
0x45: {  	_ =	shalt  }
0x46: {  	_ =	shalt  }
0x47: {  	_ =	shalt  }
0x48: {  	_ =	shalt  }
0x49: {  	_ =	shalt  }
0x4a: {  	_ =	shalt  }
0x4b: {  	_ =	shalt  }
0x4c: {  	_ =	shalt  }
0x4d: {  	_ =	shalt  }
0x4e: {  	_ =	shalt  }
0x4f: {  	_ =	shalt  }
0x50: {  	_ =	shalt  }
0x51: {  	_ =	shalt  }
0x52: {  	_ =	shalt  }
0x53: {  	_ =	shalt  }
0x54: {  	_ =	shalt  }
0x55: {  	_ =	shalt  }
0x56: {  	_ =	shalt  }
0x57: {  	_ =	shalt  }
0x58: {  	_ =	shalt  }
0x59: {  	_ =	shalt  }
0x5a: {  	_ =	shalt  }
0x5b: {  	_ =	shalt  }
0x5c: {  	_ =	shalt  }
0x5d: {  	_ =	shalt  }
0x5e: {  	_ =	shalt  }
0x5f: {  	_ =	shalt  }
0x60: {  	_ =	shalt  }
0x61: {  	_ =	shalt  }
0x62: {  	_ =	shalt  }
0x63: {  	_ =	shalt  }
0x64: {  	_ =	shalt  }
0x65: {  	_ =	shalt  }
0x66: {  	_ =	shalt  }
0x67: {  	_ =	shalt  }
0x68: {  	_ =	shalt  }
0x69: {  	_ =	shalt  }
0x6a: {  	_ =	shalt  }
0x6b: {  	_ =	shalt  }
0x6c: {  	_ =	shalt  }
0x6d: {  	_ =	shalt  }
0x6e: {  	_ =	shalt  }
0x6f: {  	_ =	shalt  }
0x70: {  	_ =	shalt  }
0x71: {  	_ =	shalt  }
0x72: {  	_ =	shalt  }
0x73: {  	_ =	shalt  }
0x74: {  	_ =	shalt  }
0x75: {  	_ =	shalt  }
0x76: {  	_ =	shalt  }
0x77: {  	_ =	shalt  }
0x78: {  	_ =	shalt  }
0x79: {  	_ =	shalt  }
0x7a: {  	_ =	shalt  }
0x7b: {  	_ =	shalt  }
0x7c: {  	_ =	shalt  }
0x7d: {  	_ =	shalt  }
0x7e: {  	_ =	shalt  }
0x7f: {  	_ =	shalt  }
0x80: {  	_ =	shalt  }
0x81: {  	_ =	shalt  }
0x82: {  	_ =	shalt  }
0x83: {  	_ =	shalt  }
0x84: {  	_ =	shalt  }
0x85: {  	_ =	shalt  }
0x86: {  	_ =	shalt  }
0x87: {  	_ =	shalt  }
.Lfunc_end0:
.L_simem_size_0:
called_computation_lowered:
.L_overlay_start_0:
0x88: {  	s2 =	sld [smem:$0x3FD9]  }
0x89: {  	s3 =	sld [smem:$0x3FFE];
	_ =	sdelay $0x1  }
0x8a: {  	s1 =	srdreg.scid  }
0x8b: {  	s0 =	sand.u32 $0x1, s1  }
0x8c: {  	s17 =	sshll.u32 s0, $0xA;
	s2 =	sadd.s32 s3, s2  }
0x8d: {  	s2 =	sadd.s32 s2, s17  }
0x8e: {  	[smem:$0x3FBD] =	sst s2  }
0x8f: {  	_ = 	snop  }
0x90: {  	s2 =	sld [smem:$0x3FD0];
	(tm) =	ssettm $0x1  }
0x91: {  	s18 =	sld [smem:$0x3FFB];
	_ =	sdelay $0x3  }
0x92: {  	_ =	strace s18  }
0x93: {  	s3 =	sld [smem:$0x3FFC];
	_ =	sdelay $0x3  }
0x94: {  	_ =	strace s3  }
0x95: {  	s3 =	sld [smem:$0x3FFD];
	_ =	sdelay $0x3  }
0x96: {  	_ =	strace s3  }
0x97: {  	_ =	strace $0x8FFFFFFF  }
0x98: {  	s19 =	sld [smem:$0x3FDB];
	_ =	sdelay $0x1  }
0x99: {  	s4 =	simm.s32 $_scs_section_size  }
0x9a: {  	s5 =	simm.s32 $_size__tile_overlayer_lowered;
	s6 =	simm.s32 $_tile_overlayer_lowered  }
0x9b: {  	s22 =	simm.s32 $0x1BFF;
	s21 =	sshll.u32 s6, $0x1;
	s3 =	sadd.s32 s4, s19  }
0x9c: {  	s7 =	simm.s32 $0x0;
	s20 =	sshll.u32 s5, $0x1;
	s5 =	sadd.s32 s21, s3  }
0x9d: {  	[timem:s7], [sflag:s22] =	dma.local [hbm:s5], s20  }
0x9e: {  	_ =	swait.ge [sflag:s22], s20  }
0x9f: {  	s4 =	ssub.s32 $0x0, s20;
	[sflag:s22] =	ssyncset.done $0x0  }
0xa0: {  	[sflag:s22] =	ssyncadd.s32 s4;
	_ =	sdelay $0x1  }
0xa1: {  	s23 =	simm.s32 $0x1B8B  }
0xa2: {  	_ =	swait.ge [sflag:s23], $0x1  }
0xa3: {  	[sflag:s23] =	ssyncset.done $0x0  }
0xa4: {  	s25 =	simm.s32 $0x1B8E;
	s24 =	sld [smem:$0x3FFE];
	[sflag:s23] =	ssyncadd.s32 $0xFFFFFFFF  }
0xa5: {  	s26 =	simm.s32 $execute0_lowered;
	[smem:$0x3FD2] =	sst s25  }
0xa6: {  	s5 =	sshll.u32 s26, $0x1;
	_ =	strace $0x80000046;
	[dreg:$0x1] =	wrdreg $0xFFFFFFFF  }
0xa7: {  	s28 =	simm.s32 $_size_execute0_lowered;
	s3 =	sadd.s32 s3, s5;
	[dreg:$0x0] =	wrdreg $0x0  }
0xa8: {  	s5 =	sshll.u32 s28, $0x1;
	[dreg:$0x2] =	wrdreg s3  }
0xa9: {  	[dreg:$0x3] =	wrdreg s5  }
0xaa: {  	[dreg:$0x4] =	wrdreg $0xC0  }
0xab: {  	_ =	task [dreg:s7], $0x5FFFF  }
0xac: {  	[dreg:$0x1] =	wrdreg $0xFFFFFFFF  }
0xad: {  	[dreg:$0x0] =	wrdreg $0x60  }
0xae: {  	[dreg:$0x2] =	wrdreg s24  }
0xaf: {  	[dreg:$0x3] =	wrdreg s2  }
0xb0: {  	[dreg:$0x4] =	wrdreg $0x9  }
0xb1: {  	_ =	task.clear_ibuf [dreg:s7], $0x5FFFF;
	_ =	strace $0x90000046  }
0xb2: {  	s29 =	simm.s32 $0x9;
	_ =	strace $0x80000048  }
0xb3: {  	_ =	swait.ge [sflag:s29], $0x1  }
0xb4: {  	[sflag:s29] =	ssyncadd.s32 $0xFFFFFFFF  }
0xb5: {  	_ =	strace $0x90000048  }
0xb6: {  	_ =	sfence  }
0xb7: {  	s30 =	sld [smem:$0x0];
	_ =	sdelay $0x2  }
0xb8: {  	s31 =	sshll.u32 s1, $0xD;
	s1 =	sshrl.u32 s1, $0x2  }
0xb9: {  	s3 =	sand.u32 $0x4000, s31;
	s1 =	sadd.s32 s1, s30  }
0xba: {  	s0 =	sor.u32 s3, s0;
	s1 =	sshll.u32 s1, $0x11  }
0xbb: {  	s0 =	sor.u32 s1, s0  }
0xbc: {  	s0 =	sadd.s32 $0x8F2B, s0  }
0xbd: {  	[sflag:s0] =	ssyncadd.remote.s32 $0x1  }
0xbe: {  	_ =	sfence.sel $0xFFFF  }
0xbf: {  	[dreg:$0x0] =	wrdreg $0xFFFFFFFF;
	(pc) =	sbr.abs _section_cstart, $3  }
0xc0: {  	[dreg:$0x1] =	wrdreg $0xFFFFFFFF  }
0xc1: {  	_ =	task.clear_ibuf [dreg:s7], $0x2FFFF;
	_ =	strace $0x9FFFFFFF  }
0xc2: {  	(tm) =	ssettm $0x7FFFFFFF  }
0xc3: {  	_ =	shalt  }
tec
execute0_lowered:
.L_overlay_start_1:
0x0: {  	(tag) =	ssettag $0x1  }
0x1: {  	s0 =	srdreg.scid;
	s1 =	rddreg [dreg:$0x0]  }
0x2: {  	s2 =	stileid.u32;
	s6 =	rddreg [dreg:$0x1];
	s9 =	simm.s32 $0x6800  }
0x3: {  	s10 =	simm.s32 $0x64;
	s11 =	simm.s32 $0xDC00;
	s15 =	simm.s32 $0xE880  }
0x4: {  	s18 =	simm.s32 $0x1A0;
	s19 =	simm.s32 $0xF500;
	s20 =	simm.s32 $0x208  }
0x5: {  	s21 =	simm.s32 $0xFB40;
	s22 =	simm.s32 $0x270;
	s23 =	simm.s32 $0x10180  }
0x6: {  	v0 =	vlaneseq.u32;
	s24 =	simm.s32 $0x2D8;
	s3 =	sshll.u32 s2, $0x8;
	s2 =	simm.s32 $0x0  }
0x7: {  	s25 =	simm.s32 $0x107C0;
	s0 =	sand.u32 $0x1, s0;
	v14 =	vor.u32 $0x10, v0;
	[smem:$0x7FF] =	sst s2  }
0x8: {  	s26 =	simm.s32 $0x1;
	v1 =	vmul.u32 $0x10, v0;
	v22 =	vor.u32 $0x90, v0;
	s4 =	sshll.u32 s0, $0x7;
	_ =	strace $0x80000047;
	[tilespmem:$0x1FF80] =	vst v14;
	v14 =	vor.u32 $0x20, v0  }
0x9: {  	s28 =	simm.s32 $0x7800;
	s29 =	simm.s32 $0x2;
	v23 =	vor.u32 $0xA0, v0;
	v24 =	vor.u32 $0xB0, v0;
	s3 =	sor.u32 s4, s3;
	[tilespmem:$0x1FF90] =	vst v14;
	v14 =	vor.u32 $0x30, v0  }
0xa: {  	s30 =	simm.s32 $0x3;
	v25 =	vadd.s32 $0xB8, v0;
	s0 =	ssub.s32 $0x2, s0;
	v2 =	vor.u32 $0x100, v1;
	s4 =	smul.u32 $0x1A, s3;
	[tilespmem:$0x1FFA0] =	vst v14;
	v14 =	vor.u32 $0x40, v0  }
.Ltmp0:
0xb: {  	s31 =	simm.s32 $0x4;
	s7 =	sshrl.u32 s0, $0x1;
	v3 =	vor.u32 $0x200, v1;
	v4 =	vor.u32 $0x300, v1;
	[tilespmem:$0x1FFB0] =	vst v14;
	v14 =	vor.u32 $0x50, v0;
	(pc) =	sbr.rel .LBB2_1-.Ltmp0, $4  }
0xc: {  	v5 =	vor.u32 $0x400, v1;
	v6 =	vor.u32 $0x500, v1;
	s5 =	sshll.u32 s3, $0x2;
	s8 =	smul.u32 $0x19, s3;
	s0 =	ssub.s32 s0, s7;
	[tilespmem:$0x1FFC0] =	vst v14;
	v14 =	vor.u32 $0x60, v0  }
0xd: {  	v7 =	vor.u32 $0x600, v1;
	v8 =	vor.u32 $0x700, v1;
	s3 =	sadd.s32 $0x1EA00, s1;
	s5 =	sadd.s32 s5, s1;
	s7 =	smax.u32 s0, $0x1;
	[tilespmem:$0x1FFD0] =	vst v14;
	v14 =	vor.u32 $0x70, v0  }
0xe: {  	v9 =	vor.u32 $0x800, v1;
	v10 =	vor.u32 $0x900, v1;
	s4 =	sadd.s32 s4, s1;
	s5 =	sadd.s32 $0xA00, s5;
	s6 =	sadd.s32 s6, s8;
	[tilespmem:$0x1FFE0] =	vst v14;
	v14 =	vor.u32 $0x80, v0  }
0xf: {  	v11 =	vor.u32 $0xA00, v1;
	v12 =	vor.u32 $0xB00, v1;
	v13 =	vadd.s32 $0xB80, v1;
	s8 =	simm.s32 $0x5;
	s1 =	simm.s32 $0x0;
	s4 =	sadd.s32 $0x4A00, s4;
	[tilespmem:$0x1FFF0] =	vst v14  }
.LBB2_12:
0x10: {  	s1 =	sadd.s32 $0x1, s1  }
0x11: {  	p0 =	sne.s32 s1, s7  }
.Ltmp1:
0x12: {  	_ = 	snop;
	(pc) =	sbr.rel @!p0 .LBB2_13-.Ltmp1, $4  }
0x13: {  	[hbm4b:s6+s2] =	stream.linear.scatter [tilespmem:s28], [sflag:$0x5], $0x6400, $0x38;
	[tilespmem:$0x10E00] =	vst v63  }
0x14: {  	_ =	swait.ge [sflag:s8], $0x6400  }
0x15: {  	[sflag:s8] =	ssyncset.done $0x0  }
0x16: {  	[sflag:s8] =	ssyncadd.s32 $0xFFFF9C00  }
.LBB2_1:
0x17: {  	[tilespmem:s2], [sflag:$0x5] =	stream.linear.gather [hbm4b:s4+s2], $0x6800, $0x38;
	[tilespmem:$0x10E00] =	vst v63  }
0x18: {  	_ =	swait.ge [sflag:s8], $0x6800  }
0x19: {  	[sflag:s8] =	ssyncset.done $0x0  }
0x1a: {  	[sflag:s8] =	ssyncadd.s32 $0xFFFF9800  }
0x1b: {  	[tilespmem:s9], [sflag:$0x5] =	stream.linear.gather [hbm4b:s5+s2], $0x1000, $0x38;
	[tilespmem:$0x10E00] =	vst v63  }
0x1c: {  	_ =	swait.ge [sflag:s8], $0x1000  }
0x1d: {  	[sflag:s8] =	ssyncset.done $0x0  }
0x1e: {  	[sflag:s8] =	ssyncadd.s32 $0xFFFFF000  }
0x1f: {  	[tilespmem:s11], [sflag:$0x1] =	stream.indirect.gather [hbm4b:s3+s10], $0x10, s2, s10, $0xb8;
	[tilespmem:$0x10E00] =	vst v63  }
0x20: {  	s0 =	simm.s32 $0x68;
	s12 =	simm.s32 $0xE240  }
0x21: {  	[tilespmem:s12], [sflag:$0x1] =	stream.indirect.gather [hbm4b:s3+s10], $0x10, s0, s10, $0xb8;
	[tilespmem:$0x10E00] =	vst v63  }
0x22: {  	s14 =	simm.s32 $0xD0  }
0x23: {  	[tilespmem:s15], [sflag:$0x2] =	stream.indirect.gather [hbm4b:s3+s10], $0x10, s14, s10, $0xb8;
	[tilespmem:$0x10E00] =	vst v63  }
0x24: {  	s16 =	simm.s32 $0x138;
	s17 =	simm.s32 $0xEEC0  }
0x25: {  	[tilespmem:s17], [sflag:$0x2] =	stream.indirect.gather [hbm4b:s3+s10], $0x10, s16, s10, $0xb8;
	[tilespmem:$0x10E00] =	vst v63  }
0x26: {  	_ = 	snop  }
0x27: {  	[tilespmem:s19], [sflag:$0x3] =	stream.indirect.gather [hbm4b:s3+s10], $0x10, s18, s10, $0xb8;
	[tilespmem:$0x10E00] =	vst v63  }
0x28: {  	_ = 	snop  }
0x29: {  	[tilespmem:s21], [sflag:$0x3] =	stream.indirect.gather [hbm4b:s3+s10], $0x10, s20, s10, $0xb8;
	[tilespmem:$0x10E00] =	vst v63  }
0x2a: {  	_ = 	snop  }
0x2b: {  	[tilespmem:s23], [sflag:$0x4] =	stream.indirect.gather [hbm4b:s3+s10], $0x10, s22, s10, $0xb8;
	[tilespmem:$0x10E00] =	vst v63  }
0x2c: {  	s0 =	simm.s32 $0x0  }
0x2d: {  	[tilespmem:s25], [sflag:$0x4] =	stream.indirect.gather [hbm4b:s3+s10], $0x10, s24, s10, $0xb8;
	[tilespmem:$0x10E00] =	vst v63  }
.LBB2_2:
0x2e: {  	s13 =	simm.s32 $0x0  }
0x2f: {  	s12 =	sshll.u32 s0, $0x2;
	v27 =	vmov s13  }
0x30: {  	_ =	swait.ge [sflag:s26], $0x640;
	v26 =	vmov s12;
	v29 =	vand.u32 $0xF, v27  }
0x31: {  	[sflag:s26] =	ssyncset.done $0x0;
	v33 =	vshll.u32 v26, $0x5;
	v27 =	vor.u32 v1, v29  }
0x32: {  	[sflag:s26] =	ssyncadd.s32 $0xFFFFF9C0;
	v28 =	vor.u32 v33, v29  }
0x33: {  	_ =	swait.ge [sflag:s26], $0x640;
	v30 =	vor.u32 v2, v29  }
0x34: {  	v32 =	vor.u32 v8, v29;
	[sflag:s26] =	ssyncset.done $0x0  }
0x35: {  	v34 =	vor.u32 v9, v29;
	[sflag:s26] =	ssyncadd.s32 $0xFFFFF9C0  }
0x36: {  	v35 =	vor.u32 $0x10, v33;
	v38 =	vor.u32 v10, v29;
	v37 =	vld.idx.msk [tilespmem:v27+s11+$0x0], $0xffff  }
0x37: {  	v31 =	vor.u32 s13, v35;
	v27 =	vld.idx.msk [tilespmem:v28+s9+$0x0], $0xffff  }
0x38: {  	v39 =	vor.u32 v13, v29;
	v30 =	vld.idx.msk [tilespmem:v30+s11+$0x0], $0xffff  }
0x39: {  	v40 =	vor.u32 v5, v29;
	v43 =	vld.idx.msk [tilespmem:v32+s11+$0x0], $0xffff  }
0x3a: {  	v36 =	vimm.f32 $0.0e+00;
	v42 =	vimm.f32 $0.0e+00;
	v53 =	vld.idx.msk [tilespmem:v34+s11+$0x0], $0xffff  }
0x3b: {  	v41 =	vimm.f32 $0.0e+00;
	v46 =	vor.u32 v6, v29;
	v61 =	vor.u32 v7, v29;
	v51 =	vld.idx.msk [tilespmem:v38+s11+$0x0], $0xffff  }
0x3c: {  	v45 =	vor.u32 v11, v29;
	v48 =	vor.u32 v3, v29;
	v52 =	vor.u32 v12, v29;
	v28 =	vld.idx.msk [tilespmem:v31+s9+$0x0], $0xffff  }
0x3d: {  	v50 =	vld.idx.msk [tilespmem:v39+s11+$0x0], $0xffff;
	v38 =	vimm.f32 $0.0e+00;
	v39 =	vimm.f32 $0.0e+00;
	v31 =	vor.u32 v4, v29  }
0x3e: {  	v49 =	vld.idx.msk [tilespmem:v40+s11+$0x0], $0xffff;
	v32 =	vimm.f32 $0.0e+00;
	v40 =	vimm.f32 $0.0e+00;
	v62 =	vunpack.i.l.bf16.f32 v37  }
0x3f: {  	v29 =	vunpack.i.u.bf16.f32 v37;
	v63 =	vunpack.i.u.bf16.f32 v30;
	v30 =	vunpack.i.l.bf16.f32 v30  }
0x40: {  	v47 =	vunpack.i.u.bf16.f32 v43;
	v58 =	vunpack.i.l.bf16.f32 v53;
	v34 =	vmul.f32 v62, v27  }
0x41: {  	v56 =	vld.idx.msk [tilespmem:v61+s11+$0x0], $0xffff;
	v37 =	vimm.f32 $0.0e+00;
	v59 =	vmul.f32 v29, v28;
	v54 =	vmul.f32 v63, v28  }
0x42: {  	v57 =	vmul.f32 v30, v27;
	v55 =	vld.idx.msk [tilespmem:v31+s11+$0x0], $0xffff;
	v29 =	vimm.f32 $0.0e+00;
	v44 =	vadd.f32 v34, v36  }
0x43: {  	s13 =	simm.s32 $0x1;
	v46 =	vld.idx.msk [tilespmem:v46+s11+$0x0], $0xffff;
	v31 =	vimm.f32 $0.0e+00;
	v30 =	vimm.f32 $0.0e+00;
	v34 =	vimm.f32 $0.0e+00  }
.LBB2_3:
0x44: {  	p0 =	sne.s32 s13, $0xF;
	v44 =	vadd.f32 v44, v59;
	v48 =	vld.idx.msk [tilespmem:v48+s11+$0x0], $0xffff;
	v53 =	vunpack.i.u.bf16.f32 v53;
	v59 =	vunpack.i.u.bf16.f32 v51;
	s14 =	smov.u32 s13;
	s13 =	sadd.s32 $0x1, s13  }
0x45: {  	v61 =	vunpack.i.l.bf16.f32 v50;
	v60 =	vor.u32 s14, v35;
	v59 =	vmul.f32 v59, v28;
	v52 =	vld.idx.msk [tilespmem:v52+s11+$0x0], $0xffff  }
0x46: {  	v51 =	vunpack.i.l.bf16.f32 v51;
	v62 =	vunpack.i.u.bf16.f32 v56;
	v56 =	vunpack.i.l.bf16.f32 v56  }
0x47: {  	v58 =	vmul.f32 v58, v27;
	v36 =	vadd.f32 v57, v36;
	v57 =	vunpack.i.u.bf16.f32 v55;
	v45 =	vld.idx.msk [tilespmem:v45+s11+$0x0], $0xffff  }
0x48: {  	v50 =	vunpack.i.u.bf16.f32 v50;
	v51 =	vmul.f32 v51, v27;
	v55 =	vunpack.i.l.bf16.f32 v55  }
0x49: {  	v62 =	vmul.f32 v62, v28;
	v36 =	vadd.f32 v36, v54;
	v54 =	vunpack.i.l.bf16.f32 v46  }
0x4a: {  	v56 =	vmul.f32 v56, v27;
	v63 =	vunpack.i.l.bf16.f32 v49;
	v38 =	vadd.f32 v51, v38  }
0x4b: {  	v61 =	vmul.f32 v61, v27;
	v51 =	vunpack.i.l.bf16.f32 v43;
	v43 =	vunpack.i.l.bf16.f32 v52  }
0x4c: {  	v63 =	vmul.f32 v63, v27;
	v39 =	vadd.f32 v56, v39;
	v38 =	vadd.f32 v38, v59  }
0x4d: {  	v50 =	vmul.f32 v50, v28;
	v49 =	vunpack.i.u.bf16.f32 v49;
	v56 =	vunpack.i.u.bf16.f32 v45  }
0x4e: {  	v42 =	vadd.f32 v58, v42;
	v49 =	vmul.f32 v49, v28;
	v59 =	vunpack.i.u.bf16.f32 v48  }
0x4f: {  	v47 =	vmul.f32 v47, v28;
	v37 =	vadd.f32 v63, v37;
	v39 =	vadd.f32 v39, v62  }
0x50: {  	v54 =	vmul.f32 v54, v27;
	v58 =	vmul.f32 v59, v28;
	v59 =	vunpack.i.l.bf16.f32 v45  }
0x51: {  	v57 =	vmul.f32 v57, v28;
	v46 =	vunpack.i.u.bf16.f32 v46;
	v37 =	vadd.f32 v37, v49  }
0x52: {  	v48 =	vunpack.i.l.bf16.f32 v48;
	v45 =	vmov s14;
	v49 =	vunpack.i.u.bf16.f32 v52  }
0x53: {  	v41 =	vadd.f32 v54, v41;
	v52 =	vand.u32 $0xF, v45;
	v49 =	vmul.f32 v49, v28  }
0x54: {  	v48 =	vmul.f32 v48, v27;
	v54 =	vor.u32 v1, v52;
	v62 =	vor.u32 v2, v52  }
0x55: {  	v53 =	vmul.f32 v53, v28;
	v63 =	vor.u32 v33, v52;
	v0 =	vor.u32 v4, v52  }
0x56: {  	v32 =	vadd.f32 v61, v32;
	v14 =	vor.u32 v5, v52;
	v15 =	vor.u32 v6, v52  }
0x57: {  	v43 =	vmul.f32 v43, v27;
	v61 =	vor.u32 v8, v52;
	v16 =	vor.u32 v10, v52  }
0x58: {  	v40 =	vadd.f32 v48, v40;
	v17 =	vor.u32 v9, v52;
	v45 =	vor.u32 v11, v52;
	v60 =	vld.idx.msk [tilespmem:v60+s9+$0x0], $0xffff  }
0x59: {  	v29 =	vadd.f32 v43, v29;
	v48 =	vor.u32 v3, v52;
	v18 =	vor.u32 v7, v52;
	v54 =	vld.idx.msk [tilespmem:v54+s11+$0x0], $0xffff  }
0x5a: {  	v55 =	vmul.f32 v55, v27;
	v46 =	vmul.f32 v46, v28;
	v19 =	vor.u32 v13, v52;
	v63 =	vld.idx.msk [tilespmem:v63+s9+$0x0], $0xffff  }
0x5b: {  	v42 =	vadd.f32 v42, v53;
	v20 =	vmul.f32 v56, v28;
	v29 =	vadd.f32 v29, v49;
	v62 =	vld.idx.msk [tilespmem:v62+s11+$0x0], $0xffff  }
0x5c: {  	v21 =	vadd.f32 v55, v34;
	v41 =	vadd.f32 v41, v46;
	v46 =	vmul.f32 v51, v27;
	v43 =	vld.idx.msk [tilespmem:v61+s11+$0x0], $0xffff  }
0x5d: {  	v32 =	vadd.f32 v32, v50;
	v52 =	vor.u32 v12, v52;
	v53 =	vld.idx.msk [tilespmem:v17+s11+$0x0], $0xffff;
	v17 =	vmul.f32 v59, v27  }
0x5e: {  	v34 =	vadd.f32 v21, v57;
	v28 =	vmov v60;
	v51 =	vld.idx.msk [tilespmem:v16+s11+$0x0], $0xffff;
	v16 =	vadd.f32 v46, v31  }
.Ltmp2:
0x5f: {  	v46 =	vunpack.i.u.bf16.f32 v54;
	v21 =	vunpack.i.l.bf16.f32 v54;
	v50 =	vld.idx.msk [tilespmem:v19+s11+$0x0], $0xffff;
	v17 =	vadd.f32 v17, v30;
	(pc) =	sbr.rel @p0 .LBB2_3-.Ltmp2, $4  }
0x60: {  	v40 =	vadd.f32 v40, v58;
	v19 =	vmul.f32 v21, v63;
	v56 =	vld.idx.msk [tilespmem:v18+s11+$0x0], $0xffff;
	v31 =	vadd.f32 v16, v47  }
0x61: {  	v27 =	vmovc v63;
	v16 =	vunpack.i.u.bf16.f32 v62;
	v18 =	vunpack.i.l.bf16.f32 v62;
	v55 =	vld.idx.msk [tilespmem:v0+s11+$0x0], $0xffff;
	v30 =	vadd.f32 v17, v20  }
0x62: {  	v59 =	vmul.f32 v46, v28;
	v44 =	vadd.f32 v19, v44;
	v54 =	vmul.f32 v16, v28;
	v49 =	vld.idx.msk [tilespmem:v14+s11+$0x0], $0xffff  }
0x63: {  	v57 =	vmul.f32 v18, v27;
	v47 =	vunpack.i.u.bf16.f32 v43;
	v58 =	vunpack.i.l.bf16.f32 v53;
	v46 =	vld.idx.msk [tilespmem:v15+s11+$0x0], $0xffff  }
0x64: {  	v58 =	vmul.f32 v58, v27;
	v26 =	vmul.u32 $0xC8, v26  }
0x65: {  	v20 =	vunpack.i.l.bf16.f32 v51;
	v21 =	vlaneseq.u32  }
0x66: {  	v20 =	vmul.f32 v20, v27;
	v42 =	vadd.f32 v58, v42;
	v58 =	vor.u32 v21, v26;
	v21 =	vld [tilespmem:$0x1FF80]  }
0x67: {  	v15 =	vunpack.i.u.bf16.f32 v51  }
0x68: {  	v15 =	vmul.f32 v15, v28;
	v20 =	vadd.f32 v20, v38  }
0x69: {  	v0 =	vadd.f32 v44, v59  }
0x6a: {  	v59 =	vunpack.i.u.bf16.f32 v50;
	v61 =	vunpack.i.l.bf16.f32 v49;
	v15 =	vadd.f32 v20, v15  }
0x6b: {  	v20 =	vunpack.i.u.bf16.f32 v49;
	v49 =	vmul.f32 v59, v28;
	v59 =	vor.u32 v21, v26;
	v21 =	vld [tilespmem:$0x1FF90];
	_ =	sdelay $0x3  }
0x6c: {  	v18 =	vld.idx.msk [tilespmem:v52+s11+$0x0], $0xffff  }
0x6d: {  	v52 =	vmul.f32 v61, v27;
	v61 =	vadd.s32 v21, v26;
	v21 =	vld [tilespmem:$0x1FFA0];
	_ =	sdelay $0x1  }
0x6e: {  	v14 =	vunpack.i.u.bf16.f32 v53;
	v35 =	vld.idx.msk [tilespmem:v48+s11+$0x0], $0xffff;
	v17 =	vunpack.i.u.bf16.f32 v56  }
0x6f: {  	v45 =	vld.idx.msk [tilespmem:v45+s11+$0x0], $0xffff;
	v33 =	vadd.f32 v57, v36;
	v14 =	vmul.f32 v14, v28;
	v57 =	vunpack.i.u.bf16.f32 v55  }
0x70: {  	v48 =	vunpack.i.l.bf16.f32 v55;
	v17 =	vmul.f32 v17, v28;
	v62 =	vunpack.i.l.bf16.f32 v18  }
0x71: {  	v38 =	vunpack.i.l.bf16.f32 v43;
	v43 =	vmul.f32 v62, v27;
	v62 =	vadd.s32 v21, v26;
	v21 =	vld [tilespmem:$0x1FFB0]  }
0x72: {  	v33 =	vadd.f32 v33, v54;
	v54 =	vmul.f32 v47, v28;
	v36 =	vmul.f32 v57, v28  }
0x73: {  	v57 =	vunpack.i.u.bf16.f32 v46;
	v20 =	vmul.f32 v20, v28;
	v37 =	vadd.f32 v52, v37  }
0x74: {  	v63 =	vunpack.i.u.bf16.f32 v45;
	v53 =	vunpack.i.u.bf16.f32 v35;
	v18 =	vunpack.i.u.bf16.f32 v18  }
0x75: {  	v55 =	vmul.f32 v53, v28;
	v18 =	vmul.f32 v18, v28;
	v20 =	vadd.f32 v37, v20  }
0x76: {  	v37 =	vmul.f32 v57, v28;
	v28 =	vmul.f32 v63, v28;
	v63 =	vadd.s32 v21, v26;
	v21 =	vld [tilespmem:$0x1FFD0];
	_ =	sdelay $0x4  }
0x77: {  	v47 =	vadd.s32 v21, v26;
	v21 =	vld [tilespmem:$0x1FFE0];
	_ =	sdelay $0x1  }
0x78: {  	v19 =	vunpack.i.l.bf16.f32 v56;
	v35 =	vunpack.i.l.bf16.f32 v35;
	[tilespmem:v58+s28+$0x0] =	vst.idx.msk $0xffff, v0;
	v0 =	vld [tilespmem:$0x1FFC0]  }
0x79: {  	v19 =	vmul.f32 v19, v27;
	v60 =	vunpack.i.l.bf16.f32 v46;
	v35 =	vmul.f32 v35, v27  }
0x7a: {  	v16 =	vunpack.i.l.bf16.f32 v50;
	v56 =	vmul.f32 v60, v27;
	v60 =	vmul.f32 v48, v27  }
0x7b: {  	v19 =	vadd.f32 v19, v39;
	v35 =	vadd.f32 v35, v40;
	v51 =	vadd.s32 v21, v26;
	v21 =	vld [tilespmem:$0x1FFF0]  }
0x7c: {  	v16 =	vmul.f32 v16, v27;
	v14 =	vadd.f32 v42, v14;
	v34 =	vadd.f32 v60, v34  }
0x7d: {  	v38 =	vmul.f32 v38, v27;
	v35 =	vadd.f32 v35, v55;
	v0 =	vadd.s32 v0, v26  }
0x7e: {  	v41 =	vadd.f32 v56, v41;
	v34 =	vadd.f32 v34, v36;
	[tilespmem:v59+s28+$0x0] =	vst.idx.msk $0xffff, v33  }
0x7f: {  	v17 =	vadd.f32 v19, v17;
	v31 =	vadd.f32 v38, v31;
	[tilespmem:v61+s28+$0x0] =	vst.idx.msk $0xffff, v35  }
0x80: {  	v52 =	vunpack.i.l.bf16.f32 v45;
	v50 =	vadd.f32 v41, v37;
	[tilespmem:v62+s28+$0x0] =	vst.idx.msk $0xffff, v34;
	v53 =	vadd.s32 v21, v26  }
0x81: {  	v27 =	vmul.f32 v52, v27;
	[tilespmem:v63+s28+$0x0] =	vst.idx.msk $0xffff, v20;
	v20 =	vadd.s32 v22, v26  }
0x82: {  	v19 =	vadd.f32 v31, v54;
	[tilespmem:v0+s28+$0x0] =	vst.idx.msk $0xffff, v50;
	v0 =	vadd.s32 v23, v26  }
0x83: {  	v54 =	vadd.s32 v24, v26;
	v27 =	vadd.f32 v27, v30;
	[tilespmem:v47+s28+$0x0] =	vst.idx.msk $0xffff, v17  }
0x84: {  	v29 =	vadd.f32 v43, v29;
	v55 =	vadd.s32 v25, v26;
	[tilespmem:v51+s28+$0x0] =	vst.idx.msk $0xffff, v19  }
0x85: {  	p0 =	seq.s32 s0, $0x1F;
	v16 =	vadd.f32 v16, v32;
	v26 =	vadd.f32 v27, v28;
	[tilespmem:v53+s28+$0x0] =	vst.idx.msk $0xffff, v14  }
0x86: {  	s13 =	smul.u32 @!p0 $0xD00, s0;
	v14 =	vadd.f32 v29, v18;
	[tilespmem:v20+s28+$0x0] =	vst.idx.msk $0xffff, v15  }
0x87: {  	v15 =	vadd.f32 v16, v49;
	[tilespmem:v0+s28+$0x0] =	vst.idx.msk $0xffff, v26  }
0x88: {  	s13 =	sshra.s32 @!p0 s13, $0x2;
	[tilespmem:v54+s28+$0x0] =	vst.idx.msk $0xffff, v14  }
0x89: {  	s16 =	simm.s32 @!p0 $0x64;
	s17 =	simm.s32 @!p0 $0xDC00;
	s14 =	sadd.s32 @!p0 $0x340, s13;
	[tilespmem:v55+s28+$0x0] =	vst.idx.msk $0xffff, v15  }
0x8a: {  	[tilespmem:s17], [sflag:$0x1] =	stream.indirect.gather @!p0 [hbm4b:s3+s16], $0x10, s14, s16, $0xb8;
	[tilespmem:$0x10E00] =	vst v63  }
0x8b: {  	s14 =	sadd.s32 @!p0 $0x3A8, s13;
	s17 =	simm.s32 @!p0 $0xE240  }
0x8c: {  	[tilespmem:s17], [sflag:$0x1] =	stream.indirect.gather @!p0 [hbm4b:s3+s16], $0x10, s14, s16, $0xb8;
	[tilespmem:$0x10E00] =	vst v63  }
0x8d: {  	s14 =	simm.s32 $0x0  }
0x8e: {  	s17 =	sor.u32 $0x1, s12;
	v0 =	vmov s14  }
0x8f: {  	_ =	swait.ge [sflag:s29], $0x640;
	v26 =	vmov s17;
	v0 =	vand.u32 $0xF, v0  }
0x90: {  	[sflag:s29] =	ssyncset.done $0x0;
	v33 =	vshll.u32 v26, $0x5;
	v14 =	vor.u32 v1, v0  }
0x91: {  	[sflag:s29] =	ssyncadd.s32 $0xFFFFF9C0;
	v15 =	vor.u32 v33, v0  }
0x92: {  	v56 =	vor.u32 v2, v0;
	_ =	swait.ge [sflag:s29], $0x640  }
0x93: {  	v58 =	vor.u32 v8, v0;
	[sflag:s29] =	ssyncset.done $0x0  }
0x94: {  	v35 =	vor.u32 $0x10, v33;
	v59 =	vor.u32 v9, v0;
	[sflag:s29] =	ssyncadd.s32 $0xFFFFF9C0  }
0x95: {  	v57 =	vor.u32 s14, v35;
	v14 =	vld.idx.msk [tilespmem:v14+s15+$0x0], $0xffff  }
0x96: {  	v32 =	vimm.f32 $0.0e+00;
	v60 =	vor.u32 v10, v0;
	v27 =	vld.idx.msk [tilespmem:v15+s9+$0x0], $0xffff  }
0x97: {  	v39 =	vimm.f32 $0.0e+00;
	v42 =	vimm.f32 $0.0e+00;
	v29 =	vor.u32 v13, v0;
	v15 =	vld.idx.msk [tilespmem:v56+s15+$0x0], $0xffff  }
0x98: {  	v38 =	vimm.f32 $0.0e+00;
	v40 =	vimm.f32 $0.0e+00;
	v30 =	vor.u32 v7, v0;
	v43 =	vld.idx.msk [tilespmem:v58+s15+$0x0], $0xffff  }
0x99: {  	v31 =	vimm.f32 $0.0e+00;
	v36 =	vimm.f32 $0.0e+00;
	v61 =	vor.u32 v4, v0;
	v53 =	vld.idx.msk [tilespmem:v59+s15+$0x0], $0xffff  }
0x9a: {  	v37 =	vimm.f32 $0.0e+00;
	v41 =	vimm.f32 $0.0e+00;
	v20 =	vor.u32 v5, v0;
	v28 =	vld.idx.msk [tilespmem:v57+s9+$0x0], $0xffff  }
0x9b: {  	v34 =	vimm.f32 $0.0e+00;
	v62 =	vor.u32 v6, v0;
	v45 =	vor.u32 v11, v0;
	v51 =	vld.idx.msk [tilespmem:v60+s15+$0x0], $0xffff  }
0x9c: {  	v48 =	vor.u32 v3, v0;
	v52 =	vor.u32 v12, v0;
	v50 =	vld.idx.msk [tilespmem:v29+s15+$0x0], $0xffff;
	v63 =	vunpack.i.l.bf16.f32 v14  }
0x9d: {  	v56 =	vld.idx.msk [tilespmem:v30+s15+$0x0], $0xffff;
	v29 =	vimm.f32 $0.0e+00;
	v30 =	vimm.f32 $0.0e+00;
	v19 =	vmul.f32 v63, v27  }
0x9e: {  	v55 =	vld.idx.msk [tilespmem:v61+s15+$0x0], $0xffff;
	v0 =	vunpack.i.u.bf16.f32 v14;
	v14 =	vunpack.i.u.bf16.f32 v15;
	v15 =	vunpack.i.l.bf16.f32 v15  }
0x9f: {  	v49 =	vld.idx.msk [tilespmem:v20+s15+$0x0], $0xffff;
	v47 =	vunpack.i.u.bf16.f32 v43;
	v59 =	vmul.f32 v0, v28;
	v44 =	vadd.f32 v19, v36  }
0xa0: {  	s14 =	simm.s32 $0x1;
	v46 =	vld.idx.msk [tilespmem:v62+s15+$0x0], $0xffff;
	v58 =	vunpack.i.l.bf16.f32 v53;
	v54 =	vmul.f32 v14, v28;
	v57 =	vmul.f32 v15, v27  }
.LBB2_5:
0xa1: {  	p1 =	sne.s32 s14, $0xF;
	v44 =	vadd.f32 v44, v59;
	v0 =	vld.idx.msk [tilespmem:v48+s15+$0x0], $0xffff;
	v14 =	vunpack.i.u.bf16.f32 v53;
	v15 =	vunpack.i.u.bf16.f32 v51;
	s16 =	smov.u32 s14;
	s14 =	sadd.s32 $0x1, s14  }
0xa2: {  	v18 =	vunpack.i.l.bf16.f32 v50;
	v16 =	vor.u32 s16, v35;
	v15 =	vmul.f32 v15, v28;
	v17 =	vld.idx.msk [tilespmem:v52+s15+$0x0], $0xffff  }
0xa3: {  	v48 =	vunpack.i.l.bf16.f32 v51;
	v19 =	vunpack.i.u.bf16.f32 v56;
	v20 =	vunpack.i.l.bf16.f32 v56  }
0xa4: {  	v36 =	vadd.f32 v57, v36;
	v52 =	vmul.f32 v58, v27;
	v51 =	vunpack.i.u.bf16.f32 v55;
	v45 =	vld.idx.msk [tilespmem:v45+s15+$0x0], $0xffff  }
0xa5: {  	v50 =	vunpack.i.u.bf16.f32 v50;
	v48 =	vmul.f32 v48, v27;
	v53 =	vunpack.i.l.bf16.f32 v55  }
0xa6: {  	v19 =	vmul.f32 v19, v28;
	v36 =	vadd.f32 v36, v54;
	v54 =	vunpack.i.l.bf16.f32 v46  }
0xa7: {  	v20 =	vmul.f32 v20, v27;
	v55 =	vunpack.i.l.bf16.f32 v49;
	v38 =	vadd.f32 v48, v38  }
0xa8: {  	v56 =	vunpack.i.l.bf16.f32 v43;
	v18 =	vmul.f32 v18, v27;
	v43 =	vunpack.i.l.bf16.f32 v17  }
0xa9: {  	v48 =	vmul.f32 v55, v27;
	v20 =	vadd.f32 v20, v39;
	v38 =	vadd.f32 v38, v15  }
0xaa: {  	v50 =	vmul.f32 v50, v28;
	v15 =	vunpack.i.u.bf16.f32 v49;
	v49 =	vunpack.i.u.bf16.f32 v45  }
0xab: {  	v42 =	vadd.f32 v52, v42;
	v55 =	vunpack.i.u.bf16.f32 v0;
	v15 =	vmul.f32 v15, v28  }
0xac: {  	v37 =	vadd.f32 v48, v37;
	v39 =	vadd.f32 v20, v19;
	v19 =	vmul.f32 v47, v28  }
0xad: {  	v20 =	vmul.f32 v55, v28;
	v47 =	vmul.f32 v54, v27;
	v54 =	vunpack.i.l.bf16.f32 v45  }
0xae: {  	v55 =	vmul.f32 v51, v28;
	v37 =	vadd.f32 v37, v15;
	v15 =	vunpack.i.u.bf16.f32 v46  }
0xaf: {  	v0 =	vunpack.i.l.bf16.f32 v0;
	v17 =	vunpack.i.u.bf16.f32 v17;
	v45 =	vmov s16  }
0xb0: {  	v17 =	vmul.f32 v17, v28;
	v41 =	vadd.f32 v47, v41;
	v46 =	vand.u32 $0xF, v45  }
0xb1: {  	v0 =	vmul.f32 v0, v27;
	v47 =	vor.u32 v1, v46;
	v51 =	vor.u32 v2, v46  }
0xb2: {  	v14 =	vmul.f32 v14, v28;
	v52 =	vor.u32 v33, v46;
	v57 =	vor.u32 v4, v46  }
0xb3: {  	v18 =	vadd.f32 v18, v32;
	v58 =	vor.u32 v5, v46;
	v60 =	vor.u32 v6, v46  }
0xb4: {  	v43 =	vmul.f32 v43, v27;
	v32 =	vor.u32 v8, v46;
	v59 =	vor.u32 v10, v46  }
0xb5: {  	v0 =	vadd.f32 v0, v40;
	v61 =	vor.u32 v9, v46;
	v45 =	vor.u32 v11, v46;
	v16 =	vld.idx.msk [tilespmem:v16+s9+$0x0], $0xffff  }
0xb6: {  	v29 =	vadd.f32 v43, v29;
	v48 =	vor.u32 v3, v46;
	v40 =	vld.idx.msk [tilespmem:v47+s15+$0x0], $0xffff;
	v47 =	vor.u32 v7, v46  }
0xb7: {  	v15 =	vmul.f32 v15, v28;
	v63 =	vor.u32 v13, v46;
	v62 =	vld.idx.msk [tilespmem:v52+s9+$0x0], $0xffff;
	v52 =	vmul.f32 v53, v27  }
0xb8: {  	v42 =	vadd.f32 v42, v14;
	v14 =	vmul.f32 v49, v28;
	v29 =	vadd.f32 v29, v17;
	v21 =	vld.idx.msk [tilespmem:v51+s15+$0x0], $0xffff  }
0xb9: {  	v41 =	vadd.f32 v41, v15;
	v15 =	vmul.f32 v56, v27;
	v43 =	vld.idx.msk [tilespmem:v32+s15+$0x0], $0xffff;
	v17 =	vadd.f32 v52, v34  }
0xba: {  	v27 =	vmul.f32 v54, v27;
	v52 =	vor.u32 v12, v46;
	v32 =	vadd.f32 v18, v50;
	v53 =	vld.idx.msk [tilespmem:v61+s15+$0x0], $0xffff  }
0xbb: {  	v15 =	vadd.f32 v15, v31;
	v28 =	vmov v16;
	v51 =	vld.idx.msk [tilespmem:v59+s15+$0x0], $0xffff;
	v34 =	vadd.f32 v17, v55  }
.Ltmp3:
0xbc: {  	v18 =	vadd.f32 v27, v30;
	v16 =	vunpack.i.u.bf16.f32 v40;
	v17 =	vunpack.i.l.bf16.f32 v40;
	v50 =	vld.idx.msk [tilespmem:v63+s15+$0x0], $0xffff;
	(pc) =	sbr.rel @p1 .LBB2_5-.Ltmp3, $4  }
0xbd: {  	v31 =	vadd.f32 v15, v19;
	v40 =	vadd.f32 v0, v20;
	v17 =	vmul.f32 v17, v62;
	v56 =	vld.idx.msk [tilespmem:v47+s15+$0x0], $0xffff  }
0xbe: {  	v30 =	vadd.f32 v18, v14;
	v27 =	vmovc v62;
	v0 =	vunpack.i.u.bf16.f32 v21;
	v15 =	vunpack.i.l.bf16.f32 v21;
	v55 =	vld.idx.msk [tilespmem:v57+s15+$0x0], $0xffff  }
0xbf: {  	v59 =	vmul.f32 v16, v28;
	v44 =	vadd.f32 v17, v44;
	v54 =	vmul.f32 v0, v28;
	v49 =	vld.idx.msk [tilespmem:v58+s15+$0x0], $0xffff  }
0xc0: {  	v57 =	vmul.f32 v15, v27;
	v47 =	vunpack.i.u.bf16.f32 v43;
	v58 =	vunpack.i.l.bf16.f32 v53;
	v46 =	vld.idx.msk [tilespmem:v60+s15+$0x0], $0xffff  }
0xc1: {  	_ = 	snop  }
0xc2: {  	v0 =	vadd.f32 v44, v59;
	v14 =	vunpack.i.u.bf16.f32 v53  }
0xc3: {  	v15 =	vunpack.i.u.bf16.f32 v51;
	v16 =	vunpack.i.l.bf16.f32 v50;
	v20 =	vunpack.i.l.bf16.f32 v51  }
0xc4: {  	v59 =	vmul.f32 v58, v27;
	v60 =	vunpack.i.u.bf16.f32 v50;
	v26 =	vmul.u32 $0xC8, v26  }
0xc5: {  	v33 =	vld.idx.msk [tilespmem:v48+s15+$0x0], $0xffff;
	v15 =	vmul.f32 v15, v28;
	v17 =	vunpack.i.u.bf16.f32 v56;
	v19 =	vunpack.i.l.bf16.f32 v56  }
0xc6: {  	v21 =	vadd.f32 v57, v36;
	v20 =	vmul.f32 v20, v27;
	v16 =	vmul.f32 v16, v27  }
0xc7: {  	v48 =	vmul.f32 v60, v28;
	v56 =	vmul.f32 v47, v28;
	v61 =	vunpack.i.l.bf16.f32 v46  }
0xc8: {  	v14 =	vmul.f32 v14, v28;
	v60 =	vlaneseq.u32;
	v58 =	vmul.f32 v61, v27;
	v61 =	vld [tilespmem:$0x1FF80]  }
0xc9: {  	v18 =	vld.idx.msk [tilespmem:v52+s15+$0x0], $0xffff;
	v35 =	vunpack.i.u.bf16.f32 v55;
	v44 =	vunpack.i.l.bf16.f32 v55;
	v17 =	vmul.f32 v17, v28  }
0xca: {  	v19 =	vmul.f32 v19, v27;
	v55 =	vunpack.i.u.bf16.f32 v33;
	v33 =	vunpack.i.l.bf16.f32 v33  }
0xcb: {  	v36 =	vadd.f32 v59, v42;
	v21 =	vadd.f32 v21, v54;
	v33 =	vmul.f32 v33, v27  }
0xcc: {  	v62 =	vunpack.i.l.bf16.f32 v49;
	v59 =	vunpack.i.u.bf16.f32 v46;
	v46 =	vadd.s32 v60, v26  }
0xcd: {  	v45 =	vld.idx.msk [tilespmem:v45+s15+$0x0], $0xffff;
	v20 =	vadd.f32 v20, v38;
	v33 =	vadd.f32 v33, v40;
	v40 =	vadd.s32 v61, v26  }
0xce: {  	v35 =	vmul.f32 v35, v28;
	v51 =	vmul.f32 v62, v27;
	v62 =	vld [tilespmem:$0x1FF90];
	v63 =	vunpack.i.l.bf16.f32 v18  }
0xcf: {  	v38 =	vunpack.i.l.bf16.f32 v43;
	v44 =	vmul.f32 v44, v27;
	v43 =	vmul.f32 v63, v27;
	v63 =	vld [tilespmem:$0x1FFA0]  }
0xd0: {  	v19 =	vadd.f32 v19, v39;
	v15 =	vadd.f32 v20, v15;
	v20 =	vunpack.i.u.bf16.f32 v49;
	v49 =	vld [tilespmem:$0x1FFB0]  }
0xd1: {  	v14 =	vadd.f32 v36, v14;
	v38 =	vmul.f32 v38, v27;
	v18 =	vunpack.i.u.bf16.f32 v18;
	[tilespmem:v46+s28+$0x0] =	vst.idx.msk $0xffff, v0;
	v0 =	vld [tilespmem:$0x1FFC0]  }
0xd2: {  	v34 =	vadd.f32 v44, v34;
	v52 =	vunpack.i.l.bf16.f32 v45;
	v20 =	vmul.f32 v20, v28;
	[tilespmem:v40+s28+$0x0] =	vst.idx.msk $0xffff, v21;
	v21 =	vld [tilespmem:$0x1FFD0]  }
0xd3: {  	v37 =	vadd.f32 v51, v37;
	v17 =	vadd.f32 v19, v17;
	v51 =	vld [tilespmem:$0x1FFE0];
	v47 =	vadd.s32 v62, v26  }
0xd4: {  	v53 =	vld [tilespmem:$0x1FFF0];
	v57 =	vmul.f32 v55, v28;
	v18 =	vmul.f32 v18, v28;
	v36 =	vadd.s32 v63, v26  }
0xd5: {  	v31 =	vadd.f32 v38, v31;
	v41 =	vadd.f32 v58, v41;
	v39 =	vadd.s32 v49, v26  }
0xd6: {  	v34 =	vadd.f32 v34, v35;
	v33 =	vadd.f32 v33, v57;
	v0 =	vadd.s32 v0, v26  }
0xd7: {  	v20 =	vadd.f32 v37, v20;
	v37 =	vmul.f32 v59, v28;
	v21 =	vadd.s32 v21, v26  }
0xd8: {  	v27 =	vmul.f32 v52, v27;
	[tilespmem:v47+s28+$0x0] =	vst.idx.msk $0xffff, v33;
	v33 =	vadd.s32 v51, v26  }
0xd9: {  	v54 =	vunpack.i.u.bf16.f32 v45;
	v50 =	vadd.f32 v41, v37;
	[tilespmem:v36+s28+$0x0] =	vst.idx.msk $0xffff, v34;
	v34 =	vadd.s32 v53, v26  }
0xda: {  	v28 =	vmul.f32 v54, v28;
	[tilespmem:v39+s28+$0x0] =	vst.idx.msk $0xffff, v20;
	v20 =	vadd.s32 v22, v26  }
0xdb: {  	v19 =	vadd.f32 v31, v56;
	[tilespmem:v0+s28+$0x0] =	vst.idx.msk $0xffff, v50;
	v0 =	vadd.s32 v23, v26  }
0xdc: {  	v27 =	vadd.f32 v27, v30;
	v54 =	vadd.s32 v24, v26;
	[tilespmem:v21+s28+$0x0] =	vst.idx.msk $0xffff, v17  }
0xdd: {  	v55 =	vadd.s32 v25, v26;
	v21 =	vadd.f32 v43, v29;
	[tilespmem:v33+s28+$0x0] =	vst.idx.msk $0xffff, v19  }
0xde: {  	v16 =	vadd.f32 v16, v32;
	v26 =	vadd.f32 v27, v28;
	[tilespmem:v34+s28+$0x0] =	vst.idx.msk $0xffff, v14  }
0xdf: {  	v14 =	vadd.f32 v21, v18;
	[tilespmem:v20+s28+$0x0] =	vst.idx.msk $0xffff, v15  }
0xe0: {  	v15 =	vadd.f32 v16, v48;
	[tilespmem:v0+s28+$0x0] =	vst.idx.msk $0xffff, v26  }
0xe1: {  	[tilespmem:v54+s28+$0x0] =	vst.idx.msk $0xffff, v14  }
0xe2: {  	s14 =	sadd.s32 @!p0 $0x410, s13;
	s16 =	simm.s32 @!p0 $0x64;
	s17 =	simm.s32 @!p0 $0xE880;
	[tilespmem:v55+s28+$0x0] =	vst.idx.msk $0xffff, v15  }
0xe3: {  	[tilespmem:s17], [sflag:$0x2] =	stream.indirect.gather @!p0 [hbm4b:s3+s16], $0x10, s14, s16, $0xb8;
	[tilespmem:$0x10E00] =	vst v63  }
0xe4: {  	s14 =	sadd.s32 @!p0 $0x478, s13;
	s17 =	simm.s32 @!p0 $0xEEC0  }
0xe5: {  	[tilespmem:s17], [sflag:$0x2] =	stream.indirect.gather @!p0 [hbm4b:s3+s16], $0x10, s14, s16, $0xb8;
	[tilespmem:$0x10E00] =	vst v63  }
0xe6: {  	s14 =	simm.s32 $0x0  }
0xe7: {  	s17 =	sor.u32 $0x2, s12;
	v0 =	vmov s14  }
0xe8: {  	_ =	swait.ge [sflag:s30], $0x640;
	v26 =	vmov s17;
	v0 =	vand.u32 $0xF, v0  }
0xe9: {  	[sflag:s30] =	ssyncset.done $0x0;
	v33 =	vshll.u32 v26, $0x5;
	v14 =	vor.u32 v1, v0  }
0xea: {  	[sflag:s30] =	ssyncadd.s32 $0xFFFFF9C0;
	v15 =	vor.u32 v33, v0  }
0xeb: {  	v56 =	vor.u32 v2, v0;
	_ =	swait.ge [sflag:s30], $0x640  }
0xec: {  	v58 =	vor.u32 v8, v0;
	[sflag:s30] =	ssyncset.done $0x0  }
0xed: {  	v35 =	vor.u32 $0x10, v33;
	v59 =	vor.u32 v9, v0;
	[sflag:s30] =	ssyncadd.s32 $0xFFFFF9C0  }
0xee: {  	v57 =	vor.u32 s14, v35;
	v14 =	vld.idx.msk [tilespmem:v14+s19+$0x0], $0xffff  }
0xef: {  	v42 =	vimm.f32 $0.0e+00;
	v60 =	vor.u32 v10, v0;
	v27 =	vld.idx.msk [tilespmem:v15+s9+$0x0], $0xffff  }
0xf0: {  	v32 =	vimm.f32 $0.0e+00;
	v38 =	vimm.f32 $0.0e+00;
	v21 =	vor.u32 v13, v0;
	v15 =	vld.idx.msk [tilespmem:v56+s19+$0x0], $0xffff  }
0xf1: {  	v31 =	vimm.f32 $0.0e+00;
	v30 =	vimm.f32 $0.0e+00;
	v29 =	vor.u32 v7, v0;
	v43 =	vld.idx.msk [tilespmem:v58+s19+$0x0], $0xffff  }
0xf2: {  	v37 =	vimm.f32 $0.0e+00;
	v41 =	vimm.f32 $0.0e+00;
	v61 =	vor.u32 v4, v0;
	v53 =	vld.idx.msk [tilespmem:v59+s19+$0x0], $0xffff  }
0xf3: {  	v40 =	vimm.f32 $0.0e+00;
	v36 =	vimm.f32 $0.0e+00;
	v20 =	vor.u32 v5, v0;
	v28 =	vld.idx.msk [tilespmem:v57+s9+$0x0], $0xffff  }
0xf4: {  	v39 =	vimm.f32 $0.0e+00;
	v34 =	vimm.f32 $0.0e+00;
	v62 =	vor.u32 v6, v0;
	v51 =	vld.idx.msk [tilespmem:v60+s19+$0x0], $0xffff  }
0xf5: {  	v45 =	vor.u32 v11, v0;
	v48 =	vor.u32 v3, v0;
	v50 =	vld.idx.msk [tilespmem:v21+s19+$0x0], $0xffff;
	v63 =	vunpack.i.l.bf16.f32 v14  }
0xf6: {  	v52 =	vor.u32 v12, v0;
	v56 =	vld.idx.msk [tilespmem:v29+s19+$0x0], $0xffff;
	v29 =	vimm.f32 $0.0e+00;
	v19 =	vmul.f32 v63, v27  }
0xf7: {  	v55 =	vld.idx.msk [tilespmem:v61+s19+$0x0], $0xffff;
	v0 =	vunpack.i.u.bf16.f32 v14;
	v14 =	vunpack.i.u.bf16.f32 v15;
	v15 =	vunpack.i.l.bf16.f32 v15  }
0xf8: {  	v49 =	vld.idx.msk [tilespmem:v20+s19+$0x0], $0xffff;
	v47 =	vunpack.i.u.bf16.f32 v43;
	v59 =	vmul.f32 v0, v28;
	v44 =	vadd.f32 v19, v36  }
0xf9: {  	s14 =	simm.s32 $0x1;
	v46 =	vld.idx.msk [tilespmem:v62+s19+$0x0], $0xffff;
	v58 =	vunpack.i.l.bf16.f32 v53;
	v54 =	vmul.f32 v14, v28;
	v57 =	vmul.f32 v15, v27  }
.LBB2_7:
0xfa: {  	p1 =	sne.s32 s14, $0xF;
	v44 =	vadd.f32 v44, v59;
	v0 =	vld.idx.msk [tilespmem:v48+s19+$0x0], $0xffff;
	v14 =	vunpack.i.u.bf16.f32 v53;
	v15 =	vunpack.i.u.bf16.f32 v51;
	s16 =	smov.u32 s14;
	s14 =	sadd.s32 $0x1, s14  }
0xfb: {  	v18 =	vunpack.i.l.bf16.f32 v50;
	v16 =	vor.u32 s16, v35;
	v15 =	vmul.f32 v15, v28;
	v17 =	vld.idx.msk [tilespmem:v52+s19+$0x0], $0xffff  }
0xfc: {  	v21 =	vunpack.i.l.bf16.f32 v51;
	v19 =	vunpack.i.u.bf16.f32 v56;
	v20 =	vunpack.i.l.bf16.f32 v56  }
0xfd: {  	v51 =	vmul.f32 v58, v27;
	v36 =	vadd.f32 v57, v36;
	v48 =	vunpack.i.u.bf16.f32 v55;
	v45 =	vld.idx.msk [tilespmem:v45+s19+$0x0], $0xffff  }
0xfe: {  	v50 =	vunpack.i.u.bf16.f32 v50;
	v21 =	vmul.f32 v21, v27;
	v52 =	vunpack.i.l.bf16.f32 v55  }
0xff: {  	v19 =	vmul.f32 v19, v28;
	v36 =	vadd.f32 v36, v54;
	v53 =	vunpack.i.l.bf16.f32 v46  }
0x100: {  	v20 =	vmul.f32 v20, v27;
	v54 =	vunpack.i.l.bf16.f32 v49;
	v21 =	vadd.f32 v21, v38  }
0x101: {  	v18 =	vmul.f32 v18, v27;
	v55 =	vunpack.i.l.bf16.f32 v43;
	v43 =	vunpack.i.l.bf16.f32 v17  }
0x102: {  	v54 =	vmul.f32 v54, v27;
	v20 =	vadd.f32 v20, v39;
	v38 =	vadd.f32 v21, v15  }
0x103: {  	v15 =	vunpack.i.u.bf16.f32 v49;
	v49 =	vmul.f32 v50, v28;
	v21 =	vunpack.i.u.bf16.f32 v45  }
0x104: {  	v42 =	vadd.f32 v51, v42;
	v50 =	vunpack.i.u.bf16.f32 v0;
	v15 =	vmul.f32 v15, v28  }
0x105: {  	v37 =	vadd.f32 v54, v37;
	v39 =	vadd.f32 v20, v19;
	v19 =	vmul.f32 v47, v28  }
0x106: {  	v20 =	vmul.f32 v50, v28;
	v47 =	vmul.f32 v53, v27;
	v50 =	vunpack.i.l.bf16.f32 v45  }
0x107: {  	v54 =	vmul.f32 v48, v28;
	v37 =	vadd.f32 v37, v15;
	v15 =	vunpack.i.u.bf16.f32 v46  }
0x108: {  	v0 =	vunpack.i.l.bf16.f32 v0;
	v17 =	vunpack.i.u.bf16.f32 v17;
	v45 =	vmov s16  }
0x109: {  	v17 =	vmul.f32 v17, v28;
	v41 =	vadd.f32 v47, v41;
	v46 =	vand.u32 $0xF, v45  }
0x10a: {  	v0 =	vmul.f32 v0, v27;
	v47 =	vor.u32 v1, v46;
	v51 =	vor.u32 v2, v46  }
0x10b: {  	v14 =	vmul.f32 v14, v28;
	v53 =	vor.u32 v33, v46;
	v57 =	vor.u32 v4, v46  }
0x10c: {  	v18 =	vadd.f32 v18, v32;
	v58 =	vor.u32 v5, v46;
	v60 =	vor.u32 v6, v46  }
0x10d: {  	v43 =	vmul.f32 v43, v27;
	v32 =	vor.u32 v8, v46;
	v56 =	vor.u32 v10, v46  }
0x10e: {  	v0 =	vadd.f32 v0, v40;
	v59 =	vor.u32 v9, v46;
	v45 =	vor.u32 v11, v46;
	v16 =	vld.idx.msk [tilespmem:v16+s9+$0x0], $0xffff  }
0x10f: {  	v29 =	vadd.f32 v43, v29;
	v48 =	vor.u32 v3, v46;
	v40 =	vld.idx.msk [tilespmem:v47+s19+$0x0], $0xffff;
	v47 =	vor.u32 v7, v46  }
0x110: {  	v52 =	vmul.f32 v52, v27;
	v15 =	vmul.f32 v15, v28;
	v62 =	vor.u32 v13, v46;
	v61 =	vld.idx.msk [tilespmem:v53+s9+$0x0], $0xffff  }
0x111: {  	v42 =	vadd.f32 v42, v14;
	v14 =	vmul.f32 v21, v28;
	v29 =	vadd.f32 v29, v17;
	v63 =	vld.idx.msk [tilespmem:v51+s19+$0x0], $0xffff  }
0x112: {  	v17 =	vadd.f32 v52, v34;
	v41 =	vadd.f32 v41, v15;
	v15 =	vmul.f32 v55, v27;
	v43 =	vld.idx.msk [tilespmem:v32+s19+$0x0], $0xffff  }
0x113: {  	v21 =	vmul.f32 v50, v27;
	v52 =	vor.u32 v12, v46;
	v32 =	vadd.f32 v18, v49;
	v53 =	vld.idx.msk [tilespmem:v59+s19+$0x0], $0xffff  }
0x114: {  	v34 =	vadd.f32 v17, v54;
	v15 =	vadd.f32 v15, v31;
	v28 =	vmov v16;
	v51 =	vld.idx.msk [tilespmem:v56+s19+$0x0], $0xffff  }
.Ltmp4:
0x115: {  	v18 =	vadd.f32 v21, v30;
	v16 =	vunpack.i.u.bf16.f32 v40;
	v17 =	vunpack.i.l.bf16.f32 v40;
	v50 =	vld.idx.msk [tilespmem:v62+s19+$0x0], $0xffff;
	(pc) =	sbr.rel @p1 .LBB2_7-.Ltmp4, $4  }
0x116: {  	v31 =	vadd.f32 v15, v19;
	v40 =	vadd.f32 v0, v20;
	v17 =	vmul.f32 v17, v61;
	v56 =	vld.idx.msk [tilespmem:v47+s19+$0x0], $0xffff  }
0x117: {  	v30 =	vadd.f32 v18, v14;
	v27 =	vmovc v61;
	v0 =	vunpack.i.u.bf16.f32 v63;
	v15 =	vunpack.i.l.bf16.f32 v63;
	v55 =	vld.idx.msk [tilespmem:v57+s19+$0x0], $0xffff  }
0x118: {  	v59 =	vmul.f32 v16, v28;
	v44 =	vadd.f32 v17, v44;
	v54 =	vmul.f32 v0, v28;
	v49 =	vld.idx.msk [tilespmem:v58+s19+$0x0], $0xffff  }
0x119: {  	v57 =	vmul.f32 v15, v27;
	v47 =	vunpack.i.u.bf16.f32 v43;
	v58 =	vunpack.i.l.bf16.f32 v53;
	v46 =	vld.idx.msk [tilespmem:v60+s19+$0x0], $0xffff  }
0x11a: {  	_ = 	snop  }
0x11b: {  	v0 =	vadd.f32 v44, v59;
	v14 =	vunpack.i.u.bf16.f32 v53  }
0x11c: {  	v15 =	vunpack.i.u.bf16.f32 v51;
	v16 =	vunpack.i.l.bf16.f32 v50;
	v20 =	vunpack.i.l.bf16.f32 v51  }
0x11d: {  	v59 =	vmul.f32 v58, v27;
	v60 =	vunpack.i.u.bf16.f32 v50;
	v26 =	vmul.u32 $0xC8, v26  }
0x11e: {  	v33 =	vld.idx.msk [tilespmem:v48+s19+$0x0], $0xffff;
	v15 =	vmul.f32 v15, v28;
	v17 =	vunpack.i.u.bf16.f32 v56;
	v19 =	vunpack.i.l.bf16.f32 v56  }
0x11f: {  	v21 =	vadd.f32 v57, v36;
	v20 =	vmul.f32 v20, v27;
	v16 =	vmul.f32 v16, v27  }
0x120: {  	v48 =	vmul.f32 v60, v28;
	v56 =	vmul.f32 v47, v28;
	v61 =	vunpack.i.l.bf16.f32 v46  }
0x121: {  	v14 =	vmul.f32 v14, v28;
	v60 =	vlaneseq.u32;
	v58 =	vmul.f32 v61, v27;
	v61 =	vld [tilespmem:$0x1FF80]  }
0x122: {  	v18 =	vld.idx.msk [tilespmem:v52+s19+$0x0], $0xffff;
	v35 =	vunpack.i.u.bf16.f32 v55;
	v44 =	vunpack.i.l.bf16.f32 v55;
	v17 =	vmul.f32 v17, v28  }
0x123: {  	v19 =	vmul.f32 v19, v27;
	v55 =	vunpack.i.u.bf16.f32 v33;
	v33 =	vunpack.i.l.bf16.f32 v33  }
0x124: {  	v36 =	vadd.f32 v59, v42;
	v21 =	vadd.f32 v21, v54;
	v33 =	vmul.f32 v33, v27  }
0x125: {  	v62 =	vunpack.i.l.bf16.f32 v49;
	v59 =	vunpack.i.u.bf16.f32 v46;
	v46 =	vor.u32 v60, v26  }
0x126: {  	v45 =	vld.idx.msk [tilespmem:v45+s19+$0x0], $0xffff;
	v20 =	vadd.f32 v20, v38;
	v33 =	vadd.f32 v33, v40;
	v40 =	vadd.s32 v61, v26  }
0x127: {  	v35 =	vmul.f32 v35, v28;
	v51 =	vmul.f32 v62, v27;
	v62 =	vld [tilespmem:$0x1FF90];
	v63 =	vunpack.i.l.bf16.f32 v18  }
0x128: {  	v38 =	vunpack.i.l.bf16.f32 v43;
	v44 =	vmul.f32 v44, v27;
	v43 =	vmul.f32 v63, v27;
	v63 =	vld [tilespmem:$0x1FFA0]  }
0x129: {  	v19 =	vadd.f32 v19, v39;
	v15 =	vadd.f32 v20, v15;
	v20 =	vunpack.i.u.bf16.f32 v49;
	v49 =	vld [tilespmem:$0x1FFB0]  }
0x12a: {  	v14 =	vadd.f32 v36, v14;
	v38 =	vmul.f32 v38, v27;
	v18 =	vunpack.i.u.bf16.f32 v18;
	[tilespmem:v46+s28+$0x0] =	vst.idx.msk $0xffff, v0;
	v0 =	vld [tilespmem:$0x1FFC0]  }
0x12b: {  	v34 =	vadd.f32 v44, v34;
	v52 =	vunpack.i.l.bf16.f32 v45;
	v20 =	vmul.f32 v20, v28;
	[tilespmem:v40+s28+$0x0] =	vst.idx.msk $0xffff, v21;
	v21 =	vld [tilespmem:$0x1FFD0]  }
0x12c: {  	v37 =	vadd.f32 v51, v37;
	v17 =	vadd.f32 v19, v17;
	v51 =	vld [tilespmem:$0x1FFE0];
	v47 =	vadd.s32 v62, v26  }
0x12d: {  	v53 =	vld [tilespmem:$0x1FFF0];
	v57 =	vmul.f32 v55, v28;
	v18 =	vmul.f32 v18, v28;
	v36 =	vadd.s32 v63, v26  }
0x12e: {  	v31 =	vadd.f32 v38, v31;
	v41 =	vadd.f32 v58, v41;
	v39 =	vadd.s32 v49, v26  }
0x12f: {  	v34 =	vadd.f32 v34, v35;
	v33 =	vadd.f32 v33, v57;
	v0 =	vadd.s32 v0, v26  }
0x130: {  	v20 =	vadd.f32 v37, v20;
	v37 =	vmul.f32 v59, v28;
	v21 =	vadd.s32 v21, v26  }
0x131: {  	v27 =	vmul.f32 v52, v27;
	[tilespmem:v47+s28+$0x0] =	vst.idx.msk $0xffff, v33;
	v33 =	vadd.s32 v51, v26  }
0x132: {  	v54 =	vunpack.i.u.bf16.f32 v45;
	v50 =	vadd.f32 v41, v37;
	[tilespmem:v36+s28+$0x0] =	vst.idx.msk $0xffff, v34;
	v34 =	vadd.s32 v53, v26  }
0x133: {  	v28 =	vmul.f32 v54, v28;
	[tilespmem:v39+s28+$0x0] =	vst.idx.msk $0xffff, v20;
	v20 =	vadd.s32 v22, v26  }
0x134: {  	v19 =	vadd.f32 v31, v56;
	[tilespmem:v0+s28+$0x0] =	vst.idx.msk $0xffff, v50;
	v0 =	vadd.s32 v23, v26  }
0x135: {  	v27 =	vadd.f32 v27, v30;
	v54 =	vadd.s32 v24, v26;
	[tilespmem:v21+s28+$0x0] =	vst.idx.msk $0xffff, v17  }
0x136: {  	v55 =	vadd.s32 v25, v26;
	v21 =	vadd.f32 v43, v29;
	[tilespmem:v33+s28+$0x0] =	vst.idx.msk $0xffff, v19  }
0x137: {  	v16 =	vadd.f32 v16, v32;
	v26 =	vadd.f32 v27, v28;
	[tilespmem:v34+s28+$0x0] =	vst.idx.msk $0xffff, v14  }
0x138: {  	v14 =	vadd.f32 v21, v18;
	[tilespmem:v20+s28+$0x0] =	vst.idx.msk $0xffff, v15  }
0x139: {  	v15 =	vadd.f32 v16, v48;
	[tilespmem:v0+s28+$0x0] =	vst.idx.msk $0xffff, v26  }
0x13a: {  	s14 =	sadd.s32 @!p0 $0x4E0, s13;
	[tilespmem:v54+s28+$0x0] =	vst.idx.msk $0xffff, v14  }
0x13b: {  	s16 =	simm.s32 @!p0 $0x64;
	s17 =	simm.s32 @!p0 $0xF500;
	s13 =	sadd.s32 @!p0 $0x548, s13;
	[tilespmem:v55+s28+$0x0] =	vst.idx.msk $0xffff, v15  }
0x13c: {  	[tilespmem:s17], [sflag:$0x3] =	stream.indirect.gather @!p0 [hbm4b:s3+s16], $0x10, s14, s16, $0xb8;
	[tilespmem:$0x10E00] =	vst v63  }
0x13d: {  	s12 =	sor.u32 $0x3, s12;
	s14 =	simm.s32 @!p0 $0xFB40;
	s17 =	simm.s32 $0x0  }
0x13e: {  	v0 =	vmov s17;
	[tilespmem:s14], [sflag:$0x3] =	stream.indirect.gather @!p0 [hbm4b:s3+s16], $0x10, s13, s16, $0xb8;
	[tilespmem:$0x10E00] =	vst v63  }
0x13f: {  	v26 =	vmov s12;
	v0 =	vand.u32 $0xF, v0;
	_ =	swait.ge [sflag:s31], $0x640  }
0x140: {  	v33 =	vshll.u32 v26, $0x5;
	v14 =	vor.u32 v1, v0;
	[sflag:s31] =	ssyncset.done $0x0  }
0x141: {  	v15 =	vor.u32 v33, v0;
	[sflag:s31] =	ssyncadd.s32 $0xFFFFF9C0  }
0x142: {  	v35 =	vor.u32 $0x10, v33;
	v56 =	vor.u32 v2, v0;
	_ =	swait.ge [sflag:s31], $0x640  }
0x143: {  	v57 =	vor.u32 s17, v35;
	[sflag:s31] =	ssyncset.done $0x0  }
0x144: {  	v58 =	vor.u32 v8, v0;
	[sflag:s31] =	ssyncadd.s32 $0xFFFFF9C0  }
0x145: {  	v59 =	vor.u32 v9, v0;
	v14 =	vld.idx.msk [tilespmem:v14+s23+$0x0], $0xffff  }
0x146: {  	v42 =	vimm.f32 $0.0e+00;
	v60 =	vor.u32 v10, v0;
	v27 =	vld.idx.msk [tilespmem:v15+s9+$0x0], $0xffff  }
0x147: {  	v32 =	vimm.f32 $0.0e+00;
	v38 =	vimm.f32 $0.0e+00;
	v21 =	vor.u32 v13, v0;
	v15 =	vld.idx.msk [tilespmem:v56+s23+$0x0], $0xffff  }
0x148: {  	v31 =	vimm.f32 $0.0e+00;
	v30 =	vimm.f32 $0.0e+00;
	v29 =	vor.u32 v7, v0;
	v28 =	vld.idx.msk [tilespmem:v57+s9+$0x0], $0xffff  }
0x149: {  	v37 =	vimm.f32 $0.0e+00;
	v41 =	vimm.f32 $0.0e+00;
	v61 =	vor.u32 v4, v0;
	v43 =	vld.idx.msk [tilespmem:v58+s23+$0x0], $0xffff  }
0x14a: {  	v40 =	vimm.f32 $0.0e+00;
	v36 =	vimm.f32 $0.0e+00;
	v20 =	vor.u32 v5, v0;
	v53 =	vld.idx.msk [tilespmem:v59+s23+$0x0], $0xffff  }
0x14b: {  	v39 =	vimm.f32 $0.0e+00;
	v34 =	vimm.f32 $0.0e+00;
	v62 =	vor.u32 v6, v0;
	v51 =	vld.idx.msk [tilespmem:v60+s23+$0x0], $0xffff  }
0x14c: {  	v45 =	vor.u32 v11, v0;
	v48 =	vor.u32 v3, v0;
	v50 =	vld.idx.msk [tilespmem:v21+s23+$0x0], $0xffff;
	v63 =	vunpack.i.l.bf16.f32 v14  }
0x14d: {  	v52 =	vor.u32 v12, v0;
	v56 =	vld.idx.msk [tilespmem:v29+s23+$0x0], $0xffff;
	v29 =	vimm.f32 $0.0e+00;
	v19 =	vmul.f32 v63, v27  }
0x14e: {  	v55 =	vld.idx.msk [tilespmem:v61+s23+$0x0], $0xffff;
	v0 =	vunpack.i.u.bf16.f32 v14;
	v14 =	vunpack.i.u.bf16.f32 v15;
	v15 =	vunpack.i.l.bf16.f32 v15  }
0x14f: {  	v49 =	vld.idx.msk [tilespmem:v20+s23+$0x0], $0xffff;
	v47 =	vunpack.i.u.bf16.f32 v43;
	v59 =	vmul.f32 v0, v28;
	v44 =	vadd.f32 v19, v36  }
0x150: {  	s12 =	simm.s32 $0x1;
	v46 =	vld.idx.msk [tilespmem:v62+s23+$0x0], $0xffff;
	v58 =	vunpack.i.l.bf16.f32 v53;
	v54 =	vmul.f32 v14, v28;
	v57 =	vmul.f32 v15, v27  }
.LBB2_9:
0x151: {  	p1 =	sne.s32 s12, $0xF;
	v44 =	vadd.f32 v44, v59;
	v0 =	vld.idx.msk [tilespmem:v48+s23+$0x0], $0xffff;
	v14 =	vunpack.i.u.bf16.f32 v53;
	v15 =	vunpack.i.u.bf16.f32 v51;
	s13 =	smov.u32 s12;
	s12 =	sadd.s32 $0x1, s12  }
0x152: {  	v18 =	vunpack.i.l.bf16.f32 v50;
	v16 =	vor.u32 s13, v35;
	v15 =	vmul.f32 v15, v28;
	v17 =	vld.idx.msk [tilespmem:v52+s23+$0x0], $0xffff  }
0x153: {  	v21 =	vunpack.i.l.bf16.f32 v51;
	v19 =	vunpack.i.u.bf16.f32 v56;
	v20 =	vunpack.i.l.bf16.f32 v56  }
0x154: {  	v51 =	vmul.f32 v58, v27;
	v36 =	vadd.f32 v57, v36;
	v48 =	vunpack.i.u.bf16.f32 v55;
	v45 =	vld.idx.msk [tilespmem:v45+s23+$0x0], $0xffff  }
0x155: {  	v50 =	vunpack.i.u.bf16.f32 v50;
	v21 =	vmul.f32 v21, v27;
	v52 =	vunpack.i.l.bf16.f32 v55  }
0x156: {  	v19 =	vmul.f32 v19, v28;
	v36 =	vadd.f32 v36, v54;
	v53 =	vunpack.i.l.bf16.f32 v46  }
0x157: {  	v20 =	vmul.f32 v20, v27;
	v54 =	vunpack.i.l.bf16.f32 v49;
	v21 =	vadd.f32 v21, v38  }
0x158: {  	v18 =	vmul.f32 v18, v27;
	v55 =	vunpack.i.l.bf16.f32 v43;
	v43 =	vunpack.i.l.bf16.f32 v17  }
0x159: {  	v54 =	vmul.f32 v54, v27;
	v20 =	vadd.f32 v20, v39;
	v38 =	vadd.f32 v21, v15  }
0x15a: {  	v15 =	vunpack.i.u.bf16.f32 v49;
	v49 =	vmul.f32 v50, v28;
	v21 =	vunpack.i.u.bf16.f32 v45  }
0x15b: {  	v42 =	vadd.f32 v51, v42;
	v50 =	vunpack.i.u.bf16.f32 v0;
	v15 =	vmul.f32 v15, v28  }
0x15c: {  	v37 =	vadd.f32 v54, v37;
	v39 =	vadd.f32 v20, v19;
	v19 =	vmul.f32 v47, v28  }
0x15d: {  	v20 =	vmul.f32 v50, v28;
	v47 =	vmul.f32 v53, v27;
	v50 =	vunpack.i.l.bf16.f32 v45  }
0x15e: {  	v54 =	vmul.f32 v48, v28;
	v37 =	vadd.f32 v37, v15;
	v15 =	vunpack.i.u.bf16.f32 v46  }
0x15f: {  	v0 =	vunpack.i.l.bf16.f32 v0;
	v17 =	vunpack.i.u.bf16.f32 v17;
	v45 =	vmov s13  }
0x160: {  	v17 =	vmul.f32 v17, v28;
	v41 =	vadd.f32 v47, v41;
	v46 =	vand.u32 $0xF, v45  }
0x161: {  	v0 =	vmul.f32 v0, v27;
	v47 =	vor.u32 v1, v46;
	v51 =	vor.u32 v2, v46  }
0x162: {  	v14 =	vmul.f32 v14, v28;
	v53 =	vor.u32 v33, v46;
	v57 =	vor.u32 v4, v46  }
0x163: {  	v18 =	vadd.f32 v18, v32;
	v58 =	vor.u32 v5, v46;
	v60 =	vor.u32 v6, v46  }
0x164: {  	v43 =	vmul.f32 v43, v27;
	v32 =	vor.u32 v8, v46;
	v56 =	vor.u32 v10, v46  }
0x165: {  	v0 =	vadd.f32 v0, v40;
	v59 =	vor.u32 v9, v46;
	v45 =	vor.u32 v11, v46;
	v16 =	vld.idx.msk [tilespmem:v16+s9+$0x0], $0xffff  }
0x166: {  	v29 =	vadd.f32 v43, v29;
	v48 =	vor.u32 v3, v46;
	v40 =	vld.idx.msk [tilespmem:v47+s23+$0x0], $0xffff;
	v47 =	vor.u32 v7, v46  }
0x167: {  	v52 =	vmul.f32 v52, v27;
	v15 =	vmul.f32 v15, v28;
	v62 =	vor.u32 v13, v46;
	v61 =	vld.idx.msk [tilespmem:v53+s9+$0x0], $0xffff  }
0x168: {  	v42 =	vadd.f32 v42, v14;
	v14 =	vmul.f32 v21, v28;
	v29 =	vadd.f32 v29, v17;
	v63 =	vld.idx.msk [tilespmem:v51+s23+$0x0], $0xffff  }
0x169: {  	v17 =	vadd.f32 v52, v34;
	v41 =	vadd.f32 v41, v15;
	v15 =	vmul.f32 v55, v27;
	v43 =	vld.idx.msk [tilespmem:v32+s23+$0x0], $0xffff  }
0x16a: {  	v21 =	vmul.f32 v50, v27;
	v52 =	vor.u32 v12, v46;
	v32 =	vadd.f32 v18, v49;
	v53 =	vld.idx.msk [tilespmem:v59+s23+$0x0], $0xffff  }
0x16b: {  	v34 =	vadd.f32 v17, v54;
	v15 =	vadd.f32 v15, v31;
	v28 =	vmov v16;
	v51 =	vld.idx.msk [tilespmem:v56+s23+$0x0], $0xffff  }
.Ltmp5:
0x16c: {  	v18 =	vadd.f32 v21, v30;
	v16 =	vunpack.i.u.bf16.f32 v40;
	v17 =	vunpack.i.l.bf16.f32 v40;
	v50 =	vld.idx.msk [tilespmem:v62+s23+$0x0], $0xffff;
	(pc) =	sbr.rel @p1 .LBB2_9-.Ltmp5, $4  }
0x16d: {  	v31 =	vadd.f32 v15, v19;
	v40 =	vadd.f32 v0, v20;
	v17 =	vmul.f32 v17, v61;
	v56 =	vld.idx.msk [tilespmem:v47+s23+$0x0], $0xffff  }
0x16e: {  	v30 =	vadd.f32 v18, v14;
	v27 =	vmovc v61;
	v0 =	vunpack.i.u.bf16.f32 v63;
	v15 =	vunpack.i.l.bf16.f32 v63;
	v55 =	vld.idx.msk [tilespmem:v57+s23+$0x0], $0xffff  }
0x16f: {  	v59 =	vmul.f32 v16, v28;
	v44 =	vadd.f32 v17, v44;
	v54 =	vmul.f32 v0, v28;
	v49 =	vld.idx.msk [tilespmem:v58+s23+$0x0], $0xffff  }
0x170: {  	v57 =	vmul.f32 v15, v27;
	v47 =	vunpack.i.u.bf16.f32 v43;
	v58 =	vunpack.i.l.bf16.f32 v53;
	v46 =	vld.idx.msk [tilespmem:v60+s23+$0x0], $0xffff  }
0x171: {  	_ =	sdelay $0x1  }
0x172: {  	v0 =	vadd.f32 v44, v59;
	v14 =	vunpack.i.u.bf16.f32 v53  }
0x173: {  	v15 =	vunpack.i.u.bf16.f32 v51;
	v16 =	vunpack.i.l.bf16.f32 v50;
	v20 =	vunpack.i.l.bf16.f32 v51  }
0x174: {  	v18 =	vld.idx.msk [tilespmem:v52+s23+$0x0], $0xffff;
	v63 =	vmul.f32 v58, v27;
	v59 =	vunpack.i.l.bf16.f32 v43;
	v26 =	vmul.u32 $0xC8, v26  }
0x175: {  	v33 =	vld.idx.msk [tilespmem:v48+s23+$0x0], $0xffff;
	v52 =	vlaneseq.u32;
	v15 =	vmul.f32 v15, v28;
	v17 =	vunpack.i.u.bf16.f32 v56  }
0x176: {  	v19 =	vunpack.i.l.bf16.f32 v56;
	v21 =	vadd.f32 v57, v36;
	v20 =	vmul.f32 v20, v27  }
0x177: {  	v56 =	vunpack.i.u.bf16.f32 v50;
	v16 =	vmul.f32 v16, v27;
	v14 =	vmul.f32 v14, v28  }
0x178: {  	v53 =	vld [tilespmem:$0x1FF80];
	v35 =	vunpack.i.u.bf16.f32 v55;
	v55 =	vunpack.i.l.bf16.f32 v55;
	v17 =	vmul.f32 v17, v28  }
0x179: {  	v19 =	vmul.f32 v19, v27;
	v48 =	vmul.f32 v56, v28;
	v58 =	vunpack.i.l.bf16.f32 v49  }
0x17a: {  	v51 =	vmul.f32 v58, v27;
	v62 =	vunpack.i.u.bf16.f32 v33;
	v33 =	vunpack.i.l.bf16.f32 v33  }
0x17b: {  	v36 =	vadd.f32 v63, v42;
	v57 =	vunpack.i.l.bf16.f32 v46;
	v33 =	vmul.f32 v33, v27  }
0x17c: {  	v45 =	vld.idx.msk [tilespmem:v45+s23+$0x0], $0xffff;
	v37 =	vadd.f32 v51, v37;
	v51 =	vunpack.i.u.bf16.f32 v46;
	v46 =	vadd.s32 v52, v26  }
0x17d: {  	v63 =	vmul.f32 v47, v28;
	v33 =	vadd.f32 v33, v40;
	v40 =	vadd.s32 v53, v26  }
0x17e: {  	v21 =	vadd.f32 v21, v54;
	v20 =	vadd.f32 v20, v38;
	v35 =	vmul.f32 v35, v28;
	v54 =	vld [tilespmem:$0x1FF90]  }
0x17f: {  	v56 =	vld [tilespmem:$0x1FFA0];
	v44 =	vmul.f32 v55, v27;
	v38 =	vmul.f32 v59, v27;
	v19 =	vadd.f32 v19, v39  }
0x180: {  	v14 =	vadd.f32 v36, v14;
	v60 =	vunpack.i.l.bf16.f32 v18;
	v50 =	vmul.f32 v57, v27;
	v57 =	vld [tilespmem:$0x1FFB0]  }
0x181: {  	v15 =	vadd.f32 v20, v15;
	v20 =	vunpack.i.u.bf16.f32 v49;
	v61 =	vunpack.i.u.bf16.f32 v45;
	[tilespmem:v46+s28+$0x0] =	vst.idx.msk $0xffff, v0;
	v0 =	vld [tilespmem:$0x1FFC0]  }
0x182: {  	v18 =	vunpack.i.u.bf16.f32 v18;
	v34 =	vadd.f32 v44, v34;
	v31 =	vadd.f32 v38, v31;
	[tilespmem:v40+s28+$0x0] =	vst.idx.msk $0xffff, v21;
	v21 =	vld [tilespmem:$0x1FFD0]  }
0x183: {  	v59 =	vld [tilespmem:$0x1FFE0];
	v20 =	vmul.f32 v20, v28;
	v17 =	vadd.f32 v19, v17;
	v47 =	vadd.s32 v54, v26  }
0x184: {  	v49 =	vmul.f32 v62, v28;
	v55 =	vmul.f32 v61, v28;
	v61 =	vld [tilespmem:$0x1FFF0];
	v36 =	vadd.s32 v56, v26  }
0x185: {  	v18 =	vmul.f32 v18, v28;
	v41 =	vadd.f32 v50, v41;
	v39 =	vadd.s32 v57, v26  }
0x186: {  	v34 =	vadd.f32 v34, v35;
	v33 =	vadd.f32 v33, v49;
	v0 =	vadd.s32 v0, v26  }
0x187: {  	v20 =	vadd.f32 v37, v20;
	v37 =	vmul.f32 v51, v28;
	v21 =	vadd.s32 v21, v26  }
0x188: {  	v43 =	vmul.f32 v60, v27;
	[tilespmem:v47+s28+$0x0] =	vst.idx.msk $0xffff, v33;
	v33 =	vadd.s32 v59, v26  }
0x189: {  	v60 =	vunpack.i.l.bf16.f32 v45;
	v58 =	vadd.f32 v41, v37;
	[tilespmem:v36+s28+$0x0] =	vst.idx.msk $0xffff, v34;
	v34 =	vadd.s32 v61, v26  }
0x18a: {  	v27 =	vmul.f32 v60, v27;
	[tilespmem:v39+s28+$0x0] =	vst.idx.msk $0xffff, v20;
	v20 =	vadd.s32 v22, v26  }
0x18b: {  	v19 =	vadd.f32 v31, v63;
	[tilespmem:v0+s28+$0x0] =	vst.idx.msk $0xffff, v58;
	v0 =	vadd.s32 v23, v26  }
0x18c: {  	v62 =	vadd.s32 v24, v26;
	v27 =	vadd.f32 v27, v30;
	[tilespmem:v21+s28+$0x0] =	vst.idx.msk $0xffff, v17  }
0x18d: {  	v63 =	vadd.s32 v25, v26;
	v21 =	vadd.f32 v43, v29;
	[tilespmem:v33+s28+$0x0] =	vst.idx.msk $0xffff, v19  }
.Ltmp6:
0x18e: {  	v16 =	vadd.f32 v16, v32;
	v26 =	vadd.f32 v27, v55;
	[tilespmem:v34+s28+$0x0] =	vst.idx.msk $0xffff, v14;
	(pc) =	sbr.rel @p0 .LBB2_12-.Ltmp6, $4  }
0x18f: {  	v14 =	vadd.f32 v21, v18;
	[tilespmem:v20+s28+$0x0] =	vst.idx.msk $0xffff, v15  }
0x190: {  	v15 =	vadd.f32 v16, v48;
	[tilespmem:v0+s28+$0x0] =	vst.idx.msk $0xffff, v26  }
0x191: {  	[tilespmem:v62+s28+$0x0] =	vst.idx.msk $0xffff, v14  }
0x192: {  	[tilespmem:v63+s28+$0x0] =	vst.idx.msk $0xffff, v15  }
0x193: {  	s12 =	smul.u32 $0xD00, s0;
	_ =	sdelay $0x1  }
.Ltmp7:
0x194: {  	s12 =	sshra.s32 s12, $0x2;
	(pc) =	sbr.rel .LBB2_2-.Ltmp7, $4  }
0x195: {  	s13 =	sadd.s32 $0x5B0, s12  }
0x196: {  	[tilespmem:s23], [sflag:$0x4] =	stream.indirect.gather [hbm4b:s3+s10], $0x10, s13, s10, $0xb8;
	[tilespmem:$0x10E00] =	vst v63  }
0x197: {  	s0 =	sadd.s32 $0x1, s0;
	s12 =	sadd.s32 $0x618, s12  }
0x198: {  	[tilespmem:s25], [sflag:$0x4] =	stream.indirect.gather [hbm4b:s3+s10], $0x10, s12, s10, $0xb8;
	[tilespmem:$0x10E00] =	vst v63  }
.LBB2_13:
0x199: {  	_ =	sfence.sel $0x180000  }
0x19a: {  	[bflag:$0x0] =	sbarrier.arrive $0xFFFF  }
0x19b: {  	_ =	strace $0x90000047  }
0x19c: {  	s0 =	stileid.u32;
	[bflag:$0x2] =	sbarrier.arrive $0xFFFF  }
0x19d: {  	p0 =	sne.s32 s0, $0x0;
	s0 =	rddreg [dreg:$0x2]  }
0x19e: {  	s0 =	sadd.s32 @!p0 $0x100000, s0  }
0x19f: {  	[sflag:s0] =	ssyncadd.tile.s32 @!p0 $0x1;
	_ =	shalt  }
.Lfunc_end2:
_tile_overlayer_lowered:
.L_overlay_start_2:
0x1a0: {  	(tag) =	ssettag $0x2  }
0x1a1: {  	s0 =	rddreg [dreg:$0x0];
	s2 =	stileid.u32  }
0x1a2: {  	s1 =	rddreg [dreg:$0x1];
	p0 =	sne.s32 s2, $0x0  }
0x1a3: {  	s3 =	rddreg [dreg:$0x2];
	[bflag:$0x3] =	sbarrier.arrive $0xFFFF;
	s2 =	simm.s32 @!p0 $0x1C05  }
0x1a4: {  	[timem:s3], [sflag:s2] =	dma.local @!p0 [hbm:s0], s1  }
0x1a5: {  	s0 =	simm.s32 @!p0 $0x5  }
0x1a6: {  	_ =	swait.ge @!p0 [sflag:s0], s1  }
0x1a7: {  	s1 =	ssub.s32 @!p0 $0x0, s1;
	[sflag:s0] =	ssyncset.done @!p0 $0x0  }
0x1a8: {  	[sflag:s0] =	ssyncadd.s32 @!p0 s1  }
0x1a9: {  	[bflag:$0x3] =	sbarrier.arrive $0xFFFF  }
0x1aa: {  	_ =	shalt  }

</sc_bundles>
